<compile_context>
chip_gen: v7x
topology: tpu7x:2x2x1
jax: 0.10.2.dev20260603
libtpu: 0.0.44.dev20260713+nightly
codegen_flags: <defaults>
</compile_context>

<pallas_src>
import functools

import jax
import jax.numpy as jnp
from jax import lax
from jax.experimental import pallas as pl
from jax.experimental.pallas import tpu as pltpu
from jax.experimental.pallas import tpu_sc as plsc

N_VOX = 500000
CH = 64
B = 8
VOX = 0.0625
BX = 6.0
BY = 6.0
BZ = 3.0

NC = 2
NS = 16
NW = NC * NS
LANES = 16
CHUNK = 8000
PER_W = 16000
N_PAD = NW * PER_W
R_BLK = 16384


def _col(ref, i, j):
    return ref[:, 4 * i + j:4 * i + j + 1]


def _transform_body(inv_ref, hist_ref, out_ref):
    inv_b = inv_ref[...].astype(jnp.bfloat16).astype(jnp.float32)
    hist_b = hist_ref[...].astype(jnp.bfloat16).astype(jnp.float32)
    binv = [[inv_b[:, 4 * i + j:4 * i + j + 1] for j in range(4)]
            for i in range(4)]
    h = [[hist_b[:, 4 * i + j:4 * i + j + 1] for j in range(4)]
         for i in range(4)]
    cols = []
    for i in range(4):
        for k in range(4):
            cols.append(sum(binv[i][j] * h[j][k] for j in range(4)))
    out_ref[...] = jnp.concatenate(cols, axis=1)


def _compute_transform(inv_flat, hist_flat):
    return pl.pallas_call(
        _transform_body,
        out_shape=jax.ShapeDtypeStruct((B, 16), jnp.float32),
    )(inv_flat, hist_flat)


def _sc_body(cx_h, cy_h, cz_h, bi_h, sdf_h, occ_h, t_h,
             hx_h, hy_h, hz_h, mf_h, nb_h, ps_h, po_h,
             cx_v, cy_v, cz_v, bi_v, sdf_v, occ_v,
             hx_v, hy_v, hz_v, mf_v, nb_v, ps_v, po_v, t_v):
    wid = lax.axis_index("s") * NC + lax.axis_index("c")
    pltpu.sync_copy(t_h, t_v)
    for c in range(PER_W // CHUNK):
        base = wid * PER_W + c * CHUNK
        pltpu.sync_copy(cx_h.at[pl.ds(base, CHUNK)], cx_v)
        pltpu.sync_copy(cy_h.at[pl.ds(base, CHUNK)], cy_v)
        pltpu.sync_copy(cz_h.at[pl.ds(base, CHUNK)], cz_v)
        pltpu.sync_copy(bi_h.at[pl.ds(base, CHUNK)], bi_v)
        pltpu.sync_copy(sdf_h.at[pl.ds(base, CHUNK)], sdf_v)
        pltpu.sync_copy(occ_h.at[pl.ds(base, CHUNK)], occ_v)

        def body(i, carry):
            s = i * LANES
            bi = bi_v[pl.ds(s, LANES)]
            nb = lax.rem(bi, B)
            nb16 = nb * 16
            t = [plsc.load_gather(t_v, [nb16 + k]) for k in range(12)]
            cx = cx_v[pl.ds(s, LANES)]
            cy = cy_v[pl.ds(s, LANES)]
            cz = cz_v[pl.ds(s, LANES)]
            hx = cx * t[0] + cy * t[1] + cz * t[2] + t[3]
            hy = cx * t[4] + cy * t[5] + cz * t[6] + t[7]
            hz = cx * t[8] + cy * t[9] + cz * t[10] + t[11]
            m = ((hx >= 0.0) & (hx < BX) & (hy >= 0.0) & (hy < BY)
                 & (hz >= 0.0) & (hz < BZ))
            zero = jnp.zeros((LANES,), jnp.float32)
            hx_v[pl.ds(s, LANES)] = hx
            hy_v[pl.ds(s, LANES)] = hy
            hz_v[pl.ds(s, LANES)] = hz
            mf_v[pl.ds(s, LANES)] = jnp.where(m, 1.0, zero)
            nb_v[pl.ds(s, LANES)] = nb
            ps_v[pl.ds(s, LANES)] = jnp.where(m, sdf_v[pl.ds(s, LANES)], zero)
            po_v[pl.ds(s, LANES)] = jnp.where(m, occ_v[pl.ds(s, LANES)], zero)
            return carry

        lax.fori_loop(0, CHUNK // LANES, body, 0)
        pltpu.sync_copy(hx_v, hx_h.at[pl.ds(base, CHUNK)])
        pltpu.sync_copy(hy_v, hy_h.at[pl.ds(base, CHUNK)])
        pltpu.sync_copy(hz_v, hz_h.at[pl.ds(base, CHUNK)])
        pltpu.sync_copy(mf_v, mf_h.at[pl.ds(base, CHUNK)])
        pltpu.sync_copy(nb_v, nb_h.at[pl.ds(base, CHUNK)])
        pltpu.sync_copy(ps_v, ps_h.at[pl.ds(base, CHUNK)])
        pltpu.sync_copy(po_v, po_h.at[pl.ds(base, CHUNK)])


def _sc_rows(cx, cy, cz, bi, sdf_c, occ_c, t_flat):
    f32 = jnp.float32
    i32 = jnp.int32
    vmem_f = pltpu.VMEM((CHUNK,), f32)
    vmem_i = pltpu.VMEM((CHUNK,), i32)
    mesh = plsc.VectorSubcoreMesh(core_axis_name="c", subcore_axis_name="s")
    fn = functools.partial(
        pl.kernel,
        mesh=mesh,
        compiler_params=pltpu.CompilerParams(needs_layout_passes=False),
        out_type=[
            jax.ShapeDtypeStruct((N_PAD,), f32),
            jax.ShapeDtypeStruct((N_PAD,), f32),
            jax.ShapeDtypeStruct((N_PAD,), f32),
            jax.ShapeDtypeStruct((N_PAD,), f32),
            jax.ShapeDtypeStruct((N_PAD,), i32),
            jax.ShapeDtypeStruct((N_PAD,), f32),
            jax.ShapeDtypeStruct((N_PAD,), f32),
        ],
        scratch_types=[
            vmem_f, vmem_f, vmem_f, vmem_i, vmem_f, vmem_f,
            vmem_f, vmem_f, vmem_f, vmem_f, vmem_i, vmem_f, vmem_f,
            pltpu.VMEM((B * 16,), f32),
        ],
    )(_sc_body)
    return fn(cx, cy, cz, bi, sdf_c, occ_c, t_flat)


FR = 4096
NFULL = N_VOX // FR
TAIL = N_VOX - NFULL * FR
NBUF = 3


def _mask_col(m, rows):
    mrows = m.shape[0]
    mrep = jnp.broadcast_to(m[:, None, :], (mrows, 128, 128))
    mrep = mrep.reshape(mrows * 128, 128)[:rows]
    lane = lax.broadcasted_iota(jnp.int32, (rows, 128), 1)
    row = lax.broadcasted_iota(jnp.int32, (rows, 128), 0)
    sel = (lane == (row % 128)).astype(jnp.float32)
    return jnp.dot(mrep * sel, jnp.ones((128, 1), jnp.float32))


H = FR // 2


def _feat_body(f_hbm, m_hbm, o_hbm, fbuf, mbuf, obuf, in_sem, m_sem, out_sem):
    def in_copies(i, slot):
        return [pltpu.make_async_copy(
            f_hbm.at[pl.ds(i * FR + h * H, H), :],
            fbuf.at[slot, pl.ds(h * H, H)], in_sem.at[slot, h])
            for h in range(2)]

    def out_copies(i, slot):
        return [pltpu.make_async_copy(
            obuf.at[slot, pl.ds(h * H, H)],
            o_hbm.at[pl.ds(i * FR + h * H, H), :], out_sem.at[slot, h])
            for h in range(2)]

    def start_in(i, slot):
        for cp in in_copies(i, slot):
            cp.start()
        pltpu.make_async_copy(
            m_hbm.at[pl.ds(i * (FR // 128), FR // 128), :], mbuf.at[slot],
            m_sem.at[slot]
        ).start()

    for i in range(NBUF):
        start_in(i, i)

    def step(i, carry):
        slot = lax.rem(i, NBUF)
        for cp in in_copies(i, slot):
            cp.wait()
        pltpu.make_async_copy(
            m_hbm.at[pl.ds(i * (FR // 128), FR // 128), :], mbuf.at[slot],
            m_sem.at[slot]
        ).wait()

        @pl.when(i >= NBUF)
        def _():
            for cp in out_copies(i - NBUF, slot):
                cp.wait()

        mcol = _mask_col(mbuf[slot], FR)
        obuf[slot, :, :] = fbuf[slot] * mcol
        for cp in out_copies(i, slot):
            cp.start()

        @pl.when(i + NBUF < NFULL)
        def _():
            start_in(i + NBUF, slot)

        return carry

    lax.fori_loop(0, NFULL, step, 0)

    for k in range(NFULL - NBUF, NFULL):
        for cp in out_copies(k, k % NBUF):
            cp.wait()

    mrows_t = (TAIL + 127) // 128
    pltpu.make_async_copy(
        f_hbm.at[pl.ds(NFULL * FR, TAIL), :], fbuf.at[0, pl.ds(0, TAIL)],
        in_sem.at[0, 0]
    ).start()
    pltpu.make_async_copy(
        m_hbm.at[pl.ds(NFULL * (FR // 128), mrows_t), :],
        mbuf.at[0, pl.ds(0, mrows_t)], m_sem.at[0]
    ).start()
    pltpu.make_async_copy(
        f_hbm.at[pl.ds(NFULL * FR, TAIL), :], fbuf.at[0, pl.ds(0, TAIL)],
        in_sem.at[0, 0]
    ).wait()
    pltpu.make_async_copy(
        m_hbm.at[pl.ds(NFULL * (FR // 128), mrows_t), :],
        mbuf.at[0, pl.ds(0, mrows_t)], m_sem.at[0]
    ).wait()
    mcol_t = _mask_col(mbuf[0, :mrows_t], TAIL)
    obuf[0, :TAIL, :] = fbuf[0, :TAIL] * mcol_t
    pltpu.make_async_copy(
        obuf.at[0, pl.ds(0, TAIL)], o_hbm.at[pl.ds(NFULL * FR, TAIL), :],
        out_sem.at[0, 0]
    ).start()
    pltpu.make_async_copy(
        obuf.at[0, pl.ds(0, TAIL)], o_hbm.at[pl.ds(NFULL * FR, TAIL), :],
        out_sem.at[0, 0]
    ).wait()


def _mask_features(features, mask_rows):
    return pl.pallas_call(
        _feat_body,
        in_specs=[
            pl.BlockSpec(memory_space=pl.ANY),
            pl.BlockSpec(memory_space=pl.ANY),
        ],
        out_specs=pl.BlockSpec(memory_space=pl.ANY),
        out_shape=jax.ShapeDtypeStruct((N_VOX, CH), jnp.float32),
        scratch_shapes=[
            pltpu.VMEM((NBUF, FR, CH), jnp.float32),
            pltpu.VMEM((NBUF, FR // 128, 128), jnp.float32),
            pltpu.VMEM((NBUF, FR, CH), jnp.float32),
            pltpu.SemaphoreType.DMA((NBUF, 2)),
            pltpu.SemaphoreType.DMA((NBUF,)),
            pltpu.SemaphoreType.DMA((NBUF, 2)),
        ],
    )(features, mask_rows)


def kernel(coords, batch_inds, features, sdf, occupancy,
           historical_pose, current_pose):
    n = coords.shape[0]
    pad = N_PAD - n

    inv_current = jnp.linalg.inv(current_pose)
    t_flat = _compute_transform(
        inv_current.reshape(B, 16), historical_pose.reshape(B, 16))

    coords_p = jnp.pad(coords, ((0, pad), (0, 0)))
    cx = coords_p[:, 0]
    cy = coords_p[:, 1]
    cz = coords_p[:, 2]
    bi = jnp.pad(batch_inds, (0, pad))
    sdf_c = jnp.pad(sdf, ((0, pad), (0, 0))).reshape(N_PAD)
    occ_c = jnp.pad(occupancy, ((0, pad), (0, 0))).reshape(N_PAD)

    hx, hy, hz, mf, nb, ps, po = _sc_rows(
        cx, cy, cz, bi, sdf_c, occ_c, t_flat.reshape(B * 16))

    proj_features = _mask_features(features, mf.reshape(N_PAD // 128, 128))

    historical_coords = jnp.stack([hx[:n], hy[:n], hz[:n]], axis=1)
    proj_sdf = ps[:n].reshape(n, 1)
    proj_occupancy = po[:n].reshape(n, 1)
    normalized_batch_inds = nb[:n]
    mask = mf[:n].astype(jnp.bool_)
    return (proj_features, proj_sdf, proj_occupancy, historical_coords,
            normalized_batch_inds, mask)

# --- scband reference (transcript-rebuilt; emitter-appended) ---
"""Pipeline reference for scband-pose-projection-22582938042691 (READ-ONLY COPY).

The authoritative reference and input builder live on the scoring server;
editing this copy changes nothing except your own understanding.
"""

import jax, jax.numpy as jnp
import numpy as np

N_VOXELS = 500000
CHANNELS = 64
BATCH = 8
VOXEL_SIZE = 0.0625
CROP_SIZE = (96, 96, 48)


def setup_inputs(seed: int = 0) -> dict:
    key = jax.random.key(seed)
    ks = jax.random.split(key, 7)
    coords = jax.random.uniform(ks[0], (N_VOXELS, 3), dtype=jnp.float32)
    batch_inds = jax.random.randint(ks[1], (N_VOXELS,), 0, BATCH, dtype=jnp.int32)
    features = jax.random.normal(ks[2], (N_VOXELS, CHANNELS), dtype=jnp.float32)
    sdf = jax.random.normal(ks[3], (N_VOXELS, 1), dtype=jnp.float32)
    occupancy = jax.random.uniform(ks[4], (N_VOXELS, 1), dtype=jnp.float32)
    historical_pose = jax.random.normal(ks[5], (BATCH, 4, 4), dtype=jnp.float32)
    current_pose = jax.random.normal(ks[6], (BATCH, 4, 4), dtype=jnp.float32)
    return {
        "coords": coords,
        "batch_inds": batch_inds,
        "features": features,
        "sdf": sdf,
        "occupancy": occupancy,
        "historical_pose": historical_pose,
        "current_pose": current_pose,
    }


def reference(coords, batch_inds, features, sdf, occupancy, historical_pose, current_pose):
    n_voxels = coords.shape[0]
    batch_size = historical_pose.shape[0]
    # transform = inv(current_pose) @ historical_pose  (per batch element)
    inv_current = jnp.linalg.inv(current_pose)
    transform = jnp.einsum("bij,bjk->bik", inv_current, historical_pose)  # [B,4,4]
    normalized_batch_inds = batch_inds % batch_size
    # gather per-voxel transform (flatten to [B,16] then gather, as in original)
    transform_flat = transform.reshape(batch_size, 16)
    selected_transform = jnp.take(transform_flat, normalized_batch_inds, axis=0).reshape(n_voxels, 4, 4)
    ones = jnp.ones((n_voxels, 1), dtype=jnp.float32)
    coords_h = jnp.concatenate([coords, ones], axis=-1)  # [N,4]
    # bmm(coords_h[:,None,:], T^T).squeeze(1)  ==  row-vector @ T^T
    historical_coords_h = jnp.einsum("ni,nji->nj", coords_h, selected_transform)
    historical_coords = historical_coords_h[:, :3]
    historical_voxel_coords = historical_coords / VOXEL_SIZE
    in_x = (historical_voxel_coords[:, 0] >= 0) & (historical_voxel_coords[:, 0] < CROP_SIZE[0])
    in_y = (historical_voxel_coords[:, 1] >= 0) & (historical_voxel_coords[:, 1] < CROP_SIZE[1])
    in_z = (historical_voxel_coords[:, 2] >= 0) & (historical_voxel_coords[:, 2] < CROP_SIZE[2])
    mask = in_x & in_y & in_z
    # masked scatter: projected[valid] = historical[valid], else 0
    proj_features = jnp.where(mask[:, None], features, jnp.zeros_like(features))
    proj_sdf = jnp.where(mask[:, None], sdf, jnp.zeros_like(sdf))
    proj_occupancy = jnp.where(mask[:, None], occupancy, jnp.zeros_like(occupancy))
    return (proj_features, proj_sdf, proj_occupancy, historical_coords, normalized_batch_inds, mask)

if __name__ == "__main__":
    import jax
    _d = setup_inputs()
    print(jax.jit(kernel)(*tuple(_d.values())))

</pallas_src>

<mosaic_0001>
#map = affine_map<(d0, d1) -> (0)>
module attributes {stable_mosaic.version = 14 : i64} {
  func.func @_sc_body(%arg0: i32, %arg1: i32, %arg2: memref<512000xf32, #tpu.memory_space<hbm>>, %arg3: memref<512000xf32, #tpu.memory_space<hbm>>, %arg4: memref<512000xf32, #tpu.memory_space<hbm>>, %arg5: memref<512000xi32, #tpu.memory_space<hbm>>, %arg6: memref<512000xf32, #tpu.memory_space<hbm>>, %arg7: memref<512000xf32, #tpu.memory_space<hbm>>, %arg8: memref<128xf32, #tpu.memory_space<hbm>>, %arg9: memref<512000xf32, #tpu.memory_space<hbm>>, %arg10: memref<512000xf32, #tpu.memory_space<hbm>>, %arg11: memref<512000xf32, #tpu.memory_space<hbm>>, %arg12: memref<512000xf32, #tpu.memory_space<hbm>>, %arg13: memref<512000xi32, #tpu.memory_space<hbm>>, %arg14: memref<512000xf32, #tpu.memory_space<hbm>>, %arg15: memref<512000xf32, #tpu.memory_space<hbm>>, %arg16: memref<8000xf32, #tpu.memory_space<vmem>>, %arg17: memref<8000xf32, #tpu.memory_space<vmem>>, %arg18: memref<8000xf32, #tpu.memory_space<vmem>>, %arg19: memref<8000xi32, #tpu.memory_space<vmem>>, %arg20: memref<8000xf32, #tpu.memory_space<vmem>>, %arg21: memref<8000xf32, #tpu.memory_space<vmem>>, %arg22: memref<8000xf32, #tpu.memory_space<vmem>>, %arg23: memref<8000xf32, #tpu.memory_space<vmem>>, %arg24: memref<8000xf32, #tpu.memory_space<vmem>>, %arg25: memref<8000xf32, #tpu.memory_space<vmem>>, %arg26: memref<8000xi32, #tpu.memory_space<vmem>>, %arg27: memref<8000xf32, #tpu.memory_space<vmem>>, %arg28: memref<8000xf32, #tpu.memory_space<vmem>>, %arg29: memref<128xf32, #tpu.memory_space<vmem>>) attributes {dimension_semantics = [#tpu.dimension_semantics<core_parallel>, #tpu.dimension_semantics<subcore_parallel>], iteration_bounds = array<i64: 2, 16>, scalar_prefetch = 0 : i64, scratch_operands = 14 : i64, tpu.core_type = #tpu.core_type<sc_vector_subcore>, window_params = [{transform_indices = #map}, {transform_indices = #map}, {transform_indices = #map}, {transform_indices = #map}, {transform_indices = #map}, {transform_indices = #map}, {transform_indices = #map}, {transform_indices = #map}, {transform_indices = #map}, {transform_indices = #map}, {transform_indices = #map}, {transform_indices = #map}, {transform_indices = #map}, {transform_indices = #map}]} {
    %mul3A = arith.constant 2 : i32
    %mul3A_0 = arith.muli %arg1, %mul3A : i32
    %add3A = arith.addi %mul3A_0, %arg0 : i32
    "tpu.region"() ({
      %run_scoped3A = tpu.sem_alloc : memref<!tpu.dma_semaphore, #tpu.memory_space<semaphore_mem>>
      tpu.enqueue_dma source(%arg8 : memref<128xf32, #tpu.memory_space<hbm>>) target(%arg29 : memref<128xf32, #tpu.memory_space<vmem>>) target_semaphore(%run_scoped3A : memref<!tpu.dma_semaphore, #tpu.memory_space<semaphore_mem>>)
      tpu.wait_dma2 semaphore(%run_scoped3A : memref<!tpu.dma_semaphore, #tpu.memory_space<semaphore_mem>>) src(%arg8 : memref<128xf32, #tpu.memory_space<hbm>>) dst(%arg29 : memref<128xf32, #tpu.memory_space<vmem>>)
      tpu.yield
    }) : () -> ()
    %mul3A_1 = arith.constant 16000 : i32
    %mul3A_2 = arith.muli %add3A, %mul3A_1 : i32
    %add3A_3 = arith.constant 0 : i32
    %add3A_4 = arith.addi %mul3A_2, %add3A_3 : i32
    "tpu.region"() ({
      %run_scoped3A = tpu.sem_alloc : memref<!tpu.dma_semaphore, #tpu.memory_space<semaphore_mem>>
      %dma_start3A = tpu.memref_slice %arg2[%add3A_4] : memref<512000xf32, #tpu.memory_space<hbm>> -> memref<8000xf32, #tpu.memory_space<hbm>>
      %dma_start3A_20 = tpu.memref_slice %arg2[%add3A_4] : memref<512000xf32, #tpu.memory_space<hbm>> -> memref<8000xf32, #tpu.memory_space<hbm>>
      tpu.enqueue_dma source(%dma_start3A_20 : memref<8000xf32, #tpu.memory_space<hbm>>) target(%arg16 : memref<8000xf32, #tpu.memory_space<vmem>>) target_semaphore(%run_scoped3A : memref<!tpu.dma_semaphore, #tpu.memory_space<semaphore_mem>>)
      %dma_wait3A = tpu.memref_slice %arg2[%add3A_4] : memref<512000xf32, #tpu.memory_space<hbm>> -> memref<8000xf32, #tpu.memory_space<hbm>>
      %dma_wait3A_21 = tpu.memref_slice %arg2[%add3A_4] : memref<512000xf32, #tpu.memory_space<hbm>> -> memref<8000xf32, #tpu.memory_space<hbm>>
      tpu.wait_dma2 semaphore(%run_scoped3A : memref<!tpu.dma_semaphore, #tpu.memory_space<semaphore_mem>>) src(%dma_wait3A_21 : memref<8000xf32, #tpu.memory_space<hbm>>) dst(%arg16 : memref<8000xf32, #tpu.memory_space<vmem>>)
      tpu.yield
    }) : () -> ()
    "tpu.region"() ({
      %run_scoped3A = tpu.sem_alloc : memref<!tpu.dma_semaphore, #tpu.memory_space<semaphore_mem>>
      %dma_start3A = tpu.memref_slice %arg3[%add3A_4] : memref<512000xf32, #tpu.memory_space<hbm>> -> memref<8000xf32, #tpu.memory_space<hbm>>
      %dma_start3A_20 = tpu.memref_slice %arg3[%add3A_4] : memref<512000xf32, #tpu.memory_space<hbm>> -> memref<8000xf32, #tpu.memory_space<hbm>>
      tpu.enqueue_dma source(%dma_start3A_20 : memref<8000xf32, #tpu.memory_space<hbm>>) target(%arg17 : memref<8000xf32, #tpu.memory_space<vmem>>) target_semaphore(%run_scoped3A : memref<!tpu.dma_semaphore, #tpu.memory_space<semaphore_mem>>)
      %dma_wait3A = tpu.memref_slice %arg3[%add3A_4] : memref<512000xf32, #tpu.memory_space<hbm>> -> memref<8000xf32, #tpu.memory_space<hbm>>
      %dma_wait3A_21 = tpu.memref_slice %arg3[%add3A_4] : memref<512000xf32, #tpu.memory_space<hbm>> -> memref<8000xf32, #tpu.memory_space<hbm>>
      tpu.wait_dma2 semaphore(%run_scoped3A : memref<!tpu.dma_semaphore, #tpu.memory_space<semaphore_mem>>) src(%dma_wait3A_21 : memref<8000xf32, #tpu.memory_space<hbm>>) dst(%arg17 : memref<8000xf32, #tpu.memory_space<vmem>>)
      tpu.yield
    }) : () -> ()
    "tpu.region"() ({
      %run_scoped3A = tpu.sem_alloc : memref<!tpu.dma_semaphore, #tpu.memory_space<semaphore_mem>>
      %dma_start3A = tpu.memref_slice %arg4[%add3A_4] : memref<512000xf32, #tpu.memory_space<hbm>> -> memref<8000xf32, #tpu.memory_space<hbm>>
      %dma_start3A_20 = tpu.memref_slice %arg4[%add3A_4] : memref<512000xf32, #tpu.memory_space<hbm>> -> memref<8000xf32, #tpu.memory_space<hbm>>
      tpu.enqueue_dma source(%dma_start3A_20 : memref<8000xf32, #tpu.memory_space<hbm>>) target(%arg18 : memref<8000xf32, #tpu.memory_space<vmem>>) target_semaphore(%run_scoped3A : memref<!tpu.dma_semaphore, #tpu.memory_space<semaphore_mem>>)
      %dma_wait3A = tpu.memref_slice %arg4[%add3A_4] : memref<512000xf32, #tpu.memory_space<hbm>> -> memref<8000xf32, #tpu.memory_space<hbm>>
      %dma_wait3A_21 = tpu.memref_slice %arg4[%add3A_4] : memref<512000xf32, #tpu.memory_space<hbm>> -> memref<8000xf32, #tpu.memory_space<hbm>>
      tpu.wait_dma2 semaphore(%run_scoped3A : memref<!tpu.dma_semaphore, #tpu.memory_space<semaphore_mem>>) src(%dma_wait3A_21 : memref<8000xf32, #tpu.memory_space<hbm>>) dst(%arg18 : memref<8000xf32, #tpu.memory_space<vmem>>)
      tpu.yield
    }) : () -> ()
    "tpu.region"() ({
      %run_scoped3A = tpu.sem_alloc : memref<!tpu.dma_semaphore, #tpu.memory_space<semaphore_mem>>
      %dma_start3A = tpu.memref_slice %arg5[%add3A_4] : memref<512000xi32, #tpu.memory_space<hbm>> -> memref<8000xi32, #tpu.memory_space<hbm>>
      %dma_start3A_20 = tpu.memref_slice %arg5[%add3A_4] : memref<512000xi32, #tpu.memory_space<hbm>> -> memref<8000xi32, #tpu.memory_space<hbm>>
      tpu.enqueue_dma source(%dma_start3A_20 : memref<8000xi32, #tpu.memory_space<hbm>>) target(%arg19 : memref<8000xi32, #tpu.memory_space<vmem>>) target_semaphore(%run_scoped3A : memref<!tpu.dma_semaphore, #tpu.memory_space<semaphore_mem>>)
      %dma_wait3A = tpu.memref_slice %arg5[%add3A_4] : memref<512000xi32, #tpu.memory_space<hbm>> -> memref<8000xi32, #tpu.memory_space<hbm>>
      %dma_wait3A_21 = tpu.memref_slice %arg5[%add3A_4] : memref<512000xi32, #tpu.memory_space<hbm>> -> memref<8000xi32, #tpu.memory_space<hbm>>
      tpu.wait_dma2 semaphore(%run_scoped3A : memref<!tpu.dma_semaphore, #tpu.memory_space<semaphore_mem>>) src(%dma_wait3A_21 : memref<8000xi32, #tpu.memory_space<hbm>>) dst(%arg19 : memref<8000xi32, #tpu.memory_space<vmem>>)
      tpu.yield
    }) : () -> ()
    "tpu.region"() ({
      %run_scoped3A = tpu.sem_alloc : memref<!tpu.dma_semaphore, #tpu.memory_space<semaphore_mem>>
      %dma_start3A = tpu.memref_slice %arg6[%add3A_4] : memref<512000xf32, #tpu.memory_space<hbm>> -> memref<8000xf32, #tpu.memory_space<hbm>>
      %dma_start3A_20 = tpu.memref_slice %arg6[%add3A_4] : memref<512000xf32, #tpu.memory_space<hbm>> -> memref<8000xf32, #tpu.memory_space<hbm>>
      tpu.enqueue_dma source(%dma_start3A_20 : memref<8000xf32, #tpu.memory_space<hbm>>) target(%arg20 : memref<8000xf32, #tpu.memory_space<vmem>>) target_semaphore(%run_scoped3A : memref<!tpu.dma_semaphore, #tpu.memory_space<semaphore_mem>>)
      %dma_wait3A = tpu.memref_slice %arg6[%add3A_4] : memref<512000xf32, #tpu.memory_space<hbm>> -> memref<8000xf32, #tpu.memory_space<hbm>>
      %dma_wait3A_21 = tpu.memref_slice %arg6[%add3A_4] : memref<512000xf32, #tpu.memory_space<hbm>> -> memref<8000xf32, #tpu.memory_space<hbm>>
      tpu.wait_dma2 semaphore(%run_scoped3A : memref<!tpu.dma_semaphore, #tpu.memory_space<semaphore_mem>>) src(%dma_wait3A_21 : memref<8000xf32, #tpu.memory_space<hbm>>) dst(%arg20 : memref<8000xf32, #tpu.memory_space<vmem>>)
      tpu.yield
    }) : () -> ()
    "tpu.region"() ({
      %run_scoped3A = tpu.sem_alloc : memref<!tpu.dma_semaphore, #tpu.memory_space<semaphore_mem>>
      %dma_start3A = tpu.memref_slice %arg7[%add3A_4] : memref<512000xf32, #tpu.memory_space<hbm>> -> memref<8000xf32, #tpu.memory_space<hbm>>
      %dma_start3A_20 = tpu.memref_slice %arg7[%add3A_4] : memref<512000xf32, #tpu.memory_space<hbm>> -> memref<8000xf32, #tpu.memory_space<hbm>>
      tpu.enqueue_dma source(%dma_start3A_20 : memref<8000xf32, #tpu.memory_space<hbm>>) target(%arg21 : memref<8000xf32, #tpu.memory_space<vmem>>) target_semaphore(%run_scoped3A : memref<!tpu.dma_semaphore, #tpu.memory_space<semaphore_mem>>)
      %dma_wait3A = tpu.memref_slice %arg7[%add3A_4] : memref<512000xf32, #tpu.memory_space<hbm>> -> memref<8000xf32, #tpu.memory_space<hbm>>
      %dma_wait3A_21 = tpu.memref_slice %arg7[%add3A_4] : memref<512000xf32, #tpu.memory_space<hbm>> -> memref<8000xf32, #tpu.memory_space<hbm>>
      tpu.wait_dma2 semaphore(%run_scoped3A : memref<!tpu.dma_semaphore, #tpu.memory_space<semaphore_mem>>) src(%dma_wait3A_21 : memref<8000xf32, #tpu.memory_space<hbm>>) dst(%arg21 : memref<8000xf32, #tpu.memory_space<vmem>>)
      tpu.yield
    }) : () -> ()
    %scan3A = arith.constant 0 : i32
    %scan3A_5 = arith.constant 0 : i32
    %scan3A_6 = arith.constant 500 : i32
    %scan3A_7 = arith.addi %scan3A_5, %scan3A_6 : i32
    %scan3A_8 = arith.constant 1 : i32
    scf.for %scan3A_20 = %scan3A_5 to %scan3A_7 step %scan3A_8  : i32 {
      %mul3A_21 = arith.constant 16 : i32
      %mul3A_22 = arith.muli %scan3A_20, %mul3A_21 : i32
      %get3A = arith.index_cast %mul3A_22 : i32 to index
      %get3A_23 = tpu.vector_load %arg19[%get3A] {strides = array<i32>} : memref<8000xi32, #tpu.memory_space<vmem>>, vector<16xi32>,
      %rem3A = arith.constant 8 : i32
      %rem3A_24 = vector.broadcast %rem3A : i32 to vector<16xi32>
      %rem3A_25 = arith.remsi %get3A_23, %rem3A_24 : vector<16xi32>
      %mul3A_26 = arith.constant 16 : i32
      %mul3A_27 = vector.broadcast %mul3A_26 : i32 to vector<16xi32>
      %mul3A_28 = arith.muli %rem3A_25, %mul3A_27 : vector<16xi32>
      %add3A_29 = arith.constant 0 : i32
      %add3A_30 = vector.broadcast %add3A_29 : i32 to vector<16xi32>
      %add3A_31 = arith.addi %mul3A_28, %add3A_30 : vector<16xi32>
      %gather3A = tpu.vector_load_idx %arg29[%add3A_31] : memref<128xf32, #tpu.memory_space<vmem>>[vector<16xi32>], vector<16xf32>,
      %add3A_32 = arith.constant 1 : i32
      %add3A_33 = vector.broadcast %add3A_32 : i32 to vector<16xi32>
      %add3A_34 = arith.addi %mul3A_28, %add3A_33 : vector<16xi32>
      %gather3A_35 = tpu.vector_load_idx %arg29[%add3A_34] : memref<128xf32, #tpu.memory_space<vmem>>[vector<16xi32>], vector<16xf32>,
      %add3A_36 = arith.constant 2 : i32
      %add3A_37 = vector.broadcast %add3A_36 : i32 to vector<16xi32>
      %add3A_38 = arith.addi %mul3A_28, %add3A_37 : vector<16xi32>
      %gather3A_39 = tpu.vector_load_idx %arg29[%add3A_38] : memref<128xf32, #tpu.memory_space<vmem>>[vector<16xi32>], vector<16xf32>,
      %add3A_40 = arith.constant 3 : i32
      %add3A_41 = vector.broadcast %add3A_40 : i32 to vector<16xi32>
      %add3A_42 = arith.addi %mul3A_28, %add3A_41 : vector<16xi32>
      %gather3A_43 = tpu.vector_load_idx %arg29[%add3A_42] : memref<128xf32, #tpu.memory_space<vmem>>[vector<16xi32>], vector<16xf32>,
      %add3A_44 = arith.constant 4 : i32
      %add3A_45 = vector.broadcast %add3A_44 : i32 to vector<16xi32>
      %add3A_46 = arith.addi %mul3A_28, %add3A_45 : vector<16xi32>
      %gather3A_47 = tpu.vector_load_idx %arg29[%add3A_46] : memref<128xf32, #tpu.memory_space<vmem>>[vector<16xi32>], vector<16xf32>,
      %add3A_48 = arith.constant 5 : i32
      %add3A_49 = vector.broadcast %add3A_48 : i32 to vector<16xi32>
      %add3A_50 = arith.addi %mul3A_28, %add3A_49 : vector<16xi32>
      %gather3A_51 = tpu.vector_load_idx %arg29[%add3A_50] : memref<128xf32, #tpu.memory_space<vmem>>[vector<16xi32>], vector<16xf32>,
      %add3A_52 = arith.constant 6 : i32
      %add3A_53 = vector.broadcast %add3A_52 : i32 to vector<16xi32>
      %add3A_54 = arith.addi %mul3A_28, %add3A_53 : vector<16xi32>
      %gather3A_55 = tpu.vector_load_idx %arg29[%add3A_54] : memref<128xf32, #tpu.memory_space<vmem>>[vector<16xi32>], vector<16xf32>,
      %add3A_56 = arith.constant 7 : i32
      %add3A_57 = vector.broadcast %add3A_56 : i32 to vector<16xi32>
      %add3A_58 = arith.addi %mul3A_28, %add3A_57 : vector<16xi32>
      %gather3A_59 = tpu.vector_load_idx %arg29[%add3A_58] : memref<128xf32, #tpu.memory_space<vmem>>[vector<16xi32>], vector<16xf32>,
      %add3A_60 = arith.constant 8 : i32
      %add3A_61 = vector.broadcast %add3A_60 : i32 to vector<16xi32>
      %add3A_62 = arith.addi %mul3A_28, %add3A_61 : vector<16xi32>
      %gather3A_63 = tpu.vector_load_idx %arg29[%add3A_62] : memref<128xf32, #tpu.memory_space<vmem>>[vector<16xi32>], vector<16xf32>,
      %add3A_64 = arith.constant 9 : i32
      %add3A_65 = vector.broadcast %add3A_64 : i32 to vector<16xi32>
      %add3A_66 = arith.addi %mul3A_28, %add3A_65 : vector<16xi32>
      %gather3A_67 = tpu.vector_load_idx %arg29[%add3A_66] : memref<128xf32, #tpu.memory_space<vmem>>[vector<16xi32>], vector<16xf32>,
      %add3A_68 = arith.constant 10 : i32
      %add3A_69 = vector.broadcast %add3A_68 : i32 to vector<16xi32>
      %add3A_70 = arith.addi %mul3A_28, %add3A_69 : vector<16xi32>
      %gather3A_71 = tpu.vector_load_idx %arg29[%add3A_70] : memref<128xf32, #tpu.memory_space<vmem>>[vector<16xi32>], vector<16xf32>,
      %add3A_72 = arith.constant 11 : i32
      %add3A_73 = vector.broadcast %add3A_72 : i32 to vector<16xi32>
      %add3A_74 = arith.addi %mul3A_28, %add3A_73 : vector<16xi32>
      %gather3A_75 = tpu.vector_load_idx %arg29[%add3A_74] : memref<128xf32, #tpu.memory_space<vmem>>[vector<16xi32>], vector<16xf32>,
      %get3A_76 = arith.index_cast %mul3A_22 : i32 to index
      %get3A_77 = tpu.vector_load %arg16[%get3A_76] {strides = array<i32>} : memref<8000xf32, #tpu.memory_space<vmem>>, vector<16xf32>,
      %get3A_78 = arith.index_cast %mul3A_22 : i32 to index
      %get3A_79 = tpu.vector_load %arg17[%get3A_78] {strides = array<i32>} : memref<8000xf32, #tpu.memory_space<vmem>>, vector<16xf32>,
      %get3A_80 = arith.index_cast %mul3A_22 : i32 to index
      %get3A_81 = tpu.vector_load %arg18[%get3A_80] {strides = array<i32>} : memref<8000xf32, #tpu.memory_space<vmem>>, vector<16xf32>,
      %mul3A_82 = arith.mulf %get3A_77, %gather3A : vector<16xf32>
      %mul3A_83 = arith.mulf %get3A_79, %gather3A_35 : vector<16xf32>
      %add3A_84 = arith.addf %mul3A_82, %mul3A_83 : vector<16xf32>
      %mul3A_85 = arith.mulf %get3A_81, %gather3A_39 : vector<16xf32>
      %add3A_86 = arith.addf %add3A_84, %mul3A_85 : vector<16xf32>
      %add3A_87 = arith.addf %add3A_86, %gather3A_43 : vector<16xf32>
      %mul3A_88 = arith.mulf %get3A_77, %gather3A_47 : vector<16xf32>
      %mul3A_89 = arith.mulf %get3A_79, %gather3A_51 : vector<16xf32>
      %add3A_90 = arith.addf %mul3A_88, %mul3A_89 : vector<16xf32>
      %mul3A_91 = arith.mulf %get3A_81, %gather3A_55 : vector<16xf32>
      %add3A_92 = arith.addf %add3A_90, %mul3A_91 : vector<16xf32>
      %add3A_93 = arith.addf %add3A_92, %gather3A_59 : vector<16xf32>
      %mul3A_94 = arith.mulf %get3A_77, %gather3A_63 : vector<16xf32>
      %mul3A_95 = arith.mulf %get3A_79, %gather3A_67 : vector<16xf32>
      %add3A_96 = arith.addf %mul3A_94, %mul3A_95 : vector<16xf32>
      %mul3A_97 = arith.mulf %get3A_81, %gather3A_71 : vector<16xf32>
      %add3A_98 = arith.addf %add3A_96, %mul3A_97 : vector<16xf32>
      %add3A_99 = arith.addf %add3A_98, %gather3A_75 : vector<16xf32>
      %ge3A = arith.constant 0.000000e+00 : f32
      %ge3A_100 = vector.broadcast %ge3A : f32 to vector<16xf32>
      %ge3A_101 = arith.cmpf oge, %add3A_87, %ge3A_100 : vector<16xf32>
      %lt3A = arith.constant 6.000000e+00 : f32
      %lt3A_102 = vector.broadcast %lt3A : f32 to vector<16xf32>
      %lt3A_103 = arith.cmpf olt, %add3A_87, %lt3A_102 : vector<16xf32>
      %and3A = arith.andi %ge3A_101, %lt3A_103 : vector<16xi1>
      %ge3A_104 = arith.constant 0.000000e+00 : f32
      %ge3A_105 = vector.broadcast %ge3A_104 : f32 to vector<16xf32>
      %ge3A_106 = arith.cmpf oge, %add3A_93, %ge3A_105 : vector<16xf32>
      %and3A_107 = arith.andi %and3A, %ge3A_106 : vector<16xi1>
      %lt3A_108 = arith.constant 6.000000e+00 : f32
      %lt3A_109 = vector.broadcast %lt3A_108 : f32 to vector<16xf32>
      %lt3A_110 = arith.cmpf olt, %add3A_93, %lt3A_109 : vector<16xf32>
      %and3A_111 = arith.andi %and3A_107, %lt3A_110 : vector<16xi1>
      %ge3A_112 = arith.constant 0.000000e+00 : f32
      %ge3A_113 = vector.broadcast %ge3A_112 : f32 to vector<16xf32>
      %ge3A_114 = arith.cmpf oge, %add3A_99, %ge3A_113 : vector<16xf32>
      %and3A_115 = arith.andi %and3A_111, %ge3A_114 : vector<16xi1>
      %lt3A_116 = arith.constant 3.000000e+00 : f32
      %lt3A_117 = vector.broadcast %lt3A_116 : f32 to vector<16xf32>
      %lt3A_118 = arith.cmpf olt, %add3A_99, %lt3A_117 : vector<16xf32>
      %and3A_119 = arith.andi %and3A_115, %lt3A_118 : vector<16xi1>
      %broadcast_in_dim3A = arith.constant 0.000000e+00 : f32
      %broadcast_in_dim3A_120 = vector.broadcast %broadcast_in_dim3A : f32 to vector<16xf32>
      %swap3A = arith.index_cast %mul3A_22 : i32 to index
      %swap3A_121 = tpu.vector_load %arg22[%swap3A] {strides = array<i32>} : memref<8000xf32, #tpu.memory_space<vmem>>, vector<16xf32>,
      tpu.vector_store %arg22[%swap3A], %add3A_87 {strides = array<i32>} : memref<8000xf32, #tpu.memory_space<vmem>>, vector<16xf32>,
      %swap3A_122 = arith.index_cast %mul3A_22 : i32 to index
      %swap3A_123 = tpu.vector_load %arg23[%swap3A_122] {strides = array<i32>} : memref<8000xf32, #tpu.memory_space<vmem>>, vector<16xf32>,
      tpu.vector_store %arg23[%swap3A_122], %add3A_93 {strides = array<i32>} : memref<8000xf32, #tpu.memory_space<vmem>>, vector<16xf32>,
      %swap3A_124 = arith.index_cast %mul3A_22 : i32 to index
      %swap3A_125 = tpu.vector_load %arg24[%swap3A_124] {strides = array<i32>} : memref<8000xf32, #tpu.memory_space<vmem>>, vector<16xf32>,
      tpu.vector_store %arg24[%swap3A_124], %add3A_99 {strides = array<i32>} : memref<8000xf32, #tpu.memory_space<vmem>>, vector<16xf32>,
      %jit3A = arith.constant 1.000000e+00 : f32
      %broadcast_in_dim3A_126 = vector.broadcast %jit3A : f32 to vector<16xf32>
      %select_n3A = arith.select %and3A_119, %broadcast_in_dim3A_126, %broadcast_in_dim3A_120 : vector<16xi1>, vector<16xf32>
      %swap3A_127 = arith.index_cast %mul3A_22 : i32 to index
      %swap3A_128 = tpu.vector_load %arg25[%swap3A_127] {strides = array<i32>} : memref<8000xf32, #tpu.memory_space<vmem>>, vector<16xf32>,
      tpu.vector_store %arg25[%swap3A_127], %select_n3A {strides = array<i32>} : memref<8000xf32, #tpu.memory_space<vmem>>, vector<16xf32>,
      %swap3A_129 = arith.index_cast %mul3A_22 : i32 to index
      %swap3A_130 = tpu.vector_load %arg26[%swap3A_129] {strides = array<i32>} : memref<8000xi32, #tpu.memory_space<vmem>>, vector<16xi32>,
      tpu.vector_store %arg26[%swap3A_129], %rem3A_25 {strides = array<i32>} : memref<8000xi32, #tpu.memory_space<vmem>>, vector<16xi32>,
      %get3A_131 = arith.index_cast %mul3A_22 : i32 to index
      %get3A_132 = tpu.vector_load %arg20[%get3A_131] {strides = array<i32>} : memref<8000xf32, #tpu.memory_space<vmem>>, vector<16xf32>,
      %select_n3A_133 = arith.select %and3A_119, %get3A_132, %broadcast_in_dim3A_120 : vector<16xi1>, vector<16xf32>
      %swap3A_134 = arith.index_cast %mul3A_22 : i32 to index
      %swap3A_135 = tpu.vector_load %arg27[%swap3A_134] {strides = array<i32>} : memref<8000xf32, #tpu.memory_space<vmem>>, vector<16xf32>,
      tpu.vector_store %arg27[%swap3A_134], %select_n3A_133 {strides = array<i32>} : memref<8000xf32, #tpu.memory_space<vmem>>, vector<16xf32>,
      %get3A_136 = arith.index_cast %mul3A_22 : i32 to index
      %get3A_137 = tpu.vector_load %arg21[%get3A_136] {strides = array<i32>} : memref<8000xf32, #tpu.memory_space<vmem>>, vector<16xf32>,
      %select_n3A_138 = arith.select %and3A_119, %get3A_137, %broadcast_in_dim3A_120 : vector<16xi1>, vector<16xf32>
      %swap3A_139 = arith.index_cast %mul3A_22 : i32 to index
      %swap3A_140 = tpu.vector_load %arg28[%swap3A_139] {strides = array<i32>} : memref<8000xf32, #tpu.memory_space<vmem>>, vector<16xf32>,
      tpu.vector_store %arg28[%swap3A_139], %select_n3A_138 {strides = array<i32>} : memref<8000xf32, #tpu.memory_space<vmem>>, vector<16xf32>,
    }
    %scan3A_9 = arith.constant 500 : i32
    "tpu.region"() ({
      %run_scoped3A = tpu.sem_alloc : memref<!tpu.dma_semaphore, #tpu.memory_space<semaphore_mem>>
      %dma_start3A = tpu.memref_slice %arg9[%add3A_4] : memref<512000xf32, #tpu.memory_space<hbm>> -> memref<8000xf32, #tpu.memory_space<hbm>>
      %dma_start3A_20 = tpu.memref_slice %arg9[%add3A_4] : memref<512000xf32, #tpu.memory_space<hbm>> -> memref<8000xf32, #tpu.memory_space<hbm>>
      tpu.enqueue_dma source(%arg22 : memref<8000xf32, #tpu.memory_space<vmem>>) target(%dma_start3A_20 : memref<8000xf32, #tpu.memory_space<hbm>>) target_semaphore(%run_scoped3A : memref<!tpu.dma_semaphore, #tpu.memory_space<semaphore_mem>>)
      %dma_wait3A = tpu.memref_slice %arg9[%add3A_4] : memref<512000xf32, #tpu.memory_space<hbm>> -> memref<8000xf32, #tpu.memory_space<hbm>>
      %dma_wait3A_21 = tpu.memref_slice %arg9[%add3A_4] : memref<512000xf32, #tpu.memory_space<hbm>> -> memref<8000xf32, #tpu.memory_space<hbm>>
      tpu.wait_dma2 semaphore(%run_scoped3A : memref<!tpu.dma_semaphore, #tpu.memory_space<semaphore_mem>>) src(%arg22 : memref<8000xf32, #tpu.memory_space<vmem>>) dst(%dma_wait3A_21 : memref<8000xf32, #tpu.memory_space<hbm>>)
      tpu.yield
    }) : () -> ()
    "tpu.region"() ({
      %run_scoped3A = tpu.sem_alloc : memref<!tpu.dma_semaphore, #tpu.memory_space<semaphore_mem>>
      %dma_start3A = tpu.memref_slice %arg10[%add3A_4] : memref<512000xf32, #tpu.memory_space<hbm>> -> memref<8000xf32, #tpu.memory_space<hbm>>
      %dma_start3A_20 = tpu.memref_slice %arg10[%add3A_4] : memref<512000xf32, #tpu.memory_space<hbm>> -> memref<8000xf32, #tpu.memory_space<hbm>>
      tpu.enqueue_dma source(%arg23 : memref<8000xf32, #tpu.memory_space<vmem>>) target(%dma_start3A_20 : memref<8000xf32, #tpu.memory_space<hbm>>) target_semaphore(%run_scoped3A : memref<!tpu.dma_semaphore, #tpu.memory_space<semaphore_mem>>)
      %dma_wait3A = tpu.memref_slice %arg10[%add3A_4] : memref<512000xf32, #tpu.memory_space<hbm>> -> memref<8000xf32, #tpu.memory_space<hbm>>
      %dma_wait3A_21 = tpu.memref_slice %arg10[%add3A_4] : memref<512000xf32, #tpu.memory_space<hbm>> -> memref<8000xf32, #tpu.memory_space<hbm>>
      tpu.wait_dma2 semaphore(%run_scoped3A : memref<!tpu.dma_semaphore, #tpu.memory_space<semaphore_mem>>) src(%arg23 : memref<8000xf32, #tpu.memory_space<vmem>>) dst(%dma_wait3A_21 : memref<8000xf32, #tpu.memory_space<hbm>>)
      tpu.yield
    }) : () -> ()
    "tpu.region"() ({
      %run_scoped3A = tpu.sem_alloc : memref<!tpu.dma_semaphore, #tpu.memory_space<semaphore_mem>>
      %dma_start3A = tpu.memref_slice %arg11[%add3A_4] : memref<512000xf32, #tpu.memory_space<hbm>> -> memref<8000xf32, #tpu.memory_space<hbm>>
      %dma_start3A_20 = tpu.memref_slice %arg11[%add3A_4] : memref<512000xf32, #tpu.memory_space<hbm>> -> memref<8000xf32, #tpu.memory_space<hbm>>
      tpu.enqueue_dma source(%arg24 : memref<8000xf32, #tpu.memory_space<vmem>>) target(%dma_start3A_20 : memref<8000xf32, #tpu.memory_space<hbm>>) target_semaphore(%run_scoped3A : memref<!tpu.dma_semaphore, #tpu.memory_space<semaphore_mem>>)
      %dma_wait3A = tpu.memref_slice %arg11[%add3A_4] : memref<512000xf32, #tpu.memory_space<hbm>> -> memref<8000xf32, #tpu.memory_space<hbm>>
      %dma_wait3A_21 = tpu.memref_slice %arg11[%add3A_4] : memref<512000xf32, #tpu.memory_space<hbm>> -> memref<8000xf32, #tpu.memory_space<hbm>>
      tpu.wait_dma2 semaphore(%run_scoped3A : memref<!tpu.dma_semaphore, #tpu.memory_space<semaphore_mem>>) src(%arg24 : memref<8000xf32, #tpu.memory_space<vmem>>) dst(%dma_wait3A_21 : memref<8000xf32, #tpu.memory_space<hbm>>)
      tpu.yield
    }) : () -> ()
    "tpu.region"() ({
      %run_scoped3A = tpu.sem_alloc : memref<!tpu.dma_semaphore, #tpu.memory_space<semaphore_mem>>
      %dma_start3A = tpu.memref_slice %arg12[%add3A_4] : memref<512000xf32, #tpu.memory_space<hbm>> -> memref<8000xf32, #tpu.memory_space<hbm>>
      %dma_start3A_20 = tpu.memref_slice %arg12[%add3A_4] : memref<512000xf32, #tpu.memory_space<hbm>> -> memref<8000xf32, #tpu.memory_space<hbm>>
      tpu.enqueue_dma source(%arg25 : memref<8000xf32, #tpu.memory_space<vmem>>) target(%dma_start3A_20 : memref<8000xf32, #tpu.memory_space<hbm>>) target_semaphore(%run_scoped3A : memref<!tpu.dma_semaphore, #tpu.memory_space<semaphore_mem>>)
      %dma_wait3A = tpu.memref_slice %arg12[%add3A_4] : memref<512000xf32, #tpu.memory_space<hbm>> -> memref<8000xf32, #tpu.memory_space<hbm>>
      %dma_wait3A_21 = tpu.memref_slice %arg12[%add3A_4] : memref<512000xf32, #tpu.memory_space<hbm>> -> memref<8000xf32, #tpu.memory_space<hbm>>
      tpu.wait_dma2 semaphore(%run_scoped3A : memref<!tpu.dma_semaphore, #tpu.memory_space<semaphore_mem>>) src(%arg25 : memref<8000xf32, #tpu.memory_space<vmem>>) dst(%dma_wait3A_21 : memref<8000xf32, #tpu.memory_space<hbm>>)
      tpu.yield
    }) : () -> ()
    "tpu.region"() ({
      %run_scoped3A = tpu.sem_alloc : memref<!tpu.dma_semaphore, #tpu.memory_space<semaphore_mem>>
      %dma_start3A = tpu.memref_slice %arg13[%add3A_4] : memref<512000xi32, #tpu.memory_space<hbm>> -> memref<8000xi32, #tpu.memory_space<hbm>>
      %dma_start3A_20 = tpu.memref_slice %arg13[%add3A_4] : memref<512000xi32, #tpu.memory_space<hbm>> -> memref<8000xi32, #tpu.memory_space<hbm>>
      tpu.enqueue_dma source(%arg26 : memref<8000xi32, #tpu.memory_space<vmem>>) target(%dma_start3A_20 : memref<8000xi32, #tpu.memory_space<hbm>>) target_semaphore(%run_scoped3A : memref<!tpu.dma_semaphore, #tpu.memory_space<semaphore_mem>>)
      %dma_wait3A = tpu.memref_slice %arg13[%add3A_4] : memref<512000xi32, #tpu.memory_space<hbm>> -> memref<8000xi32, #tpu.memory_space<hbm>>
      %dma_wait3A_21 = tpu.memref_slice %arg13[%add3A_4] : memref<512000xi32, #tpu.memory_space<hbm>> -> memref<8000xi32, #tpu.memory_space<hbm>>
      tpu.wait_dma2 semaphore(%run_scoped3A : memref<!tpu.dma_semaphore, #tpu.memory_space<semaphore_mem>>) src(%arg26 : memref<8000xi32, #tpu.memory_space<vmem>>) dst(%dma_wait3A_21 : memref<8000xi32, #tpu.memory_space<hbm>>)
      tpu.yield
    }) : () -> ()
    "tpu.region"() ({
      %run_scoped3A = tpu.sem_alloc : memref<!tpu.dma_semaphore, #tpu.memory_space<semaphore_mem>>
      %dma_start3A = tpu.memref_slice %arg14[%add3A_4] : memref<512000xf32, #tpu.memory_space<hbm>> -> memref<8000xf32, #tpu.memory_space<hbm>>
      %dma_start3A_20 = tpu.memref_slice %arg14[%add3A_4] : memref<512000xf32, #tpu.memory_space<hbm>> -> memref<8000xf32, #tpu.memory_space<hbm>>
      tpu.enqueue_dma source(%arg27 : memref<8000xf32, #tpu.memory_space<vmem>>) target(%dma_start3A_20 : memref<8000xf32, #tpu.memory_space<hbm>>) target_semaphore(%run_scoped3A : memref<!tpu.dma_semaphore, #tpu.memory_space<semaphore_mem>>)
      %dma_wait3A = tpu.memref_slice %arg14[%add3A_4] : memref<512000xf32, #tpu.memory_space<hbm>> -> memref<8000xf32, #tpu.memory_space<hbm>>
      %dma_wait3A_21 = tpu.memref_slice %arg14[%add3A_4] : memref<512000xf32, #tpu.memory_space<hbm>> -> memref<8000xf32, #tpu.memory_space<hbm>>
      tpu.wait_dma2 semaphore(%run_scoped3A : memref<!tpu.dma_semaphore, #tpu.memory_space<semaphore_mem>>) src(%arg27 : memref<8000xf32, #tpu.memory_space<vmem>>) dst(%dma_wait3A_21 : memref<8000xf32, #tpu.memory_space<hbm>>)
      tpu.yield
    }) : () -> ()
    "tpu.region"() ({
      %run_scoped3A = tpu.sem_alloc : memref<!tpu.dma_semaphore, #tpu.memory_space<semaphore_mem>>
      %dma_start3A = tpu.memref_slice %arg15[%add3A_4] : memref<512000xf32, #tpu.memory_space<hbm>> -> memref<8000xf32, #tpu.memory_space<hbm>>
      %dma_start3A_20 = tpu.memref_slice %arg15[%add3A_4] : memref<512000xf32, #tpu.memory_space<hbm>> -> memref<8000xf32, #tpu.memory_space<hbm>>
      tpu.enqueue_dma source(%arg28 : memref<8000xf32, #tpu.memory_space<vmem>>) target(%dma_start3A_20 : memref<8000xf32, #tpu.memory_space<hbm>>) target_semaphore(%run_scoped3A : memref<!tpu.dma_semaphore, #tpu.memory_space<semaphore_mem>>)
      %dma_wait3A = tpu.memref_slice %arg15[%add3A_4] : memref<512000xf32, #tpu.memory_space<hbm>> -> memref<8000xf32, #tpu.memory_space<hbm>>
      %dma_wait3A_21 = tpu.memref_slice %arg15[%add3A_4] : memref<512000xf32, #tpu.memory_space<hbm>> -> memref<8000xf32, #tpu.memory_space<hbm>>
      tpu.wait_dma2 semaphore(%run_scoped3A : memref<!tpu.dma_semaphore, #tpu.memory_space<semaphore_mem>>) src(%arg28 : memref<8000xf32, #tpu.memory_space<vmem>>) dst(%dma_wait3A_21 : memref<8000xf32, #tpu.memory_space<hbm>>)
      tpu.yield
    }) : () -> ()
    %mul3A_10 = arith.constant 16000 : i32
    %mul3A_11 = arith.muli %add3A, %mul3A_10 : i32
    %add3A_12 = arith.constant 8000 : i32
    %add3A_13 = arith.addi %mul3A_11, %add3A_12 : i32
    "tpu.region"() ({
      %run_scoped3A = tpu.sem_alloc : memref<!tpu.dma_semaphore, #tpu.memory_space<semaphore_mem>>
      %dma_start3A = tpu.memref_slice %arg2[%add3A_13] : memref<512000xf32, #tpu.memory_space<hbm>> -> memref<8000xf32, #tpu.memory_space<hbm>>
      %dma_start3A_20 = tpu.memref_slice %arg2[%add3A_13] : memref<512000xf32, #tpu.memory_space<hbm>> -> memref<8000xf32, #tpu.memory_space<hbm>>
      tpu.enqueue_dma source(%dma_start3A_20 : memref<8000xf32, #tpu.memory_space<hbm>>) target(%arg16 : memref<8000xf32, #tpu.memory_space<vmem>>) target_semaphore(%run_scoped3A : memref<!tpu.dma_semaphore, #tpu.memory_space<semaphore_mem>>)
      %dma_wait3A = tpu.memref_slice %arg2[%add3A_13] : memref<512000xf32, #tpu.memory_space<hbm>> -> memref<8000xf32, #tpu.memory_space<hbm>>
      %dma_wait3A_21 = tpu.memref_slice %arg2[%add3A_13] : memref<512000xf32, #tpu.memory_space<hbm>> -> memref<8000xf32, #tpu.memory_space<hbm>>
      tpu.wait_dma2 semaphore(%run_scoped3A : memref<!tpu.dma_semaphore, #tpu.memory_space<semaphore_mem>>) src(%dma_wait3A_21 : memref<8000xf32, #tpu.memory_space<hbm>>) dst(%arg16 : memref<8000xf32, #tpu.memory_space<vmem>>)
      tpu.yield
    }) : () -> ()
    "tpu.region"() ({
      %run_scoped3A = tpu.sem_alloc : memref<!tpu.dma_semaphore, #tpu.memory_space<semaphore_mem>>
      %dma_start3A = tpu.memref_slice %arg3[%add3A_13] : memref<512000xf32, #tpu.memory_space<hbm>> -> memref<8000xf32, #tpu.memory_space<hbm>>
      %dma_start3A_20 = tpu.memref_slice %arg3[%add3A_13] : memref<512000xf32, #tpu.memory_space<hbm>> -> memref<8000xf32, #tpu.memory_space<hbm>>
      tpu.enqueue_dma source(%dma_start3A_20 : memref<8000xf32, #tpu.memory_space<hbm>>) target(%arg17 : memref<8000xf32, #tpu.memory_space<vmem>>) target_semaphore(%run_scoped3A : memref<!tpu.dma_semaphore, #tpu.memory_space<semaphore_mem>>)
      %dma_wait3A = tpu.memref_slice %arg3[%add3A_13] : memref<512000xf32, #tpu.memory_space<hbm>> -> memref<8000xf32, #tpu.memory_space<hbm>>
      %dma_wait3A_21 = tpu.memref_slice %arg3[%add3A_13] : memref<512000xf32, #tpu.memory_space<hbm>> -> memref<8000xf32, #tpu.memory_space<hbm>>
      tpu.wait_dma2 semaphore(%run_scoped3A : memref<!tpu.dma_semaphore, #tpu.memory_space<semaphore_mem>>) src(%dma_wait3A_21 : memref<8000xf32, #tpu.memory_space<hbm>>) dst(%arg17 : memref<8000xf32, #tpu.memory_space<vmem>>)
      tpu.yield
    }) : () -> ()
    "tpu.region"() ({
      %run_scoped3A = tpu.sem_alloc : memref<!tpu.dma_semaphore, #tpu.memory_space<semaphore_mem>>
      %dma_start3A = tpu.memref_slice %arg4[%add3A_13] : memref<512000xf32, #tpu.memory_space<hbm>> -> memref<8000xf32, #tpu.memory_space<hbm>>
      %dma_start3A_20 = tpu.memref_slice %arg4[%add3A_13] : memref<512000xf32, #tpu.memory_space<hbm>> -> memref<8000xf32, #tpu.memory_space<hbm>>
      tpu.enqueue_dma source(%dma_start3A_20 : memref<8000xf32, #tpu.memory_space<hbm>>) target(%arg18 : memref<8000xf32, #tpu.memory_space<vmem>>) target_semaphore(%run_scoped3A : memref<!tpu.dma_semaphore, #tpu.memory_space<semaphore_mem>>)
      %dma_wait3A = tpu.memref_slice %arg4[%add3A_13] : memref<512000xf32, #tpu.memory_space<hbm>> -> memref<8000xf32, #tpu.memory_space<hbm>>
      %dma_wait3A_21 = tpu.memref_slice %arg4[%add3A_13] : memref<512000xf32, #tpu.memory_space<hbm>> -> memref<8000xf32, #tpu.memory_space<hbm>>
      tpu.wait_dma2 semaphore(%run_scoped3A : memref<!tpu.dma_semaphore, #tpu.memory_space<semaphore_mem>>) src(%dma_wait3A_21 : memref<8000xf32, #tpu.memory_space<hbm>>) dst(%arg18 : memref<8000xf32, #tpu.memory_space<vmem>>)
      tpu.yield
    }) : () -> ()
    "tpu.region"() ({
      %run_scoped3A = tpu.sem_alloc : memref<!tpu.dma_semaphore, #tpu.memory_space<semaphore_mem>>
      %dma_start3A = tpu.memref_slice %arg5[%add3A_13] : memref<512000xi32, #tpu.memory_space<hbm>> -> memref<8000xi32, #tpu.memory_space<hbm>>
      %dma_start3A_20 = tpu.memref_slice %arg5[%add3A_13] : memref<512000xi32, #tpu.memory_space<hbm>> -> memref<8000xi32, #tpu.memory_space<hbm>>
      tpu.enqueue_dma source(%dma_start3A_20 : memref<8000xi32, #tpu.memory_space<hbm>>) target(%arg19 : memref<8000xi32, #tpu.memory_space<vmem>>) target_semaphore(%run_scoped3A : memref<!tpu.dma_semaphore, #tpu.memory_space<semaphore_mem>>)
      %dma_wait3A = tpu.memref_slice %arg5[%add3A_13] : memref<512000xi32, #tpu.memory_space<hbm>> -> memref<8000xi32, #tpu.memory_space<hbm>>
      %dma_wait3A_21 = tpu.memref_slice %arg5[%add3A_13] : memref<512000xi32, #tpu.memory_space<hbm>> -> memref<8000xi32, #tpu.memory_space<hbm>>
      tpu.wait_dma2 semaphore(%run_scoped3A : memref<!tpu.dma_semaphore, #tpu.memory_space<semaphore_mem>>) src(%dma_wait3A_21 : memref<8000xi32, #tpu.memory_space<hbm>>) dst(%arg19 : memref<8000xi32, #tpu.memory_space<vmem>>)
      tpu.yield
    }) : () -> ()
    "tpu.region"() ({
      %run_scoped3A = tpu.sem_alloc : memref<!tpu.dma_semaphore, #tpu.memory_space<semaphore_mem>>
      %dma_start3A = tpu.memref_slice %arg6[%add3A_13] : memref<512000xf32, #tpu.memory_space<hbm>> -> memref<8000xf32, #tpu.memory_space<hbm>>
      %dma_start3A_20 = tpu.memref_slice %arg6[%add3A_13] : memref<512000xf32, #tpu.memory_space<hbm>> -> memref<8000xf32, #tpu.memory_space<hbm>>
      tpu.enqueue_dma source(%dma_start3A_20 : memref<8000xf32, #tpu.memory_space<hbm>>) target(%arg20 : memref<8000xf32, #tpu.memory_space<vmem>>) target_semaphore(%run_scoped3A : memref<!tpu.dma_semaphore, #tpu.memory_space<semaphore_mem>>)
      %dma_wait3A = tpu.memref_slice %arg6[%add3A_13] : memref<512000xf32, #tpu.memory_space<hbm>> -> memref<8000xf32, #tpu.memory_space<hbm>>
      %dma_wait3A_21 = tpu.memref_slice %arg6[%add3A_13] : memref<512000xf32, #tpu.memory_space<hbm>> -> memref<8000xf32, #tpu.memory_space<hbm>>
      tpu.wait_dma2 semaphore(%run_scoped3A : memref<!tpu.dma_semaphore, #tpu.memory_space<semaphore_mem>>) src(%dma_wait3A_21 : memref<8000xf32, #tpu.memory_space<hbm>>) dst(%arg20 : memref<8000xf32, #tpu.memory_space<vmem>>)
      tpu.yield
    }) : () -> ()
    "tpu.region"() ({
      %run_scoped3A = tpu.sem_alloc : memref<!tpu.dma_semaphore, #tpu.memory_space<semaphore_mem>>
      %dma_start3A = tpu.memref_slice %arg7[%add3A_13] : memref<512000xf32, #tpu.memory_space<hbm>> -> memref<8000xf32, #tpu.memory_space<hbm>>
      %dma_start3A_20 = tpu.memref_slice %arg7[%add3A_13] : memref<512000xf32, #tpu.memory_space<hbm>> -> memref<8000xf32, #tpu.memory_space<hbm>>
      tpu.enqueue_dma source(%dma_start3A_20 : memref<8000xf32, #tpu.memory_space<hbm>>) target(%arg21 : memref<8000xf32, #tpu.memory_space<vmem>>) target_semaphore(%run_scoped3A : memref<!tpu.dma_semaphore, #tpu.memory_space<semaphore_mem>>)
      %dma_wait3A = tpu.memref_slice %arg7[%add3A_13] : memref<512000xf32, #tpu.memory_space<hbm>> -> memref<8000xf32, #tpu.memory_space<hbm>>
      %dma_wait3A_21 = tpu.memref_slice %arg7[%add3A_13] : memref<512000xf32, #tpu.memory_space<hbm>> -> memref<8000xf32, #tpu.memory_space<hbm>>
      tpu.wait_dma2 semaphore(%run_scoped3A : memref<!tpu.dma_semaphore, #tpu.memory_space<semaphore_mem>>) src(%dma_wait3A_21 : memref<8000xf32, #tpu.memory_space<hbm>>) dst(%arg21 : memref<8000xf32, #tpu.memory_space<vmem>>)
      tpu.yield
    }) : () -> ()
    %scan3A_14 = arith.constant 0 : i32
    %scan3A_15 = arith.constant 0 : i32
    %scan3A_16 = arith.constant 500 : i32
    %scan3A_17 = arith.addi %scan3A_15, %scan3A_16 : i32
    %scan3A_18 = arith.constant 1 : i32
    scf.for %scan3A_20 = %scan3A_15 to %scan3A_17 step %scan3A_18  : i32 {
      %mul3A_21 = arith.constant 16 : i32
      %mul3A_22 = arith.muli %scan3A_20, %mul3A_21 : i32
      %get3A = arith.index_cast %mul3A_22 : i32 to index
      %get3A_23 = tpu.vector_load %arg19[%get3A] {strides = array<i32>} : memref<8000xi32, #tpu.memory_space<vmem>>, vector<16xi32>,
      %rem3A = arith.constant 8 : i32
      %rem3A_24 = vector.broadcast %rem3A : i32 to vector<16xi32>
      %rem3A_25 = arith.remsi %get3A_23, %rem3A_24 : vector<16xi32>
      %mul3A_26 = arith.constant 16 : i32
      %mul3A_27 = vector.broadcast %mul3A_26 : i32 to vector<16xi32>
      %mul3A_28 = arith.muli %rem3A_25, %mul3A_27 : vector<16xi32>
      %add3A_29 = arith.constant 0 : i32
      %add3A_30 = vector.broadcast %add3A_29 : i32 to vector<16xi32>
      %add3A_31 = arith.addi %mul3A_28, %add3A_30 : vector<16xi32>
      %gather3A = tpu.vector_load_idx %arg29[%add3A_31] : memref<128xf32, #tpu.memory_space<vmem>>[vector<16xi32>], vector<16xf32>,
      %add3A_32 = arith.constant 1 : i32
      %add3A_33 = vector.broadcast %add3A_32 : i32 to vector<16xi32>
      %add3A_34 = arith.addi %mul3A_28, %add3A_33 : vector<16xi32>
      %gather3A_35 = tpu.vector_load_idx %arg29[%add3A_34] : memref<128xf32, #tpu.memory_space<vmem>>[vector<16xi32>], vector<16xf32>,
      %add3A_36 = arith.constant 2 : i32
      %add3A_37 = vector.broadcast %add3A_36 : i32 to vector<16xi32>
      %add3A_38 = arith.addi %mul3A_28, %add3A_37 : vector<16xi32>
      %gather3A_39 = tpu.vector_load_idx %arg29[%add3A_38] : memref<128xf32, #tpu.memory_space<vmem>>[vector<16xi32>], vector<16xf32>,
      %add3A_40 = arith.constant 3 : i32
      %add3A_41 = vector.broadcast %add3A_40 : i32 to vector<16xi32>
      %add3A_42 = arith.addi %mul3A_28, %add3A_41 : vector<16xi32>
      %gather3A_43 = tpu.vector_load_idx %arg29[%add3A_42] : memref<128xf32, #tpu.memory_space<vmem>>[vector<16xi32>], vector<16xf32>,
      %add3A_44 = arith.constant 4 : i32
      %add3A_45 = vector.broadcast %add3A_44 : i32 to vector<16xi32>
      %add3A_46 = arith.addi %mul3A_28, %add3A_45 : vector<16xi32>
      %gather3A_47 = tpu.vector_load_idx %arg29[%add3A_46] : memref<128xf32, #tpu.memory_space<vmem>>[vector<16xi32>], vector<16xf32>,
      %add3A_48 = arith.constant 5 : i32
      %add3A_49 = vector.broadcast %add3A_48 : i32 to vector<16xi32>
      %add3A_50 = arith.addi %mul3A_28, %add3A_49 : vector<16xi32>
      %gather3A_51 = tpu.vector_load_idx %arg29[%add3A_50] : memref<128xf32, #tpu.memory_space<vmem>>[vector<16xi32>], vector<16xf32>,
      %add3A_52 = arith.constant 6 : i32
      %add3A_53 = vector.broadcast %add3A_52 : i32 to vector<16xi32>
      %add3A_54 = arith.addi %mul3A_28, %add3A_53 : vector<16xi32>
      %gather3A_55 = tpu.vector_load_idx %arg29[%add3A_54] : memref<128xf32, #tpu.memory_space<vmem>>[vector<16xi32>], vector<16xf32>,
      %add3A_56 = arith.constant 7 : i32
      %add3A_57 = vector.broadcast %add3A_56 : i32 to vector<16xi32>
      %add3A_58 = arith.addi %mul3A_28, %add3A_57 : vector<16xi32>
      %gather3A_59 = tpu.vector_load_idx %arg29[%add3A_58] : memref<128xf32, #tpu.memory_space<vmem>>[vector<16xi32>], vector<16xf32>,
      %add3A_60 = arith.constant 8 : i32
      %add3A_61 = vector.broadcast %add3A_60 : i32 to vector<16xi32>
      %add3A_62 = arith.addi %mul3A_28, %add3A_61 : vector<16xi32>
      %gather3A_63 = tpu.vector_load_idx %arg29[%add3A_62] : memref<128xf32, #tpu.memory_space<vmem>>[vector<16xi32>], vector<16xf32>,
      %add3A_64 = arith.constant 9 : i32
      %add3A_65 = vector.broadcast %add3A_64 : i32 to vector<16xi32>
      %add3A_66 = arith.addi %mul3A_28, %add3A_65 : vector<16xi32>
      %gather3A_67 = tpu.vector_load_idx %arg29[%add3A_66] : memref<128xf32, #tpu.memory_space<vmem>>[vector<16xi32>], vector<16xf32>,
      %add3A_68 = arith.constant 10 : i32
      %add3A_69 = vector.broadcast %add3A_68 : i32 to vector<16xi32>
      %add3A_70 = arith.addi %mul3A_28, %add3A_69 : vector<16xi32>
      %gather3A_71 = tpu.vector_load_idx %arg29[%add3A_70] : memref<128xf32, #tpu.memory_space<vmem>>[vector<16xi32>], vector<16xf32>,
      %add3A_72 = arith.constant 11 : i32
      %add3A_73 = vector.broadcast %add3A_72 : i32 to vector<16xi32>
      %add3A_74 = arith.addi %mul3A_28, %add3A_73 : vector<16xi32>
      %gather3A_75 = tpu.vector_load_idx %arg29[%add3A_74] : memref<128xf32, #tpu.memory_space<vmem>>[vector<16xi32>], vector<16xf32>,
      %get3A_76 = arith.index_cast %mul3A_22 : i32 to index
      %get3A_77 = tpu.vector_load %arg16[%get3A_76] {strides = array<i32>} : memref<8000xf32, #tpu.memory_space<vmem>>, vector<16xf32>,
      %get3A_78 = arith.index_cast %mul3A_22 : i32 to index
      %get3A_79 = tpu.vector_load %arg17[%get3A_78] {strides = array<i32>} : memref<8000xf32, #tpu.memory_space<vmem>>, vector<16xf32>,
      %get3A_80 = arith.index_cast %mul3A_22 : i32 to index
      %get3A_81 = tpu.vector_load %arg18[%get3A_80] {strides = array<i32>} : memref<8000xf32, #tpu.memory_space<vmem>>, vector<16xf32>,
      %mul3A_82 = arith.mulf %get3A_77, %gather3A : vector<16xf32>
      %mul3A_83 = arith.mulf %get3A_79, %gather3A_35 : vector<16xf32>
      %add3A_84 = arith.addf %mul3A_82, %mul3A_83 : vector<16xf32>
      %mul3A_85 = arith.mulf %get3A_81, %gather3A_39 : vector<16xf32>
      %add3A_86 = arith.addf %add3A_84, %mul3A_85 : vector<16xf32>
      %add3A_87 = arith.addf %add3A_86, %gather3A_43 : vector<16xf32>
      %mul3A_88 = arith.mulf %get3A_77, %gather3A_47 : vector<16xf32>
      %mul3A_89 = arith.mulf %get3A_79, %gather3A_51 : vector<16xf32>
      %add3A_90 = arith.addf %mul3A_88, %mul3A_89 : vector<16xf32>
      %mul3A_91 = arith.mulf %get3A_81, %gather3A_55 : vector<16xf32>
      %add3A_92 = arith.addf %add3A_90, %mul3A_91 : vector<16xf32>
      %add3A_93 = arith.addf %add3A_92, %gather3A_59 : vector<16xf32>
      %mul3A_94 = arith.mulf %get3A_77, %gather3A_63 : vector<16xf32>
      %mul3A_95 = arith.mulf %get3A_79, %gather3A_67 : vector<16xf32>
      %add3A_96 = arith.addf %mul3A_94, %mul3A_95 : vector<16xf32>
      %mul3A_97 = arith.mulf %get3A_81, %gather3A_71 : vector<16xf32>
      %add3A_98 = arith.addf %add3A_96, %mul3A_97 : vector<16xf32>
      %add3A_99 = arith.addf %add3A_98, %gather3A_75 : vector<16xf32>
      %ge3A = arith.constant 0.000000e+00 : f32
      %ge3A_100 = vector.broadcast %ge3A : f32 to vector<16xf32>
      %ge3A_101 = arith.cmpf oge, %add3A_87, %ge3A_100 : vector<16xf32>
      %lt3A = arith.constant 6.000000e+00 : f32
      %lt3A_102 = vector.broadcast %lt3A : f32 to vector<16xf32>
      %lt3A_103 = arith.cmpf olt, %add3A_87, %lt3A_102 : vector<16xf32>
      %and3A = arith.andi %ge3A_101, %lt3A_103 : vector<16xi1>
      %ge3A_104 = arith.constant 0.000000e+00 : f32
      %ge3A_105 = vector.broadcast %ge3A_104 : f32 to vector<16xf32>
      %ge3A_106 = arith.cmpf oge, %add3A_93, %ge3A_105 : vector<16xf32>
      %and3A_107 = arith.andi %and3A, %ge3A_106 : vector<16xi1>
      %lt3A_108 = arith.constant 6.000000e+00 : f32
      %lt3A_109 = vector.broadcast %lt3A_108 : f32 to vector<16xf32>
      %lt3A_110 = arith.cmpf olt, %add3A_93, %lt3A_109 : vector<16xf32>
      %and3A_111 = arith.andi %and3A_107, %lt3A_110 : vector<16xi1>
      %ge3A_112 = arith.constant 0.000000e+00 : f32
      %ge3A_113 = vector.broadcast %ge3A_112 : f32 to vector<16xf32>
      %ge3A_114 = arith.cmpf oge, %add3A_99, %ge3A_113 : vector<16xf32>
      %and3A_115 = arith.andi %and3A_111, %ge3A_114 : vector<16xi1>
      %lt3A_116 = arith.constant 3.000000e+00 : f32
      %lt3A_117 = vector.broadcast %lt3A_116 : f32 to vector<16xf32>
      %lt3A_118 = arith.cmpf olt, %add3A_99, %lt3A_117 : vector<16xf32>
      %and3A_119 = arith.andi %and3A_115, %lt3A_118 : vector<16xi1>
      %broadcast_in_dim3A = arith.constant 0.000000e+00 : f32
      %broadcast_in_dim3A_120 = vector.broadcast %broadcast_in_dim3A : f32 to vector<16xf32>
      %swap3A = arith.index_cast %mul3A_22 : i32 to index
      %swap3A_121 = tpu.vector_load %arg22[%swap3A] {strides = array<i32>} : memref<8000xf32, #tpu.memory_space<vmem>>, vector<16xf32>,
      tpu.vector_store %arg22[%swap3A], %add3A_87 {strides = array<i32>} : memref<8000xf32, #tpu.memory_space<vmem>>, vector<16xf32>,
      %swap3A_122 = arith.index_cast %mul3A_22 : i32 to index
      %swap3A_123 = tpu.vector_load %arg23[%swap3A_122] {strides = array<i32>} : memref<8000xf32, #tpu.memory_space<vmem>>, vector<16xf32>,
      tpu.vector_store %arg23[%swap3A_122], %add3A_93 {strides = array<i32>} : memref<8000xf32, #tpu.memory_space<vmem>>, vector<16xf32>,
      %swap3A_124 = arith.index_cast %mul3A_22 : i32 to index
      %swap3A_125 = tpu.vector_load %arg24[%swap3A_124] {strides = array<i32>} : memref<8000xf32, #tpu.memory_space<vmem>>, vector<16xf32>,
      tpu.vector_store %arg24[%swap3A_124], %add3A_99 {strides = array<i32>} : memref<8000xf32, #tpu.memory_space<vmem>>, vector<16xf32>,
      %jit3A = arith.constant 1.000000e+00 : f32
      %broadcast_in_dim3A_126 = vector.broadcast %jit3A : f32 to vector<16xf32>
      %select_n3A = arith.select %and3A_119, %broadcast_in_dim3A_126, %broadcast_in_dim3A_120 : vector<16xi1>, vector<16xf32>
      %swap3A_127 = arith.index_cast %mul3A_22 : i32 to index
      %swap3A_128 = tpu.vector_load %arg25[%swap3A_127] {strides = array<i32>} : memref<8000xf32, #tpu.memory_space<vmem>>, vector<16xf32>,
      tpu.vector_store %arg25[%swap3A_127], %select_n3A {strides = array<i32>} : memref<8000xf32, #tpu.memory_space<vmem>>, vector<16xf32>,
      %swap3A_129 = arith.index_cast %mul3A_22 : i32 to index
      %swap3A_130 = tpu.vector_load %arg26[%swap3A_129] {strides = array<i32>} : memref<8000xi32, #tpu.memory_space<vmem>>, vector<16xi32>,
      tpu.vector_store %arg26[%swap3A_129], %rem3A_25 {strides = array<i32>} : memref<8000xi32, #tpu.memory_space<vmem>>, vector<16xi32>,
      %get3A_131 = arith.index_cast %mul3A_22 : i32 to index
      %get3A_132 = tpu.vector_load %arg20[%get3A_131] {strides = array<i32>} : memref<8000xf32, #tpu.memory_space<vmem>>, vector<16xf32>,
      %select_n3A_133 = arith.select %and3A_119, %get3A_132, %broadcast_in_dim3A_120 : vector<16xi1>, vector<16xf32>
      %swap3A_134 = arith.index_cast %mul3A_22 : i32 to index
      %swap3A_135 = tpu.vector_load %arg27[%swap3A_134] {strides = array<i32>} : memref<8000xf32, #tpu.memory_space<vmem>>, vector<16xf32>,
      tpu.vector_store %arg27[%swap3A_134], %select_n3A_133 {strides = array<i32>} : memref<8000xf32, #tpu.memory_space<vmem>>, vector<16xf32>,
      %get3A_136 = arith.index_cast %mul3A_22 : i32 to index
      %get3A_137 = tpu.vector_load %arg21[%get3A_136] {strides = array<i32>} : memref<8000xf32, #tpu.memory_space<vmem>>, vector<16xf32>,
      %select_n3A_138 = arith.select %and3A_119, %get3A_137, %broadcast_in_dim3A_120 : vector<16xi1>, vector<16xf32>
      %swap3A_139 = arith.index_cast %mul3A_22 : i32 to index
      %swap3A_140 = tpu.vector_load %arg28[%swap3A_139] {strides = array<i32>} : memref<8000xf32, #tpu.memory_space<vmem>>, vector<16xf32>,
      tpu.vector_store %arg28[%swap3A_139], %select_n3A_138 {strides = array<i32>} : memref<8000xf32, #tpu.memory_space<vmem>>, vector<16xf32>,
    }
    %scan3A_19 = arith.constant 500 : i32
    "tpu.region"() ({
      %run_scoped3A = tpu.sem_alloc : memref<!tpu.dma_semaphore, #tpu.memory_space<semaphore_mem>>
      %dma_start3A = tpu.memref_slice %arg9[%add3A_13] : memref<512000xf32, #tpu.memory_space<hbm>> -> memref<8000xf32, #tpu.memory_space<hbm>>
      %dma_start3A_20 = tpu.memref_slice %arg9[%add3A_13] : memref<512000xf32, #tpu.memory_space<hbm>> -> memref<8000xf32, #tpu.memory_space<hbm>>
      tpu.enqueue_dma source(%arg22 : memref<8000xf32, #tpu.memory_space<vmem>>) target(%dma_start3A_20 : memref<8000xf32, #tpu.memory_space<hbm>>) target_semaphore(%run_scoped3A : memref<!tpu.dma_semaphore, #tpu.memory_space<semaphore_mem>>)
      %dma_wait3A = tpu.memref_slice %arg9[%add3A_13] : memref<512000xf32, #tpu.memory_space<hbm>> -> memref<8000xf32, #tpu.memory_space<hbm>>
      %dma_wait3A_21 = tpu.memref_slice %arg9[%add3A_13] : memref<512000xf32, #tpu.memory_space<hbm>> -> memref<8000xf32, #tpu.memory_space<hbm>>
      tpu.wait_dma2 semaphore(%run_scoped3A : memref<!tpu.dma_semaphore, #tpu.memory_space<semaphore_mem>>) src(%arg22 : memref<8000xf32, #tpu.memory_space<vmem>>) dst(%dma_wait3A_21 : memref<8000xf32, #tpu.memory_space<hbm>>)
      tpu.yield
    }) : () -> ()
    "tpu.region"() ({
      %run_scoped3A = tpu.sem_alloc : memref<!tpu.dma_semaphore, #tpu.memory_space<semaphore_mem>>
      %dma_start3A = tpu.memref_slice %arg10[%add3A_13] : memref<512000xf32, #tpu.memory_space<hbm>> -> memref<8000xf32, #tpu.memory_space<hbm>>
      %dma_start3A_20 = tpu.memref_slice %arg10[%add3A_13] : memref<512000xf32, #tpu.memory_space<hbm>> -> memref<8000xf32, #tpu.memory_space<hbm>>
      tpu.enqueue_dma source(%arg23 : memref<8000xf32, #tpu.memory_space<vmem>>) target(%dma_start3A_20 : memref<8000xf32, #tpu.memory_space<hbm>>) target_semaphore(%run_scoped3A : memref<!tpu.dma_semaphore, #tpu.memory_space<semaphore_mem>>)
      %dma_wait3A = tpu.memref_slice %arg10[%add3A_13] : memref<512000xf32, #tpu.memory_space<hbm>> -> memref<8000xf32, #tpu.memory_space<hbm>>
      %dma_wait3A_21 = tpu.memref_slice %arg10[%add3A_13] : memref<512000xf32, #tpu.memory_space<hbm>> -> memref<8000xf32, #tpu.memory_space<hbm>>
      tpu.wait_dma2 semaphore(%run_scoped3A : memref<!tpu.dma_semaphore, #tpu.memory_space<semaphore_mem>>) src(%arg23 : memref<8000xf32, #tpu.memory_space<vmem>>) dst(%dma_wait3A_21 : memref<8000xf32, #tpu.memory_space<hbm>>)
      tpu.yield
    }) : () -> ()
    "tpu.region"() ({
      %run_scoped3A = tpu.sem_alloc : memref<!tpu.dma_semaphore, #tpu.memory_space<semaphore_mem>>
      %dma_start3A = tpu.memref_slice %arg11[%add3A_13] : memref<512000xf32, #tpu.memory_space<hbm>> -> memref<8000xf32, #tpu.memory_space<hbm>>
      %dma_start3A_20 = tpu.memref_slice %arg11[%add3A_13] : memref<512000xf32, #tpu.memory_space<hbm>> -> memref<8000xf32, #tpu.memory_space<hbm>>
      tpu.enqueue_dma source(%arg24 : memref<8000xf32, #tpu.memory_space<vmem>>) target(%dma_start3A_20 : memref<8000xf32, #tpu.memory_space<hbm>>) target_semaphore(%run_scoped3A : memref<!tpu.dma_semaphore, #tpu.memory_space<semaphore_mem>>)
      %dma_wait3A = tpu.memref_slice %arg11[%add3A_13] : memref<512000xf32, #tpu.memory_space<hbm>> -> memref<8000xf32, #tpu.memory_space<hbm>>
      %dma_wait3A_21 = tpu.memref_slice %arg11[%add3A_13] : memref<512000xf32, #tpu.memory_space<hbm>> -> memref<8000xf32, #tpu.memory_space<hbm>>
      tpu.wait_dma2 semaphore(%run_scoped3A : memref<!tpu.dma_semaphore, #tpu.memory_space<semaphore_mem>>) src(%arg24 : memref<8000xf32, #tpu.memory_space<vmem>>) dst(%dma_wait3A_21 : memref<8000xf32, #tpu.memory_space<hbm>>)
      tpu.yield
    }) : () -> ()
    "tpu.region"() ({
      %run_scoped3A = tpu.sem_alloc : memref<!tpu.dma_semaphore, #tpu.memory_space<semaphore_mem>>
      %dma_start3A = tpu.memref_slice %arg12[%add3A_13] : memref<512000xf32, #tpu.memory_space<hbm>> -> memref<8000xf32, #tpu.memory_space<hbm>>
      %dma_start3A_20 = tpu.memref_slice %arg12[%add3A_13] : memref<512000xf32, #tpu.memory_space<hbm>> -> memref<8000xf32, #tpu.memory_space<hbm>>
      tpu.enqueue_dma source(%arg25 : memref<8000xf32, #tpu.memory_space<vmem>>) target(%dma_start3A_20 : memref<8000xf32, #tpu.memory_space<hbm>>) target_semaphore(%run_scoped3A : memref<!tpu.dma_semaphore, #tpu.memory_space<semaphore_mem>>)
      %dma_wait3A = tpu.memref_slice %arg12[%add3A_13] : memref<512000xf32, #tpu.memory_space<hbm>> -> memref<8000xf32, #tpu.memory_space<hbm>>
      %dma_wait3A_21 = tpu.memref_slice %arg12[%add3A_13] : memref<512000xf32, #tpu.memory_space<hbm>> -> memref<8000xf32, #tpu.memory_space<hbm>>
      tpu.wait_dma2 semaphore(%run_scoped3A : memref<!tpu.dma_semaphore, #tpu.memory_space<semaphore_mem>>) src(%arg25 : memref<8000xf32, #tpu.memory_space<vmem>>) dst(%dma_wait3A_21 : memref<8000xf32, #tpu.memory_space<hbm>>)
      tpu.yield
    }) : () -> ()
    "tpu.region"() ({
      %run_scoped3A = tpu.sem_alloc : memref<!tpu.dma_semaphore, #tpu.memory_space<semaphore_mem>>
      %dma_start3A = tpu.memref_slice %arg13[%add3A_13] : memref<512000xi32, #tpu.memory_space<hbm>> -> memref<8000xi32, #tpu.memory_space<hbm>>
      %dma_start3A_20 = tpu.memref_slice %arg13[%add3A_13] : memref<512000xi32, #tpu.memory_space<hbm>> -> memref<8000xi32, #tpu.memory_space<hbm>>
      tpu.enqueue_dma source(%arg26 : memref<8000xi32, #tpu.memory_space<vmem>>) target(%dma_start3A_20 : memref<8000xi32, #tpu.memory_space<hbm>>) target_semaphore(%run_scoped3A : memref<!tpu.dma_semaphore, #tpu.memory_space<semaphore_mem>>)
      %dma_wait3A = tpu.memref_slice %arg13[%add3A_13] : memref<512000xi32, #tpu.memory_space<hbm>> -> memref<8000xi32, #tpu.memory_space<hbm>>
      %dma_wait3A_21 = tpu.memref_slice %arg13[%add3A_13] : memref<512000xi32, #tpu.memory_space<hbm>> -> memref<8000xi32, #tpu.memory_space<hbm>>
      tpu.wait_dma2 semaphore(%run_scoped3A : memref<!tpu.dma_semaphore, #tpu.memory_space<semaphore_mem>>) src(%arg26 : memref<8000xi32, #tpu.memory_space<vmem>>) dst(%dma_wait3A_21 : memref<8000xi32, #tpu.memory_space<hbm>>)
      tpu.yield
    }) : () -> ()
    "tpu.region"() ({
      %run_scoped3A = tpu.sem_alloc : memref<!tpu.dma_semaphore, #tpu.memory_space<semaphore_mem>>
      %dma_start3A = tpu.memref_slice %arg14[%add3A_13] : memref<512000xf32, #tpu.memory_space<hbm>> -> memref<8000xf32, #tpu.memory_space<hbm>>
      %dma_start3A_20 = tpu.memref_slice %arg14[%add3A_13] : memref<512000xf32, #tpu.memory_space<hbm>> -> memref<8000xf32, #tpu.memory_space<hbm>>
      tpu.enqueue_dma source(%arg27 : memref<8000xf32, #tpu.memory_space<vmem>>) target(%dma_start3A_20 : memref<8000xf32, #tpu.memory_space<hbm>>) target_semaphore(%run_scoped3A : memref<!tpu.dma_semaphore, #tpu.memory_space<semaphore_mem>>)
      %dma_wait3A = tpu.memref_slice %arg14[%add3A_13] : memref<512000xf32, #tpu.memory_space<hbm>> -> memref<8000xf32, #tpu.memory_space<hbm>>
      %dma_wait3A_21 = tpu.memref_slice %arg14[%add3A_13] : memref<512000xf32, #tpu.memory_space<hbm>> -> memref<8000xf32, #tpu.memory_space<hbm>>
      tpu.wait_dma2 semaphore(%run_scoped3A : memref<!tpu.dma_semaphore, #tpu.memory_space<semaphore_mem>>) src(%arg27 : memref<8000xf32, #tpu.memory_space<vmem>>) dst(%dma_wait3A_21 : memref<8000xf32, #tpu.memory_space<hbm>>)
      tpu.yield
    }) : () -> ()
    "tpu.region"() ({
      %run_scoped3A = tpu.sem_alloc : memref<!tpu.dma_semaphore, #tpu.memory_space<semaphore_mem>>
      %dma_start3A = tpu.memref_slice %arg15[%add3A_13] : memref<512000xf32, #tpu.memory_space<hbm>> -> memref<8000xf32, #tpu.memory_space<hbm>>
      %dma_start3A_20 = tpu.memref_slice %arg15[%add3A_13] : memref<512000xf32, #tpu.memory_space<hbm>> -> memref<8000xf32, #tpu.memory_space<hbm>>
      tpu.enqueue_dma source(%arg28 : memref<8000xf32, #tpu.memory_space<vmem>>) target(%dma_start3A_20 : memref<8000xf32, #tpu.memory_space<hbm>>) target_semaphore(%run_scoped3A : memref<!tpu.dma_semaphore, #tpu.memory_space<semaphore_mem>>)
      %dma_wait3A = tpu.memref_slice %arg15[%add3A_13] : memref<512000xf32, #tpu.memory_space<hbm>> -> memref<8000xf32, #tpu.memory_space<hbm>>
      %dma_wait3A_21 = tpu.memref_slice %arg15[%add3A_13] : memref<512000xf32, #tpu.memory_space<hbm>> -> memref<8000xf32, #tpu.memory_space<hbm>>
      tpu.wait_dma2 semaphore(%run_scoped3A : memref<!tpu.dma_semaphore, #tpu.memory_space<semaphore_mem>>) src(%arg28 : memref<8000xf32, #tpu.memory_space<vmem>>) dst(%dma_wait3A_21 : memref<8000xf32, #tpu.memory_space<hbm>>)
      tpu.yield
    }) : () -> ()
    return
  }
}

module attributes {stable_mosaic.version = 14 : i64} {
  func.func @_transform_body(%arg0: memref<8x16xf32, #tpu.memory_space<vmem>>, %arg1: memref<8x16xf32, #tpu.memory_space<vmem>>, %arg2: memref<8x16xf32, #tpu.memory_space<vmem>>) attributes {dimension_semantics = [], scalar_prefetch = 0 : i64, scratch_operands = 0 : i64, tpu.core_type = #tpu.core_type<tc>} {
    %get3A = arith.constant 0 : index
    %get3A_0 = arith.constant 0 : index
    %get3A_1 = vector.load %arg0[%get3A, %get3A_0] : memref<8x16xf32, #tpu.memory_space<vmem>>, vector<8x16xf32>
    %convert_element_type3A = arith.truncf %get3A_1 : vector<8x16xf32> to vector<8x16xbf16>
    %convert_element_type3A_2 = arith.extf %convert_element_type3A : vector<8x16xbf16> to vector<8x16xf32>
    %get3A_3 = arith.constant 0 : index
    %get3A_4 = arith.constant 0 : index
    %get3A_5 = vector.load %arg1[%get3A_3, %get3A_4] : memref<8x16xf32, #tpu.memory_space<vmem>>, vector<8x16xf32>
    %convert_element_type3A_6 = arith.truncf %get3A_5 : vector<8x16xf32> to vector<8x16xbf16>
    %convert_element_type3A_7 = arith.extf %convert_element_type3A_6 : vector<8x16xbf16> to vector<8x16xf32>
    %slice3A = vector.extract_strided_slice %convert_element_type3A_2 {offsets = [0, 0], sizes = [8, 1], strides = [1, 1]} : vector<8x16xf32> to vector<8x1xf32>
    %slice3A_8 = vector.extract_strided_slice %convert_element_type3A_2 {offsets = [0, 1], sizes = [8, 1], strides = [1, 1]} : vector<8x16xf32> to vector<8x1xf32>
    %slice3A_9 = vector.extract_strided_slice %convert_element_type3A_2 {offsets = [0, 2], sizes = [8, 1], strides = [1, 1]} : vector<8x16xf32> to vector<8x1xf32>
    %slice3A_10 = vector.extract_strided_slice %convert_element_type3A_2 {offsets = [0, 3], sizes = [8, 1], strides = [1, 1]} : vector<8x16xf32> to vector<8x1xf32>
    %slice3A_11 = vector.extract_strided_slice %convert_element_type3A_2 {offsets = [0, 4], sizes = [8, 1], strides = [1, 1]} : vector<8x16xf32> to vector<8x1xf32>
    %slice3A_12 = vector.extract_strided_slice %convert_element_type3A_2 {offsets = [0, 5], sizes = [8, 1], strides = [1, 1]} : vector<8x16xf32> to vector<8x1xf32>
    %slice3A_13 = vector.extract_strided_slice %convert_element_type3A_2 {offsets = [0, 6], sizes = [8, 1], strides = [1, 1]} : vector<8x16xf32> to vector<8x1xf32>
    %slice3A_14 = vector.extract_strided_slice %convert_element_type3A_2 {offsets = [0, 7], sizes = [8, 1], strides = [1, 1]} : vector<8x16xf32> to vector<8x1xf32>
    %slice3A_15 = vector.extract_strided_slice %convert_element_type3A_2 {offsets = [0, 8], sizes = [8, 1], strides = [1, 1]} : vector<8x16xf32> to vector<8x1xf32>
    %slice3A_16 = vector.extract_strided_slice %convert_element_type3A_2 {offsets = [0, 9], sizes = [8, 1], strides = [1, 1]} : vector<8x16xf32> to vector<8x1xf32>
    %slice3A_17 = vector.extract_strided_slice %convert_element_type3A_2 {offsets = [0, 10], sizes = [8, 1], strides = [1, 1]} : vector<8x16xf32> to vector<8x1xf32>
    %slice3A_18 = vector.extract_strided_slice %convert_element_type3A_2 {offsets = [0, 11], sizes = [8, 1], strides = [1, 1]} : vector<8x16xf32> to vector<8x1xf32>
    %slice3A_19 = vector.extract_strided_slice %convert_element_type3A_2 {offsets = [0, 12], sizes = [8, 1], strides = [1, 1]} : vector<8x16xf32> to vector<8x1xf32>
    %slice3A_20 = vector.extract_strided_slice %convert_element_type3A_2 {offsets = [0, 13], sizes = [8, 1], strides = [1, 1]} : vector<8x16xf32> to vector<8x1xf32>
    %slice3A_21 = vector.extract_strided_slice %convert_element_type3A_2 {offsets = [0, 14], sizes = [8, 1], strides = [1, 1]} : vector<8x16xf32> to vector<8x1xf32>
    %slice3A_22 = vector.extract_strided_slice %convert_element_type3A_2 {offsets = [0, 15], sizes = [8, 1], strides = [1, 1]} : vector<8x16xf32> to vector<8x1xf32>
    %slice3A_23 = vector.extract_strided_slice %convert_element_type3A_7 {offsets = [0, 0], sizes = [8, 1], strides = [1, 1]} : vector<8x16xf32> to vector<8x1xf32>
    %slice3A_24 = vector.extract_strided_slice %convert_element_type3A_7 {offsets = [0, 1], sizes = [8, 1], strides = [1, 1]} : vector<8x16xf32> to vector<8x1xf32>
    %slice3A_25 = vector.extract_strided_slice %convert_element_type3A_7 {offsets = [0, 2], sizes = [8, 1], strides = [1, 1]} : vector<8x16xf32> to vector<8x1xf32>
    %slice3A_26 = vector.extract_strided_slice %convert_element_type3A_7 {offsets = [0, 3], sizes = [8, 1], strides = [1, 1]} : vector<8x16xf32> to vector<8x1xf32>
    %slice3A_27 = vector.extract_strided_slice %convert_element_type3A_7 {offsets = [0, 4], sizes = [8, 1], strides = [1, 1]} : vector<8x16xf32> to vector<8x1xf32>
    %slice3A_28 = vector.extract_strided_slice %convert_element_type3A_7 {offsets = [0, 5], sizes = [8, 1], strides = [1, 1]} : vector<8x16xf32> to vector<8x1xf32>
    %slice3A_29 = vector.extract_strided_slice %convert_element_type3A_7 {offsets = [0, 6], sizes = [8, 1], strides = [1, 1]} : vector<8x16xf32> to vector<8x1xf32>
    %slice3A_30 = vector.extract_strided_slice %convert_element_type3A_7 {offsets = [0, 7], sizes = [8, 1], strides = [1, 1]} : vector<8x16xf32> to vector<8x1xf32>
    %slice3A_31 = vector.extract_strided_slice %convert_element_type3A_7 {offsets = [0, 8], sizes = [8, 1], strides = [1, 1]} : vector<8x16xf32> to vector<8x1xf32>
    %slice3A_32 = vector.extract_strided_slice %convert_element_type3A_7 {offsets = [0, 9], sizes = [8, 1], strides = [1, 1]} : vector<8x16xf32> to vector<8x1xf32>
    %slice3A_33 = vector.extract_strided_slice %convert_element_type3A_7 {offsets = [0, 10], sizes = [8, 1], strides = [1, 1]} : vector<8x16xf32> to vector<8x1xf32>
    %slice3A_34 = vector.extract_strided_slice %convert_element_type3A_7 {offsets = [0, 11], sizes = [8, 1], strides = [1, 1]} : vector<8x16xf32> to vector<8x1xf32>
    %slice3A_35 = vector.extract_strided_slice %convert_element_type3A_7 {offsets = [0, 12], sizes = [8, 1], strides = [1, 1]} : vector<8x16xf32> to vector<8x1xf32>
    %slice3A_36 = vector.extract_strided_slice %convert_element_type3A_7 {offsets = [0, 13], sizes = [8, 1], strides = [1, 1]} : vector<8x16xf32> to vector<8x1xf32>
    %slice3A_37 = vector.extract_strided_slice %convert_element_type3A_7 {offsets = [0, 14], sizes = [8, 1], strides = [1, 1]} : vector<8x16xf32> to vector<8x1xf32>
    %slice3A_38 = vector.extract_strided_slice %convert_element_type3A_7 {offsets = [0, 15], sizes = [8, 1], strides = [1, 1]} : vector<8x16xf32> to vector<8x1xf32>
    %mul3A = arith.mulf %slice3A, %slice3A_23 : vector<8x1xf32>
    %add3A = arith.constant 0.000000e+00 : f32
    %add3A_39 = vector.broadcast %add3A : f32 to vector<8x1xf32>
    %add3A_40 = arith.addf %add3A_39, %mul3A : vector<8x1xf32>
    %mul3A_41 = arith.mulf %slice3A_8, %slice3A_27 : vector<8x1xf32>
    %add3A_42 = arith.addf %add3A_40, %mul3A_41 : vector<8x1xf32>
    %mul3A_43 = arith.mulf %slice3A_9, %slice3A_31 : vector<8x1xf32>
    %add3A_44 = arith.addf %add3A_42, %mul3A_43 : vector<8x1xf32>
    %mul3A_45 = arith.mulf %slice3A_10, %slice3A_35 : vector<8x1xf32>
    %add3A_46 = arith.addf %add3A_44, %mul3A_45 : vector<8x1xf32>
    %mul3A_47 = arith.mulf %slice3A, %slice3A_24 : vector<8x1xf32>
    %add3A_48 = arith.constant 0.000000e+00 : f32
    %add3A_49 = vector.broadcast %add3A_48 : f32 to vector<8x1xf32>
    %add3A_50 = arith.addf %add3A_49, %mul3A_47 : vector<8x1xf32>
    %mul3A_51 = arith.mulf %slice3A_8, %slice3A_28 : vector<8x1xf32>
    %add3A_52 = arith.addf %add3A_50, %mul3A_51 : vector<8x1xf32>
    %mul3A_53 = arith.mulf %slice3A_9, %slice3A_32 : vector<8x1xf32>
    %add3A_54 = arith.addf %add3A_52, %mul3A_53 : vector<8x1xf32>
    %mul3A_55 = arith.mulf %slice3A_10, %slice3A_36 : vector<8x1xf32>
    %add3A_56 = arith.addf %add3A_54, %mul3A_55 : vector<8x1xf32>
    %mul3A_57 = arith.mulf %slice3A, %slice3A_25 : vector<8x1xf32>
    %add3A_58 = arith.constant 0.000000e+00 : f32
    %add3A_59 = vector.broadcast %add3A_58 : f32 to vector<8x1xf32>
    %add3A_60 = arith.addf %add3A_59, %mul3A_57 : vector<8x1xf32>
    %mul3A_61 = arith.mulf %slice3A_8, %slice3A_29 : vector<8x1xf32>
    %add3A_62 = arith.addf %add3A_60, %mul3A_61 : vector<8x1xf32>
    %mul3A_63 = arith.mulf %slice3A_9, %slice3A_33 : vector<8x1xf32>
    %add3A_64 = arith.addf %add3A_62, %mul3A_63 : vector<8x1xf32>
    %mul3A_65 = arith.mulf %slice3A_10, %slice3A_37 : vector<8x1xf32>
    %add3A_66 = arith.addf %add3A_64, %mul3A_65 : vector<8x1xf32>
    %mul3A_67 = arith.mulf %slice3A, %slice3A_26 : vector<8x1xf32>
    %add3A_68 = arith.constant 0.000000e+00 : f32
    %add3A_69 = vector.broadcast %add3A_68 : f32 to vector<8x1xf32>
    %add3A_70 = arith.addf %add3A_69, %mul3A_67 : vector<8x1xf32>
    %mul3A_71 = arith.mulf %slice3A_8, %slice3A_30 : vector<8x1xf32>
    %add3A_72 = arith.addf %add3A_70, %mul3A_71 : vector<8x1xf32>
    %mul3A_73 = arith.mulf %slice3A_9, %slice3A_34 : vector<8x1xf32>
    %add3A_74 = arith.addf %add3A_72, %mul3A_73 : vector<8x1xf32>
    %mul3A_75 = arith.mulf %slice3A_10, %slice3A_38 : vector<8x1xf32>
    %add3A_76 = arith.addf %add3A_74, %mul3A_75 : vector<8x1xf32>
    %mul3A_77 = arith.mulf %slice3A_11, %slice3A_23 : vector<8x1xf32>
    %add3A_78 = arith.constant 0.000000e+00 : f32
    %add3A_79 = vector.broadcast %add3A_78 : f32 to vector<8x1xf32>
    %add3A_80 = arith.addf %add3A_79, %mul3A_77 : vector<8x1xf32>
    %mul3A_81 = arith.mulf %slice3A_12, %slice3A_27 : vector<8x1xf32>
    %add3A_82 = arith.addf %add3A_80, %mul3A_81 : vector<8x1xf32>
    %mul3A_83 = arith.mulf %slice3A_13, %slice3A_31 : vector<8x1xf32>
    %add3A_84 = arith.addf %add3A_82, %mul3A_83 : vector<8x1xf32>
    %mul3A_85 = arith.mulf %slice3A_14, %slice3A_35 : vector<8x1xf32>
    %add3A_86 = arith.addf %add3A_84, %mul3A_85 : vector<8x1xf32>
    %mul3A_87 = arith.mulf %slice3A_11, %slice3A_24 : vector<8x1xf32>
    %add3A_88 = arith.constant 0.000000e+00 : f32
    %add3A_89 = vector.broadcast %add3A_88 : f32 to vector<8x1xf32>
    %add3A_90 = arith.addf %add3A_89, %mul3A_87 : vector<8x1xf32>
    %mul3A_91 = arith.mulf %slice3A_12, %slice3A_28 : vector<8x1xf32>
    %add3A_92 = arith.addf %add3A_90, %mul3A_91 : vector<8x1xf32>
    %mul3A_93 = arith.mulf %slice3A_13, %slice3A_32 : vector<8x1xf32>
    %add3A_94 = arith.addf %add3A_92, %mul3A_93 : vector<8x1xf32>
    %mul3A_95 = arith.mulf %slice3A_14, %slice3A_36 : vector<8x1xf32>
    %add3A_96 = arith.addf %add3A_94, %mul3A_95 : vector<8x1xf32>
    %mul3A_97 = arith.mulf %slice3A_11, %slice3A_25 : vector<8x1xf32>
    %add3A_98 = arith.constant 0.000000e+00 : f32
    %add3A_99 = vector.broadcast %add3A_98 : f32 to vector<8x1xf32>
    %add3A_100 = arith.addf %add3A_99, %mul3A_97 : vector<8x1xf32>
    %mul3A_101 = arith.mulf %slice3A_12, %slice3A_29 : vector<8x1xf32>
    %add3A_102 = arith.addf %add3A_100, %mul3A_101 : vector<8x1xf32>
    %mul3A_103 = arith.mulf %slice3A_13, %slice3A_33 : vector<8x1xf32>
    %add3A_104 = arith.addf %add3A_102, %mul3A_103 : vector<8x1xf32>
    %mul3A_105 = arith.mulf %slice3A_14, %slice3A_37 : vector<8x1xf32>
    %add3A_106 = arith.addf %add3A_104, %mul3A_105 : vector<8x1xf32>
    %mul3A_107 = arith.mulf %slice3A_11, %slice3A_26 : vector<8x1xf32>
    %add3A_108 = arith.constant 0.000000e+00 : f32
    %add3A_109 = vector.broadcast %add3A_108 : f32 to vector<8x1xf32>
    %add3A_110 = arith.addf %add3A_109, %mul3A_107 : vector<8x1xf32>
    %mul3A_111 = arith.mulf %slice3A_12, %slice3A_30 : vector<8x1xf32>
    %add3A_112 = arith.addf %add3A_110, %mul3A_111 : vector<8x1xf32>
    %mul3A_113 = arith.mulf %slice3A_13, %slice3A_34 : vector<8x1xf32>
    %add3A_114 = arith.addf %add3A_112, %mul3A_113 : vector<8x1xf32>
    %mul3A_115 = arith.mulf %slice3A_14, %slice3A_38 : vector<8x1xf32>
    %add3A_116 = arith.addf %add3A_114, %mul3A_115 : vector<8x1xf32>
    %mul3A_117 = arith.mulf %slice3A_15, %slice3A_23 : vector<8x1xf32>
    %add3A_118 = arith.constant 0.000000e+00 : f32
    %add3A_119 = vector.broadcast %add3A_118 : f32 to vector<8x1xf32>
    %add3A_120 = arith.addf %add3A_119, %mul3A_117 : vector<8x1xf32>
    %mul3A_121 = arith.mulf %slice3A_16, %slice3A_27 : vector<8x1xf32>
    %add3A_122 = arith.addf %add3A_120, %mul3A_121 : vector<8x1xf32>
    %mul3A_123 = arith.mulf %slice3A_17, %slice3A_31 : vector<8x1xf32>
    %add3A_124 = arith.addf %add3A_122, %mul3A_123 : vector<8x1xf32>
    %mul3A_125 = arith.mulf %slice3A_18, %slice3A_35 : vector<8x1xf32>
    %add3A_126 = arith.addf %add3A_124, %mul3A_125 : vector<8x1xf32>
    %mul3A_127 = arith.mulf %slice3A_15, %slice3A_24 : vector<8x1xf32>
    %add3A_128 = arith.constant 0.000000e+00 : f32
    %add3A_129 = vector.broadcast %add3A_128 : f32 to vector<8x1xf32>
    %add3A_130 = arith.addf %add3A_129, %mul3A_127 : vector<8x1xf32>
    %mul3A_131 = arith.mulf %slice3A_16, %slice3A_28 : vector<8x1xf32>
    %add3A_132 = arith.addf %add3A_130, %mul3A_131 : vector<8x1xf32>
    %mul3A_133 = arith.mulf %slice3A_17, %slice3A_32 : vector<8x1xf32>
    %add3A_134 = arith.addf %add3A_132, %mul3A_133 : vector<8x1xf32>
    %mul3A_135 = arith.mulf %slice3A_18, %slice3A_36 : vector<8x1xf32>
    %add3A_136 = arith.addf %add3A_134, %mul3A_135 : vector<8x1xf32>
    %mul3A_137 = arith.mulf %slice3A_15, %slice3A_25 : vector<8x1xf32>
    %add3A_138 = arith.constant 0.000000e+00 : f32
    %add3A_139 = vector.broadcast %add3A_138 : f32 to vector<8x1xf32>
    %add3A_140 = arith.addf %add3A_139, %mul3A_137 : vector<8x1xf32>
    %mul3A_141 = arith.mulf %slice3A_16, %slice3A_29 : vector<8x1xf32>
    %add3A_142 = arith.addf %add3A_140, %mul3A_141 : vector<8x1xf32>
    %mul3A_143 = arith.mulf %slice3A_17, %slice3A_33 : vector<8x1xf32>
    %add3A_144 = arith.addf %add3A_142, %mul3A_143 : vector<8x1xf32>
    %mul3A_145 = arith.mulf %slice3A_18, %slice3A_37 : vector<8x1xf32>
    %add3A_146 = arith.addf %add3A_144, %mul3A_145 : vector<8x1xf32>
    %mul3A_147 = arith.mulf %slice3A_15, %slice3A_26 : vector<8x1xf32>
    %add3A_148 = arith.constant 0.000000e+00 : f32
    %add3A_149 = vector.broadcast %add3A_148 : f32 to vector<8x1xf32>
    %add3A_150 = arith.addf %add3A_149, %mul3A_147 : vector<8x1xf32>
    %mul3A_151 = arith.mulf %slice3A_16, %slice3A_30 : vector<8x1xf32>
    %add3A_152 = arith.addf %add3A_150, %mul3A_151 : vector<8x1xf32>
    %mul3A_153 = arith.mulf %slice3A_17, %slice3A_34 : vector<8x1xf32>
    %add3A_154 = arith.addf %add3A_152, %mul3A_153 : vector<8x1xf32>
    %mul3A_155 = arith.mulf %slice3A_18, %slice3A_38 : vector<8x1xf32>
    %add3A_156 = arith.addf %add3A_154, %mul3A_155 : vector<8x1xf32>
    %mul3A_157 = arith.mulf %slice3A_19, %slice3A_23 : vector<8x1xf32>
    %add3A_158 = arith.constant 0.000000e+00 : f32
    %add3A_159 = vector.broadcast %add3A_158 : f32 to vector<8x1xf32>
    %add3A_160 = arith.addf %add3A_159, %mul3A_157 : vector<8x1xf32>
    %mul3A_161 = arith.mulf %slice3A_20, %slice3A_27 : vector<8x1xf32>
    %add3A_162 = arith.addf %add3A_160, %mul3A_161 : vector<8x1xf32>
    %mul3A_163 = arith.mulf %slice3A_21, %slice3A_31 : vector<8x1xf32>
    %add3A_164 = arith.addf %add3A_162, %mul3A_163 : vector<8x1xf32>
    %mul3A_165 = arith.mulf %slice3A_22, %slice3A_35 : vector<8x1xf32>
    %add3A_166 = arith.addf %add3A_164, %mul3A_165 : vector<8x1xf32>
    %mul3A_167 = arith.mulf %slice3A_19, %slice3A_24 : vector<8x1xf32>
    %add3A_168 = arith.constant 0.000000e+00 : f32
    %add3A_169 = vector.broadcast %add3A_168 : f32 to vector<8x1xf32>
    %add3A_170 = arith.addf %add3A_169, %mul3A_167 : vector<8x1xf32>
    %mul3A_171 = arith.mulf %slice3A_20, %slice3A_28 : vector<8x1xf32>
    %add3A_172 = arith.addf %add3A_170, %mul3A_171 : vector<8x1xf32>
    %mul3A_173 = arith.mulf %slice3A_21, %slice3A_32 : vector<8x1xf32>
    %add3A_174 = arith.addf %add3A_172, %mul3A_173 : vector<8x1xf32>
    %mul3A_175 = arith.mulf %slice3A_22, %slice3A_36 : vector<8x1xf32>
    %add3A_176 = arith.addf %add3A_174, %mul3A_175 : vector<8x1xf32>
    %mul3A_177 = arith.mulf %slice3A_19, %slice3A_25 : vector<8x1xf32>
    %add3A_178 = arith.constant 0.000000e+00 : f32
    %add3A_179 = vector.broadcast %add3A_178 : f32 to vector<8x1xf32>
    %add3A_180 = arith.addf %add3A_179, %mul3A_177 : vector<8x1xf32>
    %mul3A_181 = arith.mulf %slice3A_20, %slice3A_29 : vector<8x1xf32>
    %add3A_182 = arith.addf %add3A_180, %mul3A_181 : vector<8x1xf32>
    %mul3A_183 = arith.mulf %slice3A_21, %slice3A_33 : vector<8x1xf32>
    %add3A_184 = arith.addf %add3A_182, %mul3A_183 : vector<8x1xf32>
    %mul3A_185 = arith.mulf %slice3A_22, %slice3A_37 : vector<8x1xf32>
    %add3A_186 = arith.addf %add3A_184, %mul3A_185 : vector<8x1xf32>
    %mul3A_187 = arith.mulf %slice3A_19, %slice3A_26 : vector<8x1xf32>
    %add3A_188 = arith.constant 0.000000e+00 : f32
    %add3A_189 = vector.broadcast %add3A_188 : f32 to vector<8x1xf32>
    %add3A_190 = arith.addf %add3A_189, %mul3A_187 : vector<8x1xf32>
    %mul3A_191 = arith.mulf %slice3A_20, %slice3A_30 : vector<8x1xf32>
    %add3A_192 = arith.addf %add3A_190, %mul3A_191 : vector<8x1xf32>
    %mul3A_193 = arith.mulf %slice3A_21, %slice3A_34 : vector<8x1xf32>
    %add3A_194 = arith.addf %add3A_192, %mul3A_193 : vector<8x1xf32>
    %mul3A_195 = arith.mulf %slice3A_22, %slice3A_38 : vector<8x1xf32>
    %add3A_196 = arith.addf %add3A_194, %mul3A_195 : vector<8x1xf32>
    %concatenate3A = tpu.concatenate %add3A_46, %add3A_56, %add3A_66, %add3A_76, %add3A_86, %add3A_96, %add3A_106, %add3A_116, %add3A_126, %add3A_136, %add3A_146, %add3A_156, %add3A_166, %add3A_176, %add3A_186, %add3A_196 in 1 : vector<8x1xf32>, vector<8x1xf32>, vector<8x1xf32>, vector<8x1xf32>, vector<8x1xf32>, vector<8x1xf32>, vector<8x1xf32>, vector<8x1xf32>, vector<8x1xf32>, vector<8x1xf32>, vector<8x1xf32>, vector<8x1xf32>, vector<8x1xf32>, vector<8x1xf32>, vector<8x1xf32>, vector<8x1xf32> -> vector<8x16xf32>
    %swap3A = arith.constant 0 : index
    %swap3A_197 = arith.constant 0 : index
    %swap3A_198 = vector.load %arg2[%swap3A, %swap3A_197] : memref<8x16xf32, #tpu.memory_space<vmem>>, vector<8x16xf32>
    tpu.vector_store %arg2[%swap3A, %swap3A_197], %concatenate3A {strides = array<i32>} : memref<8x16xf32, #tpu.memory_space<vmem>>, vector<8x16xf32>,
    return
  }
}

module attributes {stable_mosaic.version = 14 : i64} {
  func.func @_feat_body(%arg0: memref<500000x64xf32, #tpu.memory_space<any>>, %arg1: memref<4000x128xf32, #tpu.memory_space<any>>, %arg2: memref<500000x64xf32, #tpu.memory_space<any>>, %arg3: memref<3x4096x64xf32, #tpu.memory_space<vmem>>, %arg4: memref<3x32x128xf32, #tpu.memory_space<vmem>>, %arg5: memref<3x4096x64xf32, #tpu.memory_space<vmem>>, %arg6: memref<3x2x!tpu.dma_semaphore, #tpu.memory_space<semaphore_mem>>, %arg7: memref<3x!tpu.dma_semaphore, #tpu.memory_space<semaphore_mem>>, %arg8: memref<3x2x!tpu.dma_semaphore, #tpu.memory_space<semaphore_mem>>) attributes {dimension_semantics = [], scalar_prefetch = 0 : i64, scratch_operands = 6 : i64, tpu.core_type = #tpu.core_type<tc>} {
    %dma_start3A = arith.constant 0 : i32
    %dma_start3A_0 = arith.constant 0 : i32
    %dma_start3A_1 = arith.constant 0 : i32
    %dma_start3A_2 = tpu.memref_slice %arg6[%dma_start3A_0, %dma_start3A_1] : memref<3x2x!tpu.dma_semaphore, #tpu.memory_space<semaphore_mem>> -> memref<1x1x!tpu.dma_semaphore, #tpu.memory_space<semaphore_mem>>
    %dma_start3A_3 = tpu.memref_squeeze %dma_start3A_2 : memref<1x1x!tpu.dma_semaphore, #tpu.memory_space<semaphore_mem>> -> memref<!tpu.dma_semaphore, #tpu.memory_space<semaphore_mem>>
    %dma_start3A_4 = arith.constant 0 : i32
    %dma_start3A_5 = arith.constant 0 : i32
    %dma_start3A_6 = tpu.memref_slice %arg3[%dma_start3A, %dma_start3A_4, %dma_start3A_5] : memref<3x4096x64xf32, #tpu.memory_space<vmem>> -> memref<1x2048x64xf32, #tpu.memory_space<vmem>>
    %dma_start3A_7 = tpu.memref_squeeze %dma_start3A_6 : memref<1x2048x64xf32, #tpu.memory_space<vmem>> -> memref<2048x64xf32, #tpu.memory_space<vmem>>
    %dma_start3A_8 = arith.constant 0 : i32
    %dma_start3A_9 = arith.constant 0 : i32
    %dma_start3A_10 = tpu.memref_slice %arg0[%dma_start3A_8, %dma_start3A_9] : memref<500000x64xf32, #tpu.memory_space<any>> -> memref<2048x64xf32, #tpu.memory_space<any>>
    tpu.enqueue_dma source(%dma_start3A_10 : memref<2048x64xf32, #tpu.memory_space<any>>) target(%dma_start3A_7 : memref<2048x64xf32, #tpu.memory_space<vmem>>) target_semaphore(%dma_start3A_3 : memref<!tpu.dma_semaphore, #tpu.memory_space<semaphore_mem>>)
    %dma_start3A_11 = arith.constant 0 : i32
    %dma_start3A_12 = arith.constant 0 : i32
    %dma_start3A_13 = arith.constant 1 : i32
    %dma_start3A_14 = tpu.memref_slice %arg6[%dma_start3A_12, %dma_start3A_13] : memref<3x2x!tpu.dma_semaphore, #tpu.memory_space<semaphore_mem>> -> memref<1x1x!tpu.dma_semaphore, #tpu.memory_space<semaphore_mem>>
    %dma_start3A_15 = tpu.memref_squeeze %dma_start3A_14 : memref<1x1x!tpu.dma_semaphore, #tpu.memory_space<semaphore_mem>> -> memref<!tpu.dma_semaphore, #tpu.memory_space<semaphore_mem>>
    %dma_start3A_16 = arith.constant 2048 : i32
    %dma_start3A_17 = arith.constant 0 : i32
    %dma_start3A_18 = tpu.memref_slice %arg3[%dma_start3A_11, %dma_start3A_16, %dma_start3A_17] : memref<3x4096x64xf32, #tpu.memory_space<vmem>> -> memref<1x2048x64xf32, #tpu.memory_space<vmem>>
    %dma_start3A_19 = tpu.memref_squeeze %dma_start3A_18 : memref<1x2048x64xf32, #tpu.memory_space<vmem>> -> memref<2048x64xf32, #tpu.memory_space<vmem>>
    %dma_start3A_20 = arith.constant 2048 : i32
    %dma_start3A_21 = arith.constant 0 : i32
    %dma_start3A_22 = tpu.memref_slice %arg0[%dma_start3A_20, %dma_start3A_21] : memref<500000x64xf32, #tpu.memory_space<any>> -> memref<2048x64xf32, #tpu.memory_space<any>>
    tpu.enqueue_dma source(%dma_start3A_22 : memref<2048x64xf32, #tpu.memory_space<any>>) target(%dma_start3A_19 : memref<2048x64xf32, #tpu.memory_space<vmem>>) target_semaphore(%dma_start3A_15 : memref<!tpu.dma_semaphore, #tpu.memory_space<semaphore_mem>>)
    %dma_start3A_23 = arith.constant 0 : i32
    %dma_start3A_24 = arith.constant 0 : i32
    %dma_start3A_25 = tpu.memref_slice %arg7[%dma_start3A_24] : memref<3x!tpu.dma_semaphore, #tpu.memory_space<semaphore_mem>> -> memref<1x!tpu.dma_semaphore, #tpu.memory_space<semaphore_mem>>
    %dma_start3A_26 = tpu.memref_squeeze %dma_start3A_25 : memref<1x!tpu.dma_semaphore, #tpu.memory_space<semaphore_mem>> -> memref<!tpu.dma_semaphore, #tpu.memory_space<semaphore_mem>>
    %dma_start3A_27 = arith.constant 0 : i32
    %dma_start3A_28 = arith.constant 0 : i32
    %dma_start3A_29 = tpu.memref_slice %arg4[%dma_start3A_23, %dma_start3A_27, %dma_start3A_28] : memref<3x32x128xf32, #tpu.memory_space<vmem>> -> memref<1x32x128xf32, #tpu.memory_space<vmem>>
    %dma_start3A_30 = tpu.memref_squeeze %dma_start3A_29 : memref<1x32x128xf32, #tpu.memory_space<vmem>> -> memref<32x128xf32, #tpu.memory_space<vmem>>
    %dma_start3A_31 = arith.constant 0 : i32
    %dma_start3A_32 = arith.constant 0 : i32
    %dma_start3A_33 = tpu.memref_slice %arg1[%dma_start3A_31, %dma_start3A_32] : memref<4000x128xf32, #tpu.memory_space<any>> -> memref<32x128xf32, #tpu.memory_space<any>>
    tpu.enqueue_dma source(%dma_start3A_33 : memref<32x128xf32, #tpu.memory_space<any>>) target(%dma_start3A_30 : memref<32x128xf32, #tpu.memory_space<vmem>>) target_semaphore(%dma_start3A_26 : memref<!tpu.dma_semaphore, #tpu.memory_space<semaphore_mem>>)
    %dma_start3A_34 = arith.constant 1 : i32
    %dma_start3A_35 = arith.constant 1 : i32
    %dma_start3A_36 = arith.constant 0 : i32
    %dma_start3A_37 = tpu.memref_slice %arg6[%dma_start3A_35, %dma_start3A_36] : memref<3x2x!tpu.dma_semaphore, #tpu.memory_space<semaphore_mem>> -> memref<1x1x!tpu.dma_semaphore, #tpu.memory_space<semaphore_mem>>
    %dma_start3A_38 = tpu.memref_squeeze %dma_start3A_37 : memref<1x1x!tpu.dma_semaphore, #tpu.memory_space<semaphore_mem>> -> memref<!tpu.dma_semaphore, #tpu.memory_space<semaphore_mem>>
    %dma_start3A_39 = arith.constant 0 : i32
    %dma_start3A_40 = arith.constant 0 : i32
    %dma_start3A_41 = tpu.memref_slice %arg3[%dma_start3A_34, %dma_start3A_39, %dma_start3A_40] : memref<3x4096x64xf32, #tpu.memory_space<vmem>> -> memref<1x2048x64xf32, #tpu.memory_space<vmem>>
    %dma_start3A_42 = tpu.memref_squeeze %dma_start3A_41 : memref<1x2048x64xf32, #tpu.memory_space<vmem>> -> memref<2048x64xf32, #tpu.memory_space<vmem>>
    %dma_start3A_43 = arith.constant 4096 : i32
    %dma_start3A_44 = arith.constant 0 : i32
    %dma_start3A_45 = tpu.memref_slice %arg0[%dma_start3A_43, %dma_start3A_44] : memref<500000x64xf32, #tpu.memory_space<any>> -> memref<2048x64xf32, #tpu.memory_space<any>>
    tpu.enqueue_dma source(%dma_start3A_45 : memref<2048x64xf32, #tpu.memory_space<any>>) target(%dma_start3A_42 : memref<2048x64xf32, #tpu.memory_space<vmem>>) target_semaphore(%dma_start3A_38 : memref<!tpu.dma_semaphore, #tpu.memory_space<semaphore_mem>>)
    %dma_start3A_46 = arith.constant 1 : i32
    %dma_start3A_47 = arith.constant 1 : i32
    %dma_start3A_48 = arith.constant 1 : i32
    %dma_start3A_49 = tpu.memref_slice %arg6[%dma_start3A_47, %dma_start3A_48] : memref<3x2x!tpu.dma_semaphore, #tpu.memory_space<semaphore_mem>> -> memref<1x1x!tpu.dma_semaphore, #tpu.memory_space<semaphore_mem>>
    %dma_start3A_50 = tpu.memref_squeeze %dma_start3A_49 : memref<1x1x!tpu.dma_semaphore, #tpu.memory_space<semaphore_mem>> -> memref<!tpu.dma_semaphore, #tpu.memory_space<semaphore_mem>>
    %dma_start3A_51 = arith.constant 2048 : i32
    %dma_start3A_52 = arith.constant 0 : i32
    %dma_start3A_53 = tpu.memref_slice %arg3[%dma_start3A_46, %dma_start3A_51, %dma_start3A_52] : memref<3x4096x64xf32, #tpu.memory_space<vmem>> -> memref<1x2048x64xf32, #tpu.memory_space<vmem>>
    %dma_start3A_54 = tpu.memref_squeeze %dma_start3A_53 : memref<1x2048x64xf32, #tpu.memory_space<vmem>> -> memref<2048x64xf32, #tpu.memory_space<vmem>>
    %dma_start3A_55 = arith.constant 6144 : i32
    %dma_start3A_56 = arith.constant 0 : i32
    %dma_start3A_57 = tpu.memref_slice %arg0[%dma_start3A_55, %dma_start3A_56] : memref<500000x64xf32, #tpu.memory_space<any>> -> memref<2048x64xf32, #tpu.memory_space<any>>
    tpu.enqueue_dma source(%dma_start3A_57 : memref<2048x64xf32, #tpu.memory_space<any>>) target(%dma_start3A_54 : memref<2048x64xf32, #tpu.memory_space<vmem>>) target_semaphore(%dma_start3A_50 : memref<!tpu.dma_semaphore, #tpu.memory_space<semaphore_mem>>)
    %dma_start3A_58 = arith.constant 1 : i32
    %dma_start3A_59 = arith.constant 1 : i32
    %dma_start3A_60 = tpu.memref_slice %arg7[%dma_start3A_59] : memref<3x!tpu.dma_semaphore, #tpu.memory_space<semaphore_mem>> -> memref<1x!tpu.dma_semaphore, #tpu.memory_space<semaphore_mem>>
    %dma_start3A_61 = tpu.memref_squeeze %dma_start3A_60 : memref<1x!tpu.dma_semaphore, #tpu.memory_space<semaphore_mem>> -> memref<!tpu.dma_semaphore, #tpu.memory_space<semaphore_mem>>
    %dma_start3A_62 = arith.constant 0 : i32
    %dma_start3A_63 = arith.constant 0 : i32
    %dma_start3A_64 = tpu.memref_slice %arg4[%dma_start3A_58, %dma_start3A_62, %dma_start3A_63] : memref<3x32x128xf32, #tpu.memory_space<vmem>> -> memref<1x32x128xf32, #tpu.memory_space<vmem>>
    %dma_start3A_65 = tpu.memref_squeeze %dma_start3A_64 : memref<1x32x128xf32, #tpu.memory_space<vmem>> -> memref<32x128xf32, #tpu.memory_space<vmem>>
    %dma_start3A_66 = arith.constant 32 : i32
    %dma_start3A_67 = arith.constant 0 : i32
    %dma_start3A_68 = tpu.memref_slice %arg1[%dma_start3A_66, %dma_start3A_67] : memref<4000x128xf32, #tpu.memory_space<any>> -> memref<32x128xf32, #tpu.memory_space<any>>
    tpu.enqueue_dma source(%dma_start3A_68 : memref<32x128xf32, #tpu.memory_space<any>>) target(%dma_start3A_65 : memref<32x128xf32, #tpu.memory_space<vmem>>) target_semaphore(%dma_start3A_61 : memref<!tpu.dma_semaphore, #tpu.memory_space<semaphore_mem>>)
    %dma_start3A_69 = arith.constant 2 : i32
    %dma_start3A_70 = arith.constant 2 : i32
    %dma_start3A_71 = arith.constant 0 : i32
    %dma_start3A_72 = tpu.memref_slice %arg6[%dma_start3A_70, %dma_start3A_71] : memref<3x2x!tpu.dma_semaphore, #tpu.memory_space<semaphore_mem>> -> memref<1x1x!tpu.dma_semaphore, #tpu.memory_space<semaphore_mem>>
    %dma_start3A_73 = tpu.memref_squeeze %dma_start3A_72 : memref<1x1x!tpu.dma_semaphore, #tpu.memory_space<semaphore_mem>> -> memref<!tpu.dma_semaphore, #tpu.memory_space<semaphore_mem>>
    %dma_start3A_74 = arith.constant 0 : i32
    %dma_start3A_75 = arith.constant 0 : i32
    %dma_start3A_76 = tpu.memref_slice %arg3[%dma_start3A_69, %dma_start3A_74, %dma_start3A_75] : memref<3x4096x64xf32, #tpu.memory_space<vmem>> -> memref<1x2048x64xf32, #tpu.memory_space<vmem>>
    %dma_start3A_77 = tpu.memref_squeeze %dma_start3A_76 : memref<1x2048x64xf32, #tpu.memory_space<vmem>> -> memref<2048x64xf32, #tpu.memory_space<vmem>>
    %dma_start3A_78 = arith.constant 8192 : i32
    %dma_start3A_79 = arith.constant 0 : i32
    %dma_start3A_80 = tpu.memref_slice %arg0[%dma_start3A_78, %dma_start3A_79] : memref<500000x64xf32, #tpu.memory_space<any>> -> memref<2048x64xf32, #tpu.memory_space<any>>
    tpu.enqueue_dma source(%dma_start3A_80 : memref<2048x64xf32, #tpu.memory_space<any>>) target(%dma_start3A_77 : memref<2048x64xf32, #tpu.memory_space<vmem>>) target_semaphore(%dma_start3A_73 : memref<!tpu.dma_semaphore, #tpu.memory_space<semaphore_mem>>)
    %dma_start3A_81 = arith.constant 2 : i32
    %dma_start3A_82 = arith.constant 2 : i32
    %dma_start3A_83 = arith.constant 1 : i32
    %dma_start3A_84 = tpu.memref_slice %arg6[%dma_start3A_82, %dma_start3A_83] : memref<3x2x!tpu.dma_semaphore, #tpu.memory_space<semaphore_mem>> -> memref<1x1x!tpu.dma_semaphore, #tpu.memory_space<semaphore_mem>>
    %dma_start3A_85 = tpu.memref_squeeze %dma_start3A_84 : memref<1x1x!tpu.dma_semaphore, #tpu.memory_space<semaphore_mem>> -> memref<!tpu.dma_semaphore, #tpu.memory_space<semaphore_mem>>
    %dma_start3A_86 = arith.constant 2048 : i32
    %dma_start3A_87 = arith.constant 0 : i32
    %dma_start3A_88 = tpu.memref_slice %arg3[%dma_start3A_81, %dma_start3A_86, %dma_start3A_87] : memref<3x4096x64xf32, #tpu.memory_space<vmem>> -> memref<1x2048x64xf32, #tpu.memory_space<vmem>>
    %dma_start3A_89 = tpu.memref_squeeze %dma_start3A_88 : memref<1x2048x64xf32, #tpu.memory_space<vmem>> -> memref<2048x64xf32, #tpu.memory_space<vmem>>
    %dma_start3A_90 = arith.constant 10240 : i32
    %dma_start3A_91 = arith.constant 0 : i32
    %dma_start3A_92 = tpu.memref_slice %arg0[%dma_start3A_90, %dma_start3A_91] : memref<500000x64xf32, #tpu.memory_space<any>> -> memref<2048x64xf32, #tpu.memory_space<any>>
    tpu.enqueue_dma source(%dma_start3A_92 : memref<2048x64xf32, #tpu.memory_space<any>>) target(%dma_start3A_89 : memref<2048x64xf32, #tpu.memory_space<vmem>>) target_semaphore(%dma_start3A_85 : memref<!tpu.dma_semaphore, #tpu.memory_space<semaphore_mem>>)
    %dma_start3A_93 = arith.constant 2 : i32
    %dma_start3A_94 = arith.constant 2 : i32
    %dma_start3A_95 = tpu.memref_slice %arg7[%dma_start3A_94] : memref<3x!tpu.dma_semaphore, #tpu.memory_space<semaphore_mem>> -> memref<1x!tpu.dma_semaphore, #tpu.memory_space<semaphore_mem>>
    %dma_start3A_96 = tpu.memref_squeeze %dma_start3A_95 : memref<1x!tpu.dma_semaphore, #tpu.memory_space<semaphore_mem>> -> memref<!tpu.dma_semaphore, #tpu.memory_space<semaphore_mem>>
    %dma_start3A_97 = arith.constant 0 : i32
    %dma_start3A_98 = arith.constant 0 : i32
    %dma_start3A_99 = tpu.memref_slice %arg4[%dma_start3A_93, %dma_start3A_97, %dma_start3A_98] : memref<3x32x128xf32, #tpu.memory_space<vmem>> -> memref<1x32x128xf32, #tpu.memory_space<vmem>>
    %dma_start3A_100 = tpu.memref_squeeze %dma_start3A_99 : memref<1x32x128xf32, #tpu.memory_space<vmem>> -> memref<32x128xf32, #tpu.memory_space<vmem>>
    %dma_start3A_101 = arith.constant 64 : i32
    %dma_start3A_102 = arith.constant 0 : i32
    %dma_start3A_103 = tpu.memref_slice %arg1[%dma_start3A_101, %dma_start3A_102] : memref<4000x128xf32, #tpu.memory_space<any>> -> memref<32x128xf32, #tpu.memory_space<any>>
    tpu.enqueue_dma source(%dma_start3A_103 : memref<32x128xf32, #tpu.memory_space<any>>) target(%dma_start3A_100 : memref<32x128xf32, #tpu.memory_space<vmem>>) target_semaphore(%dma_start3A_96 : memref<!tpu.dma_semaphore, #tpu.memory_space<semaphore_mem>>)
    %scan3A = arith.constant 0 : i32
    %scan3A_104 = arith.constant 122 : i32
    %scan3A_105 = arith.addi %scan3A, %scan3A_104 : i32
    %scan3A_106 = arith.constant 1 : i32
    scf.for %scan3A_287 = %scan3A to %scan3A_105 step %scan3A_106  : i32 {
      %rem3A_288 = arith.constant 3 : i32
      %rem3A_289 = arith.remsi %scan3A_287, %rem3A_288 : i32
      %mul3A_290 = arith.constant 4096 : i32
      %mul3A_291 = arith.muli %scan3A_287, %mul3A_290 : i32
      %add3A_292 = arith.constant 0 : i32
      %add3A_293 = arith.addi %mul3A_291, %add3A_292 : i32
      %mul3A_294 = arith.constant 4096 : i32
      %mul3A_295 = arith.muli %scan3A_287, %mul3A_294 : i32
      %add3A_296 = arith.constant 2048 : i32
      %add3A_297 = arith.addi %mul3A_295, %add3A_296 : i32
      %dma_wait3A_298 = arith.constant 0 : i32
      %dma_wait3A_299 = tpu.memref_slice %arg6[%rem3A_289, %dma_wait3A_298] : memref<3x2x!tpu.dma_semaphore, #tpu.memory_space<semaphore_mem>> -> memref<1x1x!tpu.dma_semaphore, #tpu.memory_space<semaphore_mem>>
      %dma_wait3A_300 = tpu.memref_squeeze %dma_wait3A_299 : memref<1x1x!tpu.dma_semaphore, #tpu.memory_space<semaphore_mem>> -> memref<!tpu.dma_semaphore, #tpu.memory_space<semaphore_mem>>
      %dma_wait3A_301 = arith.constant 0 : i32
      %dma_wait3A_302 = arith.constant 0 : i32
      %dma_wait3A_303 = tpu.memref_slice %arg3[%rem3A_289, %dma_wait3A_301, %dma_wait3A_302] : memref<3x4096x64xf32, #tpu.memory_space<vmem>> -> memref<1x2048x64xf32, #tpu.memory_space<vmem>>
      %dma_wait3A_304 = tpu.memref_squeeze %dma_wait3A_303 : memref<1x2048x64xf32, #tpu.memory_space<vmem>> -> memref<2048x64xf32, #tpu.memory_space<vmem>>
      %dma_wait3A_305 = arith.constant 0 : i32
      %dma_wait3A_306 = tpu.memref_slice %arg0[%add3A_293, %dma_wait3A_305] : memref<500000x64xf32, #tpu.memory_space<any>> -> memref<2048x64xf32, #tpu.memory_space<any>>
      tpu.wait_dma2 semaphore(%dma_wait3A_300 : memref<!tpu.dma_semaphore, #tpu.memory_space<semaphore_mem>>) src(%dma_wait3A_306 : memref<2048x64xf32, #tpu.memory_space<any>>) dst(%dma_wait3A_304 : memref<2048x64xf32, #tpu.memory_space<vmem>>)
      %dma_wait3A_307 = arith.constant 1 : i32
      %dma_wait3A_308 = tpu.memref_slice %arg6[%rem3A_289, %dma_wait3A_307] : memref<3x2x!tpu.dma_semaphore, #tpu.memory_space<semaphore_mem>> -> memref<1x1x!tpu.dma_semaphore, #tpu.memory_space<semaphore_mem>>
      %dma_wait3A_309 = tpu.memref_squeeze %dma_wait3A_308 : memref<1x1x!tpu.dma_semaphore, #tpu.memory_space<semaphore_mem>> -> memref<!tpu.dma_semaphore, #tpu.memory_space<semaphore_mem>>
      %dma_wait3A_310 = arith.constant 2048 : i32
      %dma_wait3A_311 = arith.constant 0 : i32
      %dma_wait3A_312 = tpu.memref_slice %arg3[%rem3A_289, %dma_wait3A_310, %dma_wait3A_311] : memref<3x4096x64xf32, #tpu.memory_space<vmem>> -> memref<1x2048x64xf32, #tpu.memory_space<vmem>>
      %dma_wait3A_313 = tpu.memref_squeeze %dma_wait3A_312 : memref<1x2048x64xf32, #tpu.memory_space<vmem>> -> memref<2048x64xf32, #tpu.memory_space<vmem>>
      %dma_wait3A_314 = arith.constant 0 : i32
      %dma_wait3A_315 = tpu.memref_slice %arg0[%add3A_297, %dma_wait3A_314] : memref<500000x64xf32, #tpu.memory_space<any>> -> memref<2048x64xf32, #tpu.memory_space<any>>
      tpu.wait_dma2 semaphore(%dma_wait3A_309 : memref<!tpu.dma_semaphore, #tpu.memory_space<semaphore_mem>>) src(%dma_wait3A_315 : memref<2048x64xf32, #tpu.memory_space<any>>) dst(%dma_wait3A_313 : memref<2048x64xf32, #tpu.memory_space<vmem>>)
      %mul3A_316 = arith.constant 32 : i32
      %mul3A_317 = arith.muli %scan3A_287, %mul3A_316 : i32
      %dma_wait3A_318 = tpu.memref_slice %arg7[%rem3A_289] : memref<3x!tpu.dma_semaphore, #tpu.memory_space<semaphore_mem>> -> memref<1x!tpu.dma_semaphore, #tpu.memory_space<semaphore_mem>>
      %dma_wait3A_319 = tpu.memref_squeeze %dma_wait3A_318 : memref<1x!tpu.dma_semaphore, #tpu.memory_space<semaphore_mem>> -> memref<!tpu.dma_semaphore, #tpu.memory_space<semaphore_mem>>
      %dma_wait3A_320 = arith.constant 0 : i32
      %dma_wait3A_321 = arith.constant 0 : i32
      %dma_wait3A_322 = tpu.memref_slice %arg4[%rem3A_289, %dma_wait3A_320, %dma_wait3A_321] : memref<3x32x128xf32, #tpu.memory_space<vmem>> -> memref<1x32x128xf32, #tpu.memory_space<vmem>>
      %dma_wait3A_323 = tpu.memref_squeeze %dma_wait3A_322 : memref<1x32x128xf32, #tpu.memory_space<vmem>> -> memref<32x128xf32, #tpu.memory_space<vmem>>
      %dma_wait3A_324 = arith.constant 0 : i32
      %dma_wait3A_325 = tpu.memref_slice %arg1[%mul3A_317, %dma_wait3A_324] : memref<4000x128xf32, #tpu.memory_space<any>> -> memref<32x128xf32, #tpu.memory_space<any>>
      tpu.wait_dma2 semaphore(%dma_wait3A_319 : memref<!tpu.dma_semaphore, #tpu.memory_space<semaphore_mem>>) src(%dma_wait3A_325 : memref<32x128xf32, #tpu.memory_space<any>>) dst(%dma_wait3A_323 : memref<32x128xf32, #tpu.memory_space<vmem>>)
      %ge3A = arith.constant 3 : i32
      %ge3A_326 = arith.cmpi sge, %scan3A_287, %ge3A : i32
      %convert_element_type3A_327 = arith.extui %ge3A_326 : i1 to i32
      %cond3A = arith.constant 0 : i32
      %cond3A_328 = arith.cmpi ne, %convert_element_type3A_327, %cond3A : i32
      scf.if %cond3A_328 {
        %sub3A = arith.constant 3 : i32
        %sub3A_416 = arith.subi %scan3A_287, %sub3A : i32
        %mul3A_417 = arith.constant 4096 : i32
        %mul3A_418 = arith.muli %sub3A_416, %mul3A_417 : i32
        %add3A_419 = arith.constant 0 : i32
        %add3A_420 = arith.addi %mul3A_418, %add3A_419 : i32
        %mul3A_421 = arith.constant 4096 : i32
        %mul3A_422 = arith.muli %sub3A_416, %mul3A_421 : i32
        %add3A_423 = arith.constant 2048 : i32
        %add3A_424 = arith.addi %mul3A_422, %add3A_423 : i32
        %dma_wait3A_425 = arith.constant 0 : i32
        %dma_wait3A_426 = tpu.memref_slice %arg8[%rem3A_289, %dma_wait3A_425] : memref<3x2x!tpu.dma_semaphore, #tpu.memory_space<semaphore_mem>> -> memref<1x1x!tpu.dma_semaphore, #tpu.memory_space<semaphore_mem>>
        %dma_wait3A_427 = tpu.memref_squeeze %dma_wait3A_426 : memref<1x1x!tpu.dma_semaphore, #tpu.memory_space<semaphore_mem>> -> memref<!tpu.dma_semaphore, #tpu.memory_space<semaphore_mem>>
        %dma_wait3A_428 = arith.constant 0 : i32
        %dma_wait3A_429 = tpu.memref_slice %arg2[%add3A_420, %dma_wait3A_428] : memref<500000x64xf32, #tpu.memory_space<any>> -> memref<2048x64xf32, #tpu.memory_space<any>>
        %dma_wait3A_430 = arith.constant 0 : i32
        %dma_wait3A_431 = arith.constant 0 : i32
        %dma_wait3A_432 = tpu.memref_slice %arg5[%rem3A_289, %dma_wait3A_430, %dma_wait3A_431] : memref<3x4096x64xf32, #tpu.memory_space<vmem>> -> memref<1x2048x64xf32, #tpu.memory_space<vmem>>
        %dma_wait3A_433 = tpu.memref_squeeze %dma_wait3A_432 : memref<1x2048x64xf32, #tpu.memory_space<vmem>> -> memref<2048x64xf32, #tpu.memory_space<vmem>>
        tpu.wait_dma2 semaphore(%dma_wait3A_427 : memref<!tpu.dma_semaphore, #tpu.memory_space<semaphore_mem>>) src(%dma_wait3A_433 : memref<2048x64xf32, #tpu.memory_space<vmem>>) dst(%dma_wait3A_429 : memref<2048x64xf32, #tpu.memory_space<any>>)
        %dma_wait3A_434 = arith.constant 1 : i32
        %dma_wait3A_435 = tpu.memref_slice %arg8[%rem3A_289, %dma_wait3A_434] : memref<3x2x!tpu.dma_semaphore, #tpu.memory_space<semaphore_mem>> -> memref<1x1x!tpu.dma_semaphore, #tpu.memory_space<semaphore_mem>>
        %dma_wait3A_436 = tpu.memref_squeeze %dma_wait3A_435 : memref<1x1x!tpu.dma_semaphore, #tpu.memory_space<semaphore_mem>> -> memref<!tpu.dma_semaphore, #tpu.memory_space<semaphore_mem>>
        %dma_wait3A_437 = arith.constant 0 : i32
        %dma_wait3A_438 = tpu.memref_slice %arg2[%add3A_424, %dma_wait3A_437] : memref<500000x64xf32, #tpu.memory_space<any>> -> memref<2048x64xf32, #tpu.memory_space<any>>
        %dma_wait3A_439 = arith.constant 2048 : i32
        %dma_wait3A_440 = arith.constant 0 : i32
        %dma_wait3A_441 = tpu.memref_slice %arg5[%rem3A_289, %dma_wait3A_439, %dma_wait3A_440] : memref<3x4096x64xf32, #tpu.memory_space<vmem>> -> memref<1x2048x64xf32, #tpu.memory_space<vmem>>
        %dma_wait3A_442 = tpu.memref_squeeze %dma_wait3A_441 : memref<1x2048x64xf32, #tpu.memory_space<vmem>> -> memref<2048x64xf32, #tpu.memory_space<vmem>>
        tpu.wait_dma2 semaphore(%dma_wait3A_436 : memref<!tpu.dma_semaphore, #tpu.memory_space<semaphore_mem>>) src(%dma_wait3A_442 : memref<2048x64xf32, #tpu.memory_space<vmem>>) dst(%dma_wait3A_438 : memref<2048x64xf32, #tpu.memory_space<any>>)
      } else {
      }
      %get3A_329 = arith.index_cast %rem3A_289 : i32 to index
      %get3A_330 = arith.constant 0 : index
      %get3A_331 = arith.constant 0 : index
      %get3A_332 = vector.load %arg4[%get3A_329, %get3A_330, %get3A_331] : memref<3x32x128xf32, #tpu.memory_space<vmem>>, vector<1x32x128xf32>
      %get3A_333 = vector.shape_cast %get3A_332 : vector<1x32x128xf32> to vector<32x128xf32>
      %broadcast_in_dim3A_334 = vector.shape_cast %get3A_333 : vector<32x128xf32> to vector<32x1x128xf32>
      %broadcast_in_dim3A_335 = vector.shape_cast %broadcast_in_dim3A_334 : vector<32x1x128xf32> to vector<32x1x128xf32>
      %broadcast_in_dim3A_336 = vector.broadcast %broadcast_in_dim3A_335 : vector<32x1x128xf32> to vector<32x128x128xf32>
      %reshape3A_337 = vector.shape_cast %broadcast_in_dim3A_336 : vector<32x128x128xf32> to vector<4096x128xf32>
      %iota3A_338 = tpu.iota {dimensions = array<i32: 1>} : vector<4096x128xi32>
      %iota3A_339 = tpu.iota {dimensions = array<i32: 0>} : vector<4096x128xi32>
      %jit3A_340 = arith.constant 128 : i32
      %eq3A_341 = arith.constant 0 : i32
      %eq3A_342 = arith.cmpi eq, %jit3A_340, %eq3A_341 : i32
      %jit3A_343 = arith.constant 1 : i32
      %select_n3A_344 = arith.select %eq3A_342, %jit3A_343, %jit3A_340 : i32
      %rem3A_345 = vector.broadcast %select_n3A_344 : i32 to vector<4096x128xi32>
      %rem3A_346 = arith.remsi %iota3A_339, %rem3A_345 : vector<4096x128xi32>
      %ne3A_347 = arith.constant 0 : i32
      %ne3A_348 = vector.broadcast %ne3A_347 : i32 to vector<4096x128xi32>
      %ne3A_349 = arith.cmpi ne, %rem3A_346, %ne3A_348 : vector<4096x128xi32>
      %lt3A_350 = arith.constant 0 : i32
      %lt3A_351 = vector.broadcast %lt3A_350 : i32 to vector<4096x128xi32>
      %lt3A_352 = arith.cmpi slt, %rem3A_346, %lt3A_351 : vector<4096x128xi32>
      %lt3A_353 = arith.constant 0 : i32
      %lt3A_354 = arith.cmpi slt, %select_n3A_344, %lt3A_353 : i32
      %ne3A_355 = vector.broadcast %lt3A_354 : i1 to vector<4096x128xi1>
      %ne3A_356 = vector.broadcast %ne3A_355 : vector<4096x128xi1> to vector<4096x128xi1>
      %ne3A_357 = arith.xori %lt3A_352, %ne3A_356 : vector<4096x128xi1>
      %and3A_358 = arith.andi %ne3A_357, %ne3A_349 : vector<4096x128xi1>
      %add3A_359 = vector.broadcast %select_n3A_344 : i32 to vector<4096x128xi32>
      %add3A_360 = arith.addi %rem3A_346, %add3A_359 : vector<4096x128xi32>
      %select_n3A_361 = arith.select %and3A_358, %add3A_360, %rem3A_346 : vector<4096x128xi1>, vector<4096x128xi32>
      %eq3A_362 = arith.cmpi eq, %iota3A_338, %select_n3A_361 : vector<4096x128xi32>
      %convert_element_type3A_363 = arith.extui %eq3A_362 : vector<4096x128xi1> to vector<4096x128xi32>
      %convert_element_type3A_364 = arith.sitofp %convert_element_type3A_363 : vector<4096x128xi32> to vector<4096x128xf32>
      %mul3A_365 = arith.mulf %reshape3A_337, %convert_element_type3A_364 : vector<4096x128xf32>
      %broadcast_in_dim3A_366 = arith.constant 1.000000e+00 : f32
      %broadcast_in_dim3A_367 = vector.broadcast %broadcast_in_dim3A_366 : f32 to vector<128x1xf32>
      %dot_general3A_368 = arith.constant dense<0.000000e+00> : vector<4096x1xf32>
      %dot_general3A_369 = tpu.matmul %mul3A_365, %broadcast_in_dim3A_367, %dot_general3A_368 {dimension_numbers = #tpu.dot_dimension_numbers<[1], [0], [0], [1], [0, 0, 1, 1], [], []>, transpose_lhs_hint = false} : vector<4096x128xf32>, vector<128x1xf32>, vector<4096x1xf32> -> vector<4096x1xf32>
      %get3A_370 = arith.index_cast %rem3A_289 : i32 to index
      %get3A_371 = arith.constant 0 : index
      %get3A_372 = arith.constant 0 : index
      %get3A_373 = vector.load %arg3[%get3A_370, %get3A_371, %get3A_372] : memref<3x4096x64xf32, #tpu.memory_space<vmem>>, vector<1x4096x64xf32>
      %get3A_374 = vector.shape_cast %get3A_373 : vector<1x4096x64xf32> to vector<4096x64xf32>
      %mul3A_375 = vector.broadcast %dot_general3A_369 : vector<4096x1xf32> to vector<4096x64xf32>
      %mul3A_376 = arith.mulf %get3A_374, %mul3A_375 : vector<4096x64xf32>
      %swap3A_377 = arith.index_cast %rem3A_289 : i32 to index
      %swap3A_378 = arith.constant 0 : index
      %swap3A_379 = arith.constant 0 : index
      %swap3A_380 = vector.load %arg5[%swap3A_377, %swap3A_378, %swap3A_379] : memref<3x4096x64xf32, #tpu.memory_space<vmem>>, vector<1x4096x64xf32>
      %swap3A_381 = vector.shape_cast %swap3A_380 : vector<1x4096x64xf32> to vector<4096x64xf32>
      %swap3A_382 = vector.shape_cast %mul3A_376 : vector<4096x64xf32> to vector<1x4096x64xf32>
      tpu.vector_store %arg5[%swap3A_377, %swap3A_378, %swap3A_379], %swap3A_382 {strides = array<i32>} : memref<3x4096x64xf32, #tpu.memory_space<vmem>>, vector<1x4096x64xf32>,
      %mul3A_383 = arith.constant 4096 : i32
      %mul3A_384 = arith.muli %scan3A_287, %mul3A_383 : i32
      %add3A_385 = arith.constant 0 : i32
      %add3A_386 = arith.addi %mul3A_384, %add3A_385 : i32
      %mul3A_387 = arith.constant 4096 : i32
      %mul3A_388 = arith.muli %scan3A_287, %mul3A_387 : i32
      %add3A_389 = arith.constant 2048 : i32
      %add3A_390 = arith.addi %mul3A_388, %add3A_389 : i32
      %dma_start3A_391 = arith.constant 0 : i32
      %dma_start3A_392 = tpu.memref_slice %arg8[%rem3A_289, %dma_start3A_391] : memref<3x2x!tpu.dma_semaphore, #tpu.memory_space<semaphore_mem>> -> memref<1x1x!tpu.dma_semaphore, #tpu.memory_space<semaphore_mem>>
      %dma_start3A_393 = tpu.memref_squeeze %dma_start3A_392 : memref<1x1x!tpu.dma_semaphore, #tpu.memory_space<semaphore_mem>> -> memref<!tpu.dma_semaphore, #tpu.memory_space<semaphore_mem>>
      %dma_start3A_394 = arith.constant 0 : i32
      %dma_start3A_395 = tpu.memref_slice %arg2[%add3A_386, %dma_start3A_394] : memref<500000x64xf32, #tpu.memory_space<any>> -> memref<2048x64xf32, #tpu.memory_space<any>>
      %dma_start3A_396 = arith.constant 0 : i32
      %dma_start3A_397 = arith.constant 0 : i32
      %dma_start3A_398 = tpu.memref_slice %arg5[%rem3A_289, %dma_start3A_396, %dma_start3A_397] : memref<3x4096x64xf32, #tpu.memory_space<vmem>> -> memref<1x2048x64xf32, #tpu.memory_space<vmem>>
      %dma_start3A_399 = tpu.memref_squeeze %dma_start3A_398 : memref<1x2048x64xf32, #tpu.memory_space<vmem>> -> memref<2048x64xf32, #tpu.memory_space<vmem>>
      tpu.enqueue_dma source(%dma_start3A_399 : memref<2048x64xf32, #tpu.memory_space<vmem>>) target(%dma_start3A_395 : memref<2048x64xf32, #tpu.memory_space<any>>) target_semaphore(%dma_start3A_393 : memref<!tpu.dma_semaphore, #tpu.memory_space<semaphore_mem>>)
      %dma_start3A_400 = arith.constant 1 : i32
      %dma_start3A_401 = tpu.memref_slice %arg8[%rem3A_289, %dma_start3A_400] : memref<3x2x!tpu.dma_semaphore, #tpu.memory_space<semaphore_mem>> -> memref<1x1x!tpu.dma_semaphore, #tpu.memory_space<semaphore_mem>>
      %dma_start3A_402 = tpu.memref_squeeze %dma_start3A_401 : memref<1x1x!tpu.dma_semaphore, #tpu.memory_space<semaphore_mem>> -> memref<!tpu.dma_semaphore, #tpu.memory_space<semaphore_mem>>
      %dma_start3A_403 = arith.constant 0 : i32
      %dma_start3A_404 = tpu.memref_slice %arg2[%add3A_390, %dma_start3A_403] : memref<500000x64xf32, #tpu.memory_space<any>> -> memref<2048x64xf32, #tpu.memory_space<any>>
      %dma_start3A_405 = arith.constant 2048 : i32
      %dma_start3A_406 = arith.constant 0 : i32
      %dma_start3A_407 = tpu.memref_slice %arg5[%rem3A_289, %dma_start3A_405, %dma_start3A_406] : memref<3x4096x64xf32, #tpu.memory_space<vmem>> -> memref<1x2048x64xf32, #tpu.memory_space<vmem>>
      %dma_start3A_408 = tpu.memref_squeeze %dma_start3A_407 : memref<1x2048x64xf32, #tpu.memory_space<vmem>> -> memref<2048x64xf32, #tpu.memory_space<vmem>>
      tpu.enqueue_dma source(%dma_start3A_408 : memref<2048x64xf32, #tpu.memory_space<vmem>>) target(%dma_start3A_404 : memref<2048x64xf32, #tpu.memory_space<any>>) target_semaphore(%dma_start3A_402 : memref<!tpu.dma_semaphore, #tpu.memory_space<semaphore_mem>>)
      %add3A_409 = arith.constant 3 : i32
      %add3A_410 = arith.addi %scan3A_287, %add3A_409 : i32
      %lt3A_411 = arith.constant 122 : i32
      %lt3A_412 = arith.cmpi slt, %add3A_410, %lt3A_411 : i32
      %convert_element_type3A_413 = arith.extui %lt3A_412 : i1 to i32
      %cond3A_414 = arith.constant 0 : i32
      %cond3A_415 = arith.cmpi ne, %convert_element_type3A_413, %cond3A_414 : i32
      scf.if %cond3A_415 {
        %add3A_416 = arith.constant 3 : i32
        %add3A_417 = arith.addi %scan3A_287, %add3A_416 : i32
        %mul3A_418 = arith.constant 4096 : i32
        %mul3A_419 = arith.muli %add3A_417, %mul3A_418 : i32
        %add3A_420 = arith.constant 0 : i32
        %add3A_421 = arith.addi %mul3A_419, %add3A_420 : i32
        %mul3A_422 = arith.constant 4096 : i32
        %mul3A_423 = arith.muli %add3A_417, %mul3A_422 : i32
        %add3A_424 = arith.constant 2048 : i32
        %add3A_425 = arith.addi %mul3A_423, %add3A_424 : i32
        %dma_start3A_426 = arith.constant 0 : i32
        %dma_start3A_427 = tpu.memref_slice %arg6[%rem3A_289, %dma_start3A_426] : memref<3x2x!tpu.dma_semaphore, #tpu.memory_space<semaphore_mem>> -> memref<1x1x!tpu.dma_semaphore, #tpu.memory_space<semaphore_mem>>
        %dma_start3A_428 = tpu.memref_squeeze %dma_start3A_427 : memref<1x1x!tpu.dma_semaphore, #tpu.memory_space<semaphore_mem>> -> memref<!tpu.dma_semaphore, #tpu.memory_space<semaphore_mem>>
        %dma_start3A_429 = arith.constant 0 : i32
        %dma_start3A_430 = arith.constant 0 : i32
        %dma_start3A_431 = tpu.memref_slice %arg3[%rem3A_289, %dma_start3A_429, %dma_start3A_430] : memref<3x4096x64xf32, #tpu.memory_space<vmem>> -> memref<1x2048x64xf32, #tpu.memory_space<vmem>>
        %dma_start3A_432 = tpu.memref_squeeze %dma_start3A_431 : memref<1x2048x64xf32, #tpu.memory_space<vmem>> -> memref<2048x64xf32, #tpu.memory_space<vmem>>
        %dma_start3A_433 = arith.constant 0 : i32
        %dma_start3A_434 = tpu.memref_slice %arg0[%add3A_421, %dma_start3A_433] : memref<500000x64xf32, #tpu.memory_space<any>> -> memref<2048x64xf32, #tpu.memory_space<any>>
        tpu.enqueue_dma source(%dma_start3A_434 : memref<2048x64xf32, #tpu.memory_space<any>>) target(%dma_start3A_432 : memref<2048x64xf32, #tpu.memory_space<vmem>>) target_semaphore(%dma_start3A_428 : memref<!tpu.dma_semaphore, #tpu.memory_space<semaphore_mem>>)
        %dma_start3A_435 = arith.constant 1 : i32
        %dma_start3A_436 = tpu.memref_slice %arg6[%rem3A_289, %dma_start3A_435] : memref<3x2x!tpu.dma_semaphore, #tpu.memory_space<semaphore_mem>> -> memref<1x1x!tpu.dma_semaphore, #tpu.memory_space<semaphore_mem>>
        %dma_start3A_437 = tpu.memref_squeeze %dma_start3A_436 : memref<1x1x!tpu.dma_semaphore, #tpu.memory_space<semaphore_mem>> -> memref<!tpu.dma_semaphore, #tpu.memory_space<semaphore_mem>>
        %dma_start3A_438 = arith.constant 2048 : i32
        %dma_start3A_439 = arith.constant 0 : i32
        %dma_start3A_440 = tpu.memref_slice %arg3[%rem3A_289, %dma_start3A_438, %dma_start3A_439] : memref<3x4096x64xf32, #tpu.memory_space<vmem>> -> memref<1x2048x64xf32, #tpu.memory_space<vmem>>
        %dma_start3A_441 = tpu.memref_squeeze %dma_start3A_440 : memref<1x2048x64xf32, #tpu.memory_space<vmem>> -> memref<2048x64xf32, #tpu.memory_space<vmem>>
        %dma_start3A_442 = arith.constant 0 : i32
        %dma_start3A_443 = tpu.memref_slice %arg0[%add3A_425, %dma_start3A_442] : memref<500000x64xf32, #tpu.memory_space<any>> -> memref<2048x64xf32, #tpu.memory_space<any>>
        tpu.enqueue_dma source(%dma_start3A_443 : memref<2048x64xf32, #tpu.memory_space<any>>) target(%dma_start3A_441 : memref<2048x64xf32, #tpu.memory_space<vmem>>) target_semaphore(%dma_start3A_437 : memref<!tpu.dma_semaphore, #tpu.memory_space<semaphore_mem>>)
        %mul3A_444 = arith.constant 32 : i32
        %mul3A_445 = arith.muli %add3A_417, %mul3A_444 : i32
        %dma_start3A_446 = tpu.memref_slice %arg7[%rem3A_289] : memref<3x!tpu.dma_semaphore, #tpu.memory_space<semaphore_mem>> -> memref<1x!tpu.dma_semaphore, #tpu.memory_space<semaphore_mem>>
        %dma_start3A_447 = tpu.memref_squeeze %dma_start3A_446 : memref<1x!tpu.dma_semaphore, #tpu.memory_space<semaphore_mem>> -> memref<!tpu.dma_semaphore, #tpu.memory_space<semaphore_mem>>
        %dma_start3A_448 = arith.constant 0 : i32
        %dma_start3A_449 = arith.constant 0 : i32
        %dma_start3A_450 = tpu.memref_slice %arg4[%rem3A_289, %dma_start3A_448, %dma_start3A_449] : memref<3x32x128xf32, #tpu.memory_space<vmem>> -> memref<1x32x128xf32, #tpu.memory_space<vmem>>
        %dma_start3A_451 = tpu.memref_squeeze %dma_start3A_450 : memref<1x32x128xf32, #tpu.memory_space<vmem>> -> memref<32x128xf32, #tpu.memory_space<vmem>>
        %dma_start3A_452 = arith.constant 0 : i32
        %dma_start3A_453 = tpu.memref_slice %arg1[%mul3A_445, %dma_start3A_452] : memref<4000x128xf32, #tpu.memory_space<any>> -> memref<32x128xf32, #tpu.memory_space<any>>
        tpu.enqueue_dma source(%dma_start3A_453 : memref<32x128xf32, #tpu.memory_space<any>>) target(%dma_start3A_451 : memref<32x128xf32, #tpu.memory_space<vmem>>) target_semaphore(%dma_start3A_447 : memref<!tpu.dma_semaphore, #tpu.memory_space<semaphore_mem>>)
      } else {
      }
    }
    %scan3A_107 = arith.constant 122 : i32
    %dma_wait3A = arith.constant 2 : i32
    %dma_wait3A_108 = arith.constant 2 : i32
    %dma_wait3A_109 = arith.constant 0 : i32
    %dma_wait3A_110 = tpu.memref_slice %arg8[%dma_wait3A_108, %dma_wait3A_109] : memref<3x2x!tpu.dma_semaphore, #tpu.memory_space<semaphore_mem>> -> memref<1x1x!tpu.dma_semaphore, #tpu.memory_space<semaphore_mem>>
    %dma_wait3A_111 = tpu.memref_squeeze %dma_wait3A_110 : memref<1x1x!tpu.dma_semaphore, #tpu.memory_space<semaphore_mem>> -> memref<!tpu.dma_semaphore, #tpu.memory_space<semaphore_mem>>
    %dma_wait3A_112 = arith.constant 487424 : i32
    %dma_wait3A_113 = arith.constant 0 : i32
    %dma_wait3A_114 = tpu.memref_slice %arg2[%dma_wait3A_112, %dma_wait3A_113] : memref<500000x64xf32, #tpu.memory_space<any>> -> memref<2048x64xf32, #tpu.memory_space<any>>
    %dma_wait3A_115 = arith.constant 0 : i32
    %dma_wait3A_116 = arith.constant 0 : i32
    %dma_wait3A_117 = tpu.memref_slice %arg5[%dma_wait3A, %dma_wait3A_115, %dma_wait3A_116] : memref<3x4096x64xf32, #tpu.memory_space<vmem>> -> memref<1x2048x64xf32, #tpu.memory_space<vmem>>
    %dma_wait3A_118 = tpu.memref_squeeze %dma_wait3A_117 : memref<1x2048x64xf32, #tpu.memory_space<vmem>> -> memref<2048x64xf32, #tpu.memory_space<vmem>>
    tpu.wait_dma2 semaphore(%dma_wait3A_111 : memref<!tpu.dma_semaphore, #tpu.memory_space<semaphore_mem>>) src(%dma_wait3A_118 : memref<2048x64xf32, #tpu.memory_space<vmem>>) dst(%dma_wait3A_114 : memref<2048x64xf32, #tpu.memory_space<any>>)
    %dma_wait3A_119 = arith.constant 2 : i32
    %dma_wait3A_120 = arith.constant 2 : i32
    %dma_wait3A_121 = arith.constant 1 : i32
    %dma_wait3A_122 = tpu.memref_slice %arg8[%dma_wait3A_120, %dma_wait3A_121] : memref<3x2x!tpu.dma_semaphore, #tpu.memory_space<semaphore_mem>> -> memref<1x1x!tpu.dma_semaphore, #tpu.memory_space<semaphore_mem>>
    %dma_wait3A_123 = tpu.memref_squeeze %dma_wait3A_122 : memref<1x1x!tpu.dma_semaphore, #tpu.memory_space<semaphore_mem>> -> memref<!tpu.dma_semaphore, #tpu.memory_space<semaphore_mem>>
    %dma_wait3A_124 = arith.constant 489472 : i32
    %dma_wait3A_125 = arith.constant 0 : i32
    %dma_wait3A_126 = tpu.memref_slice %arg2[%dma_wait3A_124, %dma_wait3A_125] : memref<500000x64xf32, #tpu.memory_space<any>> -> memref<2048x64xf32, #tpu.memory_space<any>>
    %dma_wait3A_127 = arith.constant 2048 : i32
    %dma_wait3A_128 = arith.constant 0 : i32
    %dma_wait3A_129 = tpu.memref_slice %arg5[%dma_wait3A_119, %dma_wait3A_127, %dma_wait3A_128] : memref<3x4096x64xf32, #tpu.memory_space<vmem>> -> memref<1x2048x64xf32, #tpu.memory_space<vmem>>
    %dma_wait3A_130 = tpu.memref_squeeze %dma_wait3A_129 : memref<1x2048x64xf32, #tpu.memory_space<vmem>> -> memref<2048x64xf32, #tpu.memory_space<vmem>>
    tpu.wait_dma2 semaphore(%dma_wait3A_123 : memref<!tpu.dma_semaphore, #tpu.memory_space<semaphore_mem>>) src(%dma_wait3A_130 : memref<2048x64xf32, #tpu.memory_space<vmem>>) dst(%dma_wait3A_126 : memref<2048x64xf32, #tpu.memory_space<any>>)
    %dma_wait3A_131 = arith.constant 0 : i32
    %dma_wait3A_132 = arith.constant 0 : i32
    %dma_wait3A_133 = arith.constant 0 : i32
    %dma_wait3A_134 = tpu.memref_slice %arg8[%dma_wait3A_132, %dma_wait3A_133] : memref<3x2x!tpu.dma_semaphore, #tpu.memory_space<semaphore_mem>> -> memref<1x1x!tpu.dma_semaphore, #tpu.memory_space<semaphore_mem>>
    %dma_wait3A_135 = tpu.memref_squeeze %dma_wait3A_134 : memref<1x1x!tpu.dma_semaphore, #tpu.memory_space<semaphore_mem>> -> memref<!tpu.dma_semaphore, #tpu.memory_space<semaphore_mem>>
    %dma_wait3A_136 = arith.constant 491520 : i32
    %dma_wait3A_137 = arith.constant 0 : i32
    %dma_wait3A_138 = tpu.memref_slice %arg2[%dma_wait3A_136, %dma_wait3A_137] : memref<500000x64xf32, #tpu.memory_space<any>> -> memref<2048x64xf32, #tpu.memory_space<any>>
    %dma_wait3A_139 = arith.constant 0 : i32
    %dma_wait3A_140 = arith.constant 0 : i32
    %dma_wait3A_141 = tpu.memref_slice %arg5[%dma_wait3A_131, %dma_wait3A_139, %dma_wait3A_140] : memref<3x4096x64xf32, #tpu.memory_space<vmem>> -> memref<1x2048x64xf32, #tpu.memory_space<vmem>>
    %dma_wait3A_142 = tpu.memref_squeeze %dma_wait3A_141 : memref<1x2048x64xf32, #tpu.memory_space<vmem>> -> memref<2048x64xf32, #tpu.memory_space<vmem>>
    tpu.wait_dma2 semaphore(%dma_wait3A_135 : memref<!tpu.dma_semaphore, #tpu.memory_space<semaphore_mem>>) src(%dma_wait3A_142 : memref<2048x64xf32, #tpu.memory_space<vmem>>) dst(%dma_wait3A_138 : memref<2048x64xf32, #tpu.memory_space<any>>)
    %dma_wait3A_143 = arith.constant 0 : i32
    %dma_wait3A_144 = arith.constant 0 : i32
    %dma_wait3A_145 = arith.constant 1 : i32
    %dma_wait3A_146 = tpu.memref_slice %arg8[%dma_wait3A_144, %dma_wait3A_145] : memref<3x2x!tpu.dma_semaphore, #tpu.memory_space<semaphore_mem>> -> memref<1x1x!tpu.dma_semaphore, #tpu.memory_space<semaphore_mem>>
    %dma_wait3A_147 = tpu.memref_squeeze %dma_wait3A_146 : memref<1x1x!tpu.dma_semaphore, #tpu.memory_space<semaphore_mem>> -> memref<!tpu.dma_semaphore, #tpu.memory_space<semaphore_mem>>
    %dma_wait3A_148 = arith.constant 493568 : i32
    %dma_wait3A_149 = arith.constant 0 : i32
    %dma_wait3A_150 = tpu.memref_slice %arg2[%dma_wait3A_148, %dma_wait3A_149] : memref<500000x64xf32, #tpu.memory_space<any>> -> memref<2048x64xf32, #tpu.memory_space<any>>
    %dma_wait3A_151 = arith.constant 2048 : i32
    %dma_wait3A_152 = arith.constant 0 : i32
    %dma_wait3A_153 = tpu.memref_slice %arg5[%dma_wait3A_143, %dma_wait3A_151, %dma_wait3A_152] : memref<3x4096x64xf32, #tpu.memory_space<vmem>> -> memref<1x2048x64xf32, #tpu.memory_space<vmem>>
    %dma_wait3A_154 = tpu.memref_squeeze %dma_wait3A_153 : memref<1x2048x64xf32, #tpu.memory_space<vmem>> -> memref<2048x64xf32, #tpu.memory_space<vmem>>
    tpu.wait_dma2 semaphore(%dma_wait3A_147 : memref<!tpu.dma_semaphore, #tpu.memory_space<semaphore_mem>>) src(%dma_wait3A_154 : memref<2048x64xf32, #tpu.memory_space<vmem>>) dst(%dma_wait3A_150 : memref<2048x64xf32, #tpu.memory_space<any>>)
    %dma_wait3A_155 = arith.constant 1 : i32
    %dma_wait3A_156 = arith.constant 1 : i32
    %dma_wait3A_157 = arith.constant 0 : i32
    %dma_wait3A_158 = tpu.memref_slice %arg8[%dma_wait3A_156, %dma_wait3A_157] : memref<3x2x!tpu.dma_semaphore, #tpu.memory_space<semaphore_mem>> -> memref<1x1x!tpu.dma_semaphore, #tpu.memory_space<semaphore_mem>>
    %dma_wait3A_159 = tpu.memref_squeeze %dma_wait3A_158 : memref<1x1x!tpu.dma_semaphore, #tpu.memory_space<semaphore_mem>> -> memref<!tpu.dma_semaphore, #tpu.memory_space<semaphore_mem>>
    %dma_wait3A_160 = arith.constant 495616 : i32
    %dma_wait3A_161 = arith.constant 0 : i32
    %dma_wait3A_162 = tpu.memref_slice %arg2[%dma_wait3A_160, %dma_wait3A_161] : memref<500000x64xf32, #tpu.memory_space<any>> -> memref<2048x64xf32, #tpu.memory_space<any>>
    %dma_wait3A_163 = arith.constant 0 : i32
    %dma_wait3A_164 = arith.constant 0 : i32
    %dma_wait3A_165 = tpu.memref_slice %arg5[%dma_wait3A_155, %dma_wait3A_163, %dma_wait3A_164] : memref<3x4096x64xf32, #tpu.memory_space<vmem>> -> memref<1x2048x64xf32, #tpu.memory_space<vmem>>
    %dma_wait3A_166 = tpu.memref_squeeze %dma_wait3A_165 : memref<1x2048x64xf32, #tpu.memory_space<vmem>> -> memref<2048x64xf32, #tpu.memory_space<vmem>>
    tpu.wait_dma2 semaphore(%dma_wait3A_159 : memref<!tpu.dma_semaphore, #tpu.memory_space<semaphore_mem>>) src(%dma_wait3A_166 : memref<2048x64xf32, #tpu.memory_space<vmem>>) dst(%dma_wait3A_162 : memref<2048x64xf32, #tpu.memory_space<any>>)
    %dma_wait3A_167 = arith.constant 1 : i32
    %dma_wait3A_168 = arith.constant 1 : i32
    %dma_wait3A_169 = arith.constant 1 : i32
    %dma_wait3A_170 = tpu.memref_slice %arg8[%dma_wait3A_168, %dma_wait3A_169] : memref<3x2x!tpu.dma_semaphore, #tpu.memory_space<semaphore_mem>> -> memref<1x1x!tpu.dma_semaphore, #tpu.memory_space<semaphore_mem>>
    %dma_wait3A_171 = tpu.memref_squeeze %dma_wait3A_170 : memref<1x1x!tpu.dma_semaphore, #tpu.memory_space<semaphore_mem>> -> memref<!tpu.dma_semaphore, #tpu.memory_space<semaphore_mem>>
    %dma_wait3A_172 = arith.constant 497664 : i32
    %dma_wait3A_173 = arith.constant 0 : i32
    %dma_wait3A_174 = tpu.memref_slice %arg2[%dma_wait3A_172, %dma_wait3A_173] : memref<500000x64xf32, #tpu.memory_space<any>> -> memref<2048x64xf32, #tpu.memory_space<any>>
    %dma_wait3A_175 = arith.constant 2048 : i32
    %dma_wait3A_176 = arith.constant 0 : i32
    %dma_wait3A_177 = tpu.memref_slice %arg5[%dma_wait3A_167, %dma_wait3A_175, %dma_wait3A_176] : memref<3x4096x64xf32, #tpu.memory_space<vmem>> -> memref<1x2048x64xf32, #tpu.memory_space<vmem>>
    %dma_wait3A_178 = tpu.memref_squeeze %dma_wait3A_177 : memref<1x2048x64xf32, #tpu.memory_space<vmem>> -> memref<2048x64xf32, #tpu.memory_space<vmem>>
    tpu.wait_dma2 semaphore(%dma_wait3A_171 : memref<!tpu.dma_semaphore, #tpu.memory_space<semaphore_mem>>) src(%dma_wait3A_178 : memref<2048x64xf32, #tpu.memory_space<vmem>>) dst(%dma_wait3A_174 : memref<2048x64xf32, #tpu.memory_space<any>>)
    %dma_start3A_179 = arith.constant 0 : i32
    %dma_start3A_180 = arith.constant 0 : i32
    %dma_start3A_181 = arith.constant 0 : i32
    %dma_start3A_182 = tpu.memref_slice %arg6[%dma_start3A_180, %dma_start3A_181] : memref<3x2x!tpu.dma_semaphore, #tpu.memory_space<semaphore_mem>> -> memref<1x1x!tpu.dma_semaphore, #tpu.memory_space<semaphore_mem>>
    %dma_start3A_183 = tpu.memref_squeeze %dma_start3A_182 : memref<1x1x!tpu.dma_semaphore, #tpu.memory_space<semaphore_mem>> -> memref<!tpu.dma_semaphore, #tpu.memory_space<semaphore_mem>>
    %dma_start3A_184 = arith.constant 0 : i32
    %dma_start3A_185 = arith.constant 0 : i32
    %dma_start3A_186 = tpu.memref_slice %arg3[%dma_start3A_179, %dma_start3A_184, %dma_start3A_185] : memref<3x4096x64xf32, #tpu.memory_space<vmem>> -> memref<1x288x64xf32, #tpu.memory_space<vmem>>
    %dma_start3A_187 = tpu.memref_squeeze %dma_start3A_186 : memref<1x288x64xf32, #tpu.memory_space<vmem>> -> memref<288x64xf32, #tpu.memory_space<vmem>>
    %dma_start3A_188 = arith.constant 499712 : i32
    %dma_start3A_189 = arith.constant 0 : i32
    %dma_start3A_190 = tpu.memref_slice %arg0[%dma_start3A_188, %dma_start3A_189] : memref<500000x64xf32, #tpu.memory_space<any>> -> memref<288x64xf32, #tpu.memory_space<any>>
    tpu.enqueue_dma source(%dma_start3A_190 : memref<288x64xf32, #tpu.memory_space<any>>) target(%dma_start3A_187 : memref<288x64xf32, #tpu.memory_space<vmem>>) target_semaphore(%dma_start3A_183 : memref<!tpu.dma_semaphore, #tpu.memory_space<semaphore_mem>>)
    %dma_start3A_191 = arith.constant 0 : i32
    %dma_start3A_192 = arith.constant 0 : i32
    %dma_start3A_193 = tpu.memref_slice %arg7[%dma_start3A_192] : memref<3x!tpu.dma_semaphore, #tpu.memory_space<semaphore_mem>> -> memref<1x!tpu.dma_semaphore, #tpu.memory_space<semaphore_mem>>
    %dma_start3A_194 = tpu.memref_squeeze %dma_start3A_193 : memref<1x!tpu.dma_semaphore, #tpu.memory_space<semaphore_mem>> -> memref<!tpu.dma_semaphore, #tpu.memory_space<semaphore_mem>>
    %dma_start3A_195 = arith.constant 0 : i32
    %dma_start3A_196 = arith.constant 0 : i32
    %dma_start3A_197 = tpu.memref_slice %arg4[%dma_start3A_191, %dma_start3A_195, %dma_start3A_196] : memref<3x32x128xf32, #tpu.memory_space<vmem>> -> memref<1x3x128xf32, #tpu.memory_space<vmem>>
    %dma_start3A_198 = tpu.memref_squeeze %dma_start3A_197 : memref<1x3x128xf32, #tpu.memory_space<vmem>> -> memref<3x128xf32, #tpu.memory_space<vmem>>
    %dma_start3A_199 = arith.constant 3904 : i32
    %dma_start3A_200 = arith.constant 0 : i32
    %dma_start3A_201 = tpu.memref_slice %arg1[%dma_start3A_199, %dma_start3A_200] : memref<4000x128xf32, #tpu.memory_space<any>> -> memref<3x128xf32, #tpu.memory_space<any>>
    tpu.enqueue_dma source(%dma_start3A_201 : memref<3x128xf32, #tpu.memory_space<any>>) target(%dma_start3A_198 : memref<3x128xf32, #tpu.memory_space<vmem>>) target_semaphore(%dma_start3A_194 : memref<!tpu.dma_semaphore, #tpu.memory_space<semaphore_mem>>)
    %dma_wait3A_202 = arith.constant 0 : i32
    %dma_wait3A_203 = arith.constant 0 : i32
    %dma_wait3A_204 = arith.constant 0 : i32
    %dma_wait3A_205 = tpu.memref_slice %arg6[%dma_wait3A_203, %dma_wait3A_204] : memref<3x2x!tpu.dma_semaphore, #tpu.memory_space<semaphore_mem>> -> memref<1x1x!tpu.dma_semaphore, #tpu.memory_space<semaphore_mem>>
    %dma_wait3A_206 = tpu.memref_squeeze %dma_wait3A_205 : memref<1x1x!tpu.dma_semaphore, #tpu.memory_space<semaphore_mem>> -> memref<!tpu.dma_semaphore, #tpu.memory_space<semaphore_mem>>
    %dma_wait3A_207 = arith.constant 0 : i32
    %dma_wait3A_208 = arith.constant 0 : i32
    %dma_wait3A_209 = tpu.memref_slice %arg3[%dma_wait3A_202, %dma_wait3A_207, %dma_wait3A_208] : memref<3x4096x64xf32, #tpu.memory_space<vmem>> -> memref<1x288x64xf32, #tpu.memory_space<vmem>>
    %dma_wait3A_210 = tpu.memref_squeeze %dma_wait3A_209 : memref<1x288x64xf32, #tpu.memory_space<vmem>> -> memref<288x64xf32, #tpu.memory_space<vmem>>
    %dma_wait3A_211 = arith.constant 499712 : i32
    %dma_wait3A_212 = arith.constant 0 : i32
    %dma_wait3A_213 = tpu.memref_slice %arg0[%dma_wait3A_211, %dma_wait3A_212] : memref<500000x64xf32, #tpu.memory_space<any>> -> memref<288x64xf32, #tpu.memory_space<any>>
    tpu.wait_dma2 semaphore(%dma_wait3A_206 : memref<!tpu.dma_semaphore, #tpu.memory_space<semaphore_mem>>) src(%dma_wait3A_213 : memref<288x64xf32, #tpu.memory_space<any>>) dst(%dma_wait3A_210 : memref<288x64xf32, #tpu.memory_space<vmem>>)
    %dma_wait3A_214 = arith.constant 0 : i32
    %dma_wait3A_215 = arith.constant 0 : i32
    %dma_wait3A_216 = tpu.memref_slice %arg7[%dma_wait3A_215] : memref<3x!tpu.dma_semaphore, #tpu.memory_space<semaphore_mem>> -> memref<1x!tpu.dma_semaphore, #tpu.memory_space<semaphore_mem>>
    %dma_wait3A_217 = tpu.memref_squeeze %dma_wait3A_216 : memref<1x!tpu.dma_semaphore, #tpu.memory_space<semaphore_mem>> -> memref<!tpu.dma_semaphore, #tpu.memory_space<semaphore_mem>>
    %dma_wait3A_218 = arith.constant 0 : i32
    %dma_wait3A_219 = arith.constant 0 : i32
    %dma_wait3A_220 = tpu.memref_slice %arg4[%dma_wait3A_214, %dma_wait3A_218, %dma_wait3A_219] : memref<3x32x128xf32, #tpu.memory_space<vmem>> -> memref<1x3x128xf32, #tpu.memory_space<vmem>>
    %dma_wait3A_221 = tpu.memref_squeeze %dma_wait3A_220 : memref<1x3x128xf32, #tpu.memory_space<vmem>> -> memref<3x128xf32, #tpu.memory_space<vmem>>
    %dma_wait3A_222 = arith.constant 3904 : i32
    %dma_wait3A_223 = arith.constant 0 : i32
    %dma_wait3A_224 = tpu.memref_slice %arg1[%dma_wait3A_222, %dma_wait3A_223] : memref<4000x128xf32, #tpu.memory_space<any>> -> memref<3x128xf32, #tpu.memory_space<any>>
    tpu.wait_dma2 semaphore(%dma_wait3A_217 : memref<!tpu.dma_semaphore, #tpu.memory_space<semaphore_mem>>) src(%dma_wait3A_224 : memref<3x128xf32, #tpu.memory_space<any>>) dst(%dma_wait3A_221 : memref<3x128xf32, #tpu.memory_space<vmem>>)
    %get3A = arith.constant 0 : index
    %get3A_225 = arith.constant 0 : index
    %get3A_226 = arith.constant 0 : index
    %get3A_227 = vector.load %arg4[%get3A, %get3A_225, %get3A_226] : memref<3x32x128xf32, #tpu.memory_space<vmem>>, vector<1x3x128xf32>
    %get3A_228 = vector.shape_cast %get3A_227 : vector<1x3x128xf32> to vector<3x128xf32>
    %broadcast_in_dim3A = vector.shape_cast %get3A_228 : vector<3x128xf32> to vector<3x1x128xf32>
    %broadcast_in_dim3A_229 = vector.shape_cast %broadcast_in_dim3A : vector<3x1x128xf32> to vector<3x1x128xf32>
    %broadcast_in_dim3A_230 = vector.broadcast %broadcast_in_dim3A_229 : vector<3x1x128xf32> to vector<3x128x128xf32>
    %reshape3A = vector.shape_cast %broadcast_in_dim3A_230 : vector<3x128x128xf32> to vector<384x128xf32>
    %slice3A = vector.extract_strided_slice %reshape3A {offsets = [0, 0], sizes = [288, 128], strides = [1, 1]} : vector<384x128xf32> to vector<288x128xf32>
    %iota3A = tpu.iota {dimensions = array<i32: 1>} : vector<288x128xi32>
    %iota3A_231 = tpu.iota {dimensions = array<i32: 0>} : vector<288x128xi32>
    %jit3A = arith.constant 128 : i32
    %eq3A = arith.constant 0 : i32
    %eq3A_232 = arith.cmpi eq, %jit3A, %eq3A : i32
    %jit3A_233 = arith.constant 1 : i32
    %select_n3A = arith.select %eq3A_232, %jit3A_233, %jit3A : i32
    %rem3A = vector.broadcast %select_n3A : i32 to vector<288x128xi32>
    %rem3A_234 = arith.remsi %iota3A_231, %rem3A : vector<288x128xi32>
    %ne3A = arith.constant 0 : i32
    %ne3A_235 = vector.broadcast %ne3A : i32 to vector<288x128xi32>
    %ne3A_236 = arith.cmpi ne, %rem3A_234, %ne3A_235 : vector<288x128xi32>
    %lt3A = arith.constant 0 : i32
    %lt3A_237 = vector.broadcast %lt3A : i32 to vector<288x128xi32>
    %lt3A_238 = arith.cmpi slt, %rem3A_234, %lt3A_237 : vector<288x128xi32>
    %lt3A_239 = arith.constant 0 : i32
    %lt3A_240 = arith.cmpi slt, %select_n3A, %lt3A_239 : i32
    %ne3A_241 = vector.broadcast %lt3A_240 : i1 to vector<288x128xi1>
    %ne3A_242 = vector.broadcast %ne3A_241 : vector<288x128xi1> to vector<288x128xi1>
    %ne3A_243 = arith.xori %lt3A_238, %ne3A_242 : vector<288x128xi1>
    %and3A = arith.andi %ne3A_243, %ne3A_236 : vector<288x128xi1>
    %add3A = vector.broadcast %select_n3A : i32 to vector<288x128xi32>
    %add3A_244 = arith.addi %rem3A_234, %add3A : vector<288x128xi32>
    %select_n3A_245 = arith.select %and3A, %add3A_244, %rem3A_234 : vector<288x128xi1>, vector<288x128xi32>
    %eq3A_246 = arith.cmpi eq, %iota3A, %select_n3A_245 : vector<288x128xi32>
    %convert_element_type3A = arith.extui %eq3A_246 : vector<288x128xi1> to vector<288x128xi32>
    %convert_element_type3A_247 = arith.sitofp %convert_element_type3A : vector<288x128xi32> to vector<288x128xf32>
    %mul3A = arith.mulf %slice3A, %convert_element_type3A_247 : vector<288x128xf32>
    %broadcast_in_dim3A_248 = arith.constant 1.000000e+00 : f32
    %broadcast_in_dim3A_249 = vector.broadcast %broadcast_in_dim3A_248 : f32 to vector<128x1xf32>
    %dot_general3A = arith.constant dense<0.000000e+00> : vector<288x1xf32>
    %dot_general3A_250 = tpu.matmul %mul3A, %broadcast_in_dim3A_249, %dot_general3A {dimension_numbers = #tpu.dot_dimension_numbers<[1], [0], [0], [1], [0, 0, 1, 1], [], []>, transpose_lhs_hint = false} : vector<288x128xf32>, vector<128x1xf32>, vector<288x1xf32> -> vector<288x1xf32>
    %get3A_251 = arith.constant 0 : index
    %get3A_252 = arith.constant 0 : index
    %get3A_253 = arith.constant 0 : index
    %get3A_254 = vector.load %arg3[%get3A_251, %get3A_252, %get3A_253] : memref<3x4096x64xf32, #tpu.memory_space<vmem>>, vector<1x288x64xf32>
    %get3A_255 = vector.shape_cast %get3A_254 : vector<1x288x64xf32> to vector<288x64xf32>
    %mul3A_256 = vector.broadcast %dot_general3A_250 : vector<288x1xf32> to vector<288x64xf32>
    %mul3A_257 = arith.mulf %get3A_255, %mul3A_256 : vector<288x64xf32>
    %swap3A = arith.constant 0 : index
    %swap3A_258 = arith.constant 0 : index
    %swap3A_259 = arith.constant 0 : index
    %swap3A_260 = vector.load %arg5[%swap3A, %swap3A_258, %swap3A_259] : memref<3x4096x64xf32, #tpu.memory_space<vmem>>, vector<1x288x64xf32>
    %swap3A_261 = vector.shape_cast %swap3A_260 : vector<1x288x64xf32> to vector<288x64xf32>
    %swap3A_262 = vector.shape_cast %mul3A_257 : vector<288x64xf32> to vector<1x288x64xf32>
    tpu.vector_store %arg5[%swap3A, %swap3A_258, %swap3A_259], %swap3A_262 {strides = array<i32>} : memref<3x4096x64xf32, #tpu.memory_space<vmem>>, vector<1x288x64xf32>,
    %dma_start3A_263 = arith.constant 0 : i32
    %dma_start3A_264 = arith.constant 0 : i32
    %dma_start3A_265 = arith.constant 0 : i32
    %dma_start3A_266 = tpu.memref_slice %arg8[%dma_start3A_264, %dma_start3A_265] : memref<3x2x!tpu.dma_semaphore, #tpu.memory_space<semaphore_mem>> -> memref<1x1x!tpu.dma_semaphore, #tpu.memory_space<semaphore_mem>>
    %dma_start3A_267 = tpu.memref_squeeze %dma_start3A_266 : memref<1x1x!tpu.dma_semaphore, #tpu.memory_space<semaphore_mem>> -> memref<!tpu.dma_semaphore, #tpu.memory_space<semaphore_mem>>
    %dma_start3A_268 = arith.constant 499712 : i32
    %dma_start3A_269 = arith.constant 0 : i32
    %dma_start3A_270 = tpu.memref_slice %arg2[%dma_start3A_268, %dma_start3A_269] : memref<500000x64xf32, #tpu.memory_space<any>> -> memref<288x64xf32, #tpu.memory_space<any>>
    %dma_start3A_271 = arith.constant 0 : i32
    %dma_start3A_272 = arith.constant 0 : i32
    %dma_start3A_273 = tpu.memref_slice %arg5[%dma_start3A_263, %dma_start3A_271, %dma_start3A_272] : memref<3x4096x64xf32, #tpu.memory_space<vmem>> -> memref<1x288x64xf32, #tpu.memory_space<vmem>>
    %dma_start3A_274 = tpu.memref_squeeze %dma_start3A_273 : memref<1x288x64xf32, #tpu.memory_space<vmem>> -> memref<288x64xf32, #tpu.memory_space<vmem>>
    tpu.enqueue_dma source(%dma_start3A_274 : memref<288x64xf32, #tpu.memory_space<vmem>>) target(%dma_start3A_270 : memref<288x64xf32, #tpu.memory_space<any>>) target_semaphore(%dma_start3A_267 : memref<!tpu.dma_semaphore, #tpu.memory_space<semaphore_mem>>)
    %dma_wait3A_275 = arith.constant 0 : i32
    %dma_wait3A_276 = arith.constant 0 : i32
    %dma_wait3A_277 = arith.constant 0 : i32
    %dma_wait3A_278 = tpu.memref_slice %arg8[%dma_wait3A_276, %dma_wait3A_277] : memref<3x2x!tpu.dma_semaphore, #tpu.memory_space<semaphore_mem>> -> memref<1x1x!tpu.dma_semaphore, #tpu.memory_space<semaphore_mem>>
    %dma_wait3A_279 = tpu.memref_squeeze %dma_wait3A_278 : memref<1x1x!tpu.dma_semaphore, #tpu.memory_space<semaphore_mem>> -> memref<!tpu.dma_semaphore, #tpu.memory_space<semaphore_mem>>
    %dma_wait3A_280 = arith.constant 499712 : i32
    %dma_wait3A_281 = arith.constant 0 : i32
    %dma_wait3A_282 = tpu.memref_slice %arg2[%dma_wait3A_280, %dma_wait3A_281] : memref<500000x64xf32, #tpu.memory_space<any>> -> memref<288x64xf32, #tpu.memory_space<any>>
    %dma_wait3A_283 = arith.constant 0 : i32
    %dma_wait3A_284 = arith.constant 0 : i32
    %dma_wait3A_285 = tpu.memref_slice %arg5[%dma_wait3A_275, %dma_wait3A_283, %dma_wait3A_284] : memref<3x4096x64xf32, #tpu.memory_space<vmem>> -> memref<1x288x64xf32, #tpu.memory_space<vmem>>
    %dma_wait3A_286 = tpu.memref_squeeze %dma_wait3A_285 : memref<1x288x64xf32, #tpu.memory_space<vmem>> -> memref<288x64xf32, #tpu.memory_space<vmem>>
    tpu.wait_dma2 semaphore(%dma_wait3A_279 : memref<!tpu.dma_semaphore, #tpu.memory_space<semaphore_mem>>) src(%dma_wait3A_286 : memref<288x64xf32, #tpu.memory_space<vmem>>) dst(%dma_wait3A_282 : memref<288x64xf32, #tpu.memory_space<any>>)
    return
  }
}

</mosaic_0001>

<sc_bundles>
// kernel: kernel.5.cloned.1.call-start
scs
__scs_entry_jumppad:
0x0: {  	(pc) =	sbr.rel $0x88, $3  }
0x1: {  	(tag) =	ssettag $0x0;
	lr =	simm.s32 $0x1  }
0x2: {  	[smem:$0x3F9A] =	sst lr;
	_ =	strace $0xD0000000  }
0x3: {  	_ = 	snop  }
0x4: {  	_ = 	snop  }
0x5: {  	_ = 	snop  }
0x6: {  	_ = 	snop  }
0x7: {  	_ = 	snop  }
__scs_overlays_trampoline_lowered:
0x8: {  	[smem:$0x3FA9] =	sst s0  }
0x9: {  	[smem:$0x3FAA] =	sst s1  }
0xa: {  	[smem:$0x3FAB] =	sst s2  }
0xb: {  	[smem:$0x3FAC] =	sst s3  }
0xc: {  	[smem:$0x3FAD] =	sst s4  }
0xd: {  	[smem:$0x3FAE] =	sst s5  }
0xe: {  	[smem:$0x3FAF] =	sst s6  }
0xf: {  	[smem:$0x3FB0] =	sst s7  }
0x10: {  	[smem:$0x3FB1] =	sst s8  }
0x11: {  	[smem:$0x3FB2] =	sst s9;
	s0 =	simm.s32 @!p0 $0x0  }
0x12: {  	s1 =	sld [smem:$0x3F98];
	s0 =	simm.s32 @p0 $0x1  }
0x13: {  	[smem:$0x3FB3] =	sst s0;
	s0 =	simm.s32 @!p1 $0x0  }
0x14: {  	s2 =	sld [smem:$0x3F97];
	s0 =	simm.s32 @p1 $0x1  }
0x15: {  	[smem:$0x3FB4] =	sst s0;
	s0 =	simm.s32 @!p2 $0x0  }
0x16: {  	s3 =	sld [smem:$0x3FDB];
	s0 =	simm.s32 @p2 $0x1  }
0x17: {  	s4 =	simm.s32 $0x1BF5;
	[smem:$0x3FB6] =	sst s0  }
0x18: {  	s0 =	sld [smem:$0x3F99];
	_ =	swait.ge [sflag:s4], $0x0  }
0x19: {  	s7 =	sld [smem:$0x3F9A]  }
0x1a: {  	s8 =	sadd.s32 $0xFFFFE003, lr  }
0x1b: {  	s9 =	sadd.s32 $0xFFFFFEF7, lr;
	s5 =	simm.s32 $0xFFFFFFFF;
	p2 =	slt.u32 s8, $0xFFFFF086  }
0x1c: {  	p1 =	slt.u32 s9, $0xF7A;
	s5 =	simm.s32 @!p2 $0x0  }
0x1d: {  	s5 =	simm.s32 @p1 $0x1;
	p0 =	seq.s32 s7, s2  }
0x1e: {  	s7 =	smul.u32 @!p0 $0xF7A, s2;
	p2 =	seq.s32 @!p0 s5, $0x0  }
0x1f: {  	s9 =	smul.u32 $0xF7A, s1;
	s8 =	simm.s32 @!p0 $0x1BF5;
	p2 =	por !p2, p0  }
0x20: {  	[sflag:s8] =	ssyncset.s32 @!p0 $0xFFFFF086;
	s6 =	sadd.s32 @!p0 s3, s7;
	s7 =	simm.s32 @!p0 $0x108  }
0x21: {  	s3 =	sadd.s32 s3, s9;
	s6 =	sadd.s32 @!p0 $0x88, s6;
	s7 =	simm.s32 @p2 $0x1082  }
0x22: {  	[simem:s7], [sflag:s8] =	dma.local @!p0 [hbm:s6], $0xF7A  }
0x23: {  	s9 =	sor.u32 $0xD0000000, s2;
	s6 =	simm.s32 $0x108;
	_ =	swait.ge @!p0 [sflag:s8], $0x0  }
0x24: {  	s3 =	sadd.s32 $0x88, s3;
	s6 =	simm.s32 @!p1 $0x1082;
	[sflag:s4] =	ssyncset.s32 $0xFFFFF086  }
0x25: {  	[simem:s6], [sflag:s4] =	dma.local [hbm:s3], $0xF7A  }
0x26: {  	[smem:$0x3F9A] =	sst s1;
	(tag) =	ssettag s2;
	_ =	strace s9  }
0x27: {  	s1 =	sld [smem:$0x3FAA]  }
0x28: {  	s2 =	sld [smem:$0x3FAB]  }
0x29: {  	s4 =	sld [smem:$0x3FAD]  }
0x2a: {  	p0 =	seq.s32 s5, $0x0;
	s5 =	sld [smem:$0x3FAE]  }
0x2b: {  	s6 =	sld [smem:$0x3FAF]  }
0x2c: {  	s7 =	sld [smem:$0x3FB0]  }
0x2d: {  	s3 =	simm.s32 $0x108;
	s8 =	sld [smem:$0x3FB1]  }
0x2e: {  	s3 =	simm.s32 @!p0 $0x1082;
	s9 =	sld [smem:$0x3FB2]  }
0x2f: {  	lr =	sadd.s32 s0, s3;
	s0 =	sld [smem:$0x3FA9]  }
0x30: {  	s3 =	sld [smem:$0x3FAC]  }
0x31: {  	[smem:$0x3FB5] =	sst s10  }
0x32: {  	s10 =	sld [smem:$0x3FB3];
	_ =	sdelay $0x3  }
0x33: {  	p0 =	seq.s32 s10, $0x1;
	s10 =	sld [smem:$0x3FB5];
	_ =	sdelay $0x3  }
0x34: {  	[smem:$0x3FB5] =	sst s10  }
0x35: {  	s10 =	sld [smem:$0x3FB4];
	_ =	sdelay $0x3  }
0x36: {  	p1 =	seq.s32 s10, $0x1;
	s10 =	sld [smem:$0x3FB5];
	_ =	sdelay $0x3  }
0x37: {  	[smem:$0x3FB5] =	sst s10  }
0x38: {  	s10 =	sld [smem:$0x3FB6]  }
0x39: {  	_ = 	snop;
	(pc) =	sbr.ind lr, $3  }
0x3a: {  	_ = 	snop  }
0x3b: {  	_ = 	snop  }
0x3c: {  	p2 =	seq.s32 s10, $0x1;
	s10 =	sld [smem:$0x3FB5]  }
0x3d: {  	_ =	shalt  }
0x3e: {  	_ =	shalt  }
0x3f: {  	_ =	shalt  }
0x40: {  	_ =	shalt  }
0x41: {  	_ =	shalt  }
0x42: {  	_ =	shalt  }
0x43: {  	_ =	shalt  }
0x44: {  	_ =	shalt  }
0x45: {  	_ =	shalt  }
0x46: {  	_ =	shalt  }
0x47: {  	_ =	shalt  }
0x48: {  	_ =	shalt  }
0x49: {  	_ =	shalt  }
0x4a: {  	_ =	shalt  }
0x4b: {  	_ =	shalt  }
0x4c: {  	_ =	shalt  }
0x4d: {  	_ =	shalt  }
0x4e: {  	_ =	shalt  }
0x4f: {  	_ =	shalt  }
0x50: {  	_ =	shalt  }
0x51: {  	_ =	shalt  }
0x52: {  	_ =	shalt  }
0x53: {  	_ =	shalt  }
0x54: {  	_ =	shalt  }
0x55: {  	_ =	shalt  }
0x56: {  	_ =	shalt  }
0x57: {  	_ =	shalt  }
0x58: {  	_ =	shalt  }
0x59: {  	_ =	shalt  }
0x5a: {  	_ =	shalt  }
0x5b: {  	_ =	shalt  }
0x5c: {  	_ =	shalt  }
0x5d: {  	_ =	shalt  }
0x5e: {  	_ =	shalt  }
0x5f: {  	_ =	shalt  }
0x60: {  	_ =	shalt  }
0x61: {  	_ =	shalt  }
0x62: {  	_ =	shalt  }
0x63: {  	_ =	shalt  }
0x64: {  	_ =	shalt  }
0x65: {  	_ =	shalt  }
0x66: {  	_ =	shalt  }
0x67: {  	_ =	shalt  }
0x68: {  	_ =	shalt  }
0x69: {  	_ =	shalt  }
0x6a: {  	_ =	shalt  }
0x6b: {  	_ =	shalt  }
0x6c: {  	_ =	shalt  }
0x6d: {  	_ =	shalt  }
0x6e: {  	_ =	shalt  }
0x6f: {  	_ =	shalt  }
0x70: {  	_ =	shalt  }
0x71: {  	_ =	shalt  }
0x72: {  	_ =	shalt  }
0x73: {  	_ =	shalt  }
0x74: {  	_ =	shalt  }
0x75: {  	_ =	shalt  }
0x76: {  	_ =	shalt  }
0x77: {  	_ =	shalt  }
0x78: {  	_ =	shalt  }
0x79: {  	_ =	shalt  }
0x7a: {  	_ =	shalt  }
0x7b: {  	_ =	shalt  }
0x7c: {  	_ =	shalt  }
0x7d: {  	_ =	shalt  }
0x7e: {  	_ =	shalt  }
0x7f: {  	_ =	shalt  }
0x80: {  	_ =	shalt  }
0x81: {  	_ =	shalt  }
0x82: {  	_ =	shalt  }
0x83: {  	_ =	shalt  }
0x84: {  	_ =	shalt  }
0x85: {  	_ =	shalt  }
0x86: {  	_ =	shalt  }
0x87: {  	_ =	shalt  }
.Lfunc_end0:
.L_simem_size_0:
called_computation_lowered:
.L_overlay_start_0:
0x88: {  	s2 =	sld [smem:$0x3FD9]  }
0x89: {  	s3 =	sld [smem:$0x3FFE];
	_ =	sdelay $0x1  }
0x8a: {  	s1 =	srdreg.scid  }
0x8b: {  	s0 =	sand.u32 $0x1, s1  }
0x8c: {  	s14 =	sshll.u32 s0, $0xA;
	s2 =	sadd.s32 s3, s2  }
0x8d: {  	s2 =	sadd.s32 s2, s14  }
0x8e: {  	[smem:$0x3FC1] =	sst s2  }
0x8f: {  	_ = 	snop  }
0x90: {  	s2 =	sld [smem:$0x3FD0];
	_ =	sdelay $0x2  }
0x91: {  	s15 =	simm.s32 $0xA;
	s4 =	simm.s32 $0x10  }
0x92: {  	[smem:s4], [sflag:s15] =	dma.local [hbm:s2], $0x1  }
0x93: {  	_ =	swait.eq [sflag:s15], $0x1  }
0x94: {  	s16 =	sld [smem:$0x10];
	[sflag:s15] =	ssyncset.done $0x0  }
0x95: {  	s17 =	sld [smem:$0x13];
	[sflag:s15] =	ssyncadd.s32 $0xFFFFFFFF  }
0x96: {  	s18 =	sld [smem:$0x15];
	(tm) =	ssettm $0x1  }
0x97: {  	s5 =	sld [smem:$0x3FFB];
	_ =	sdelay $0x3  }
0x98: {  	_ =	strace s5  }
0x99: {  	s5 =	sld [smem:$0x3FFC];
	_ =	sdelay $0x3  }
0x9a: {  	_ =	strace s5  }
0x9b: {  	s5 =	sld [smem:$0x3FFD];
	_ =	sdelay $0x3  }
0x9c: {  	_ =	strace s5  }
0x9d: {  	_ =	strace $0x8FFFFFFF  }
0x9e: {  	s19 =	sld [smem:$0x3FDB];
	_ =	sdelay $0x1  }
0x9f: {  	s6 =	simm.s32 $_scs_section_size  }
0xa0: {  	s7 =	simm.s32 $_size__tile_overlayer_lowered;
	s8 =	simm.s32 $_tile_overlayer_lowered  }
0xa1: {  	s22 =	simm.s32 $0x1BFF;
	s21 =	sshll.u32 s8, $0x1;
	s5 =	sadd.s32 s6, s19  }
0xa2: {  	s9 =	simm.s32 $0x0;
	s20 =	sshll.u32 s7, $0x1;
	s7 =	sadd.s32 s21, s5  }
0xa3: {  	[timem:s9], [sflag:s22] =	dma.local [hbm:s7], s20  }
0xa4: {  	_ =	swait.ge [sflag:s22], s20  }
0xa5: {  	s6 =	ssub.s32 $0x0, s20;
	[sflag:s22] =	ssyncset.done $0x0  }
0xa6: {  	[sflag:s22] =	ssyncadd.s32 s6;
	_ =	sdelay $0x1  }
0xa7: {  	s23 =	simm.s32 $0x1B8B  }
0xa8: {  	_ =	swait.ge [sflag:s23], $0x1  }
0xa9: {  	[sflag:s23] =	ssyncset.done $0x0  }
0xaa: {  	s25 =	simm.s32 $0x1B8E;
	s24 =	sld [smem:$0x3FFE];
	[sflag:s23] =	ssyncadd.s32 $0xFFFFFFFF  }
0xab: {  	s26 =	simm.s32 $execute0_lowered;
	[smem:$0x3FD2] =	sst s25  }
0xac: {  	s7 =	sshll.u32 s26, $0x1;
	_ =	strace $0x80000046;
	[dreg:$0x1] =	wrdreg $0xFFFFFFFF  }
0xad: {  	s28 =	simm.s32 $_size_execute0_lowered;
	s5 =	sadd.s32 s5, s7;
	[dreg:$0x0] =	wrdreg $0x0  }
0xae: {  	s7 =	sshll.u32 s28, $0x1;
	[dreg:$0x2] =	wrdreg s5  }
0xaf: {  	[dreg:$0x3] =	wrdreg s7  }
0xb0: {  	[dreg:$0x4] =	wrdreg $0xC0  }
0xb1: {  	_ =	task [dreg:s9], $0x5FFFF  }
0xb2: {  	[dreg:$0x1] =	wrdreg $0xFFFFFFFF  }
0xb3: {  	[dreg:$0x0] =	wrdreg $0x60  }
0xb4: {  	[dreg:$0x2] =	wrdreg s24  }
0xb5: {  	[dreg:$0x3] =	wrdreg s16  }
0xb6: {  	[dreg:$0x4] =	wrdreg s17  }
0xb7: {  	[dreg:$0x5] =	wrdreg s18  }
0xb8: {  	[dreg:$0x6] =	wrdreg $0x9  }
0xb9: {  	_ =	task.clear_ibuf [dreg:s9], $0x7FFFF;
	_ =	strace $0x90000046  }
0xba: {  	s29 =	simm.s32 $0x9;
	_ =	strace $0x80000048  }
0xbb: {  	_ =	swait.ge [sflag:s29], $0x1  }
0xbc: {  	[sflag:s29] =	ssyncadd.s32 $0xFFFFFFFF  }
0xbd: {  	_ =	strace $0x90000048  }
0xbe: {  	_ =	sfence  }
0xbf: {  	s30 =	sld [smem:$0x0];
	_ =	sdelay $0x2  }
0xc0: {  	s31 =	sshll.u32 s1, $0xD;
	s1 =	sshrl.u32 s1, $0x2  }
0xc1: {  	s3 =	sand.u32 $0x4000, s31;
	s1 =	sadd.s32 s1, s30  }
0xc2: {  	s0 =	sor.u32 s3, s0;
	s1 =	sshll.u32 s1, $0x11  }
0xc3: {  	s0 =	sor.u32 s1, s0  }
0xc4: {  	s0 =	sadd.s32 $0x8F2B, s0  }
0xc5: {  	[sflag:s0] =	ssyncadd.remote.s32 $0x1  }
0xc6: {  	_ =	sfence.sel $0xFFFF  }
0xc7: {  	[dreg:$0x0] =	wrdreg $0xFFFFFFFF;
	(pc) =	sbr.abs _section_cstart, $3  }
0xc8: {  	[dreg:$0x1] =	wrdreg $0xFFFFFFFF  }
0xc9: {  	_ =	task.clear_ibuf [dreg:s9], $0x2FFFF;
	_ =	strace $0x9FFFFFFF  }
0xca: {  	(tm) =	ssettm $0x7FFFFFFF  }
0xcb: {  	_ =	shalt  }
tec
execute0_lowered:
.L_overlay_start_1:
0x0: {  	(tag) =	ssettag $0x1  }
0x1: {  	s6 =	srdreg.scid;
	s8 =	stileid.u32  }
0x2: {  	s6 =	sand.u32 $0x1, s6;
	s8 =	sshll.u32 s8, $0x1  }
0x3: {  	s1 =	rddreg [dreg:$0x0];
	s8 =	sor.u32 s6, s8  }
0x4: {  	s2 =	rddreg [dreg:$0x1];
	s8 =	smul.u32 $0x3E80, s8  }
0x5: {  	s3 =	rddreg [dreg:$0x2];
	s0 =	simm.s32 $0x0  }
0x6: {  	[smem:$0x7FF] =	sst s0;
	s4 =	sadd.s32 $0x2800, s1;
	s8 =	sshrl.u32 s8, $0x3  }
0x7: {  	s5 =	sadd.s32 $0x31600, s1;
	s7 =	sadd.s32 $0x12200, s1;
	s20 =	sadd.s32 s4, s8  }
0x8: {  	s9 =	sadd.s32 $0x21C00, s1;
	s21 =	sadd.s32 s2, s8;
	[dreg:$0x5] =	wrdreg s20  }
0x9: {  	s10 =	sadd.s32 $0x8F200, s1;
	s22 =	sadd.s32 s3, s8;
	[dreg:$0x6] =	wrdreg s21  }
0xa: {  	s11 =	sadd.s32 $0x7F800, s1;
	s23 =	sadd.s32 s5, s8;
	[dreg:$0x7] =	wrdreg s22  }
0xb: {  	s12 =	sadd.s32 $0x6FE00, s1;
	s24 =	sadd.s32 s7, s8;
	[dreg:$0x8] =	wrdreg s23  }
0xc: {  	s13 =	sadd.s32 $0x41000, s1;
	s25 =	sadd.s32 s9, s8;
	[dreg:$0x9] =	wrdreg s24  }
0xd: {  	s14 =	sadd.s32 $0x9EC00, s1;
	s26 =	sadd.s32 s10, s8;
	[dreg:$0xa] =	wrdreg s25  }
0xe: {  	s15 =	sadd.s32 $0x50A00, s1;
	s17 =	sadd.s32 s11, s8;
	[dreg:$0xb] =	wrdreg s26  }
0xf: {  	s1 =	sadd.s32 $0x60400, s1;
	s18 =	sadd.s32 s12, s8;
	[dreg:$0xc] =	wrdreg s17  }
0x10: {  	s6 =	ssub.s32 $0x2, s6;
	s19 =	sadd.s32 s13, s8;
	[dreg:$0xd] =	wrdreg s18  }
0x11: {  	s16 =	sshrl.u32 s6, $0x1;
	[dreg:$0xe] =	wrdreg s19;
	s20 =	sadd.s32 s14, s8  }
0x12: {  	s6 =	ssub.s32 s6, s16;
	s21 =	sadd.s32 s15, s8;
	[dreg:$0xf] =	wrdreg s20  }
0x13: {  	s22 =	sadd.s32 $0x3E8, s8;
	s8 =	sadd.s32 s1, s8;
	[dreg:$0x10] =	wrdreg s21  }
0x14: {  	s31 =	smax.u32 s6, $0x1;
	s6 =	simm.s32 $0xBD00;
	[dreg:$0x11] =	wrdreg s8  }
0x15: {  	s4 =	sadd.s32 s4, s22;
	s2 =	sadd.s32 s2, s22;
	s25 =	sadd.s32 s3, s22  }
0x16: {  	s26 =	sadd.s32 s5, s22;
	s19 =	sadd.s32 s7, s22;
	s20 =	sadd.s32 s9, s22  }
0x17: {  	s21 =	sadd.s32 s10, s22;
	s23 =	sadd.s32 s11, s22;
	s24 =	sadd.s32 s12, s22  }
0x18: {  	s28 =	sadd.s32 s14, s22;
	s29 =	sadd.s32 s15, s22;
	s30 =	sadd.s32 s1, s22  }
0x19: {  	s1 =	simm.s32 $0x1;
	s3 =	simm.s32 $0x5E80;
	s5 =	simm.s32 $0x9D80  }
0x1a: {  	s7 =	simm.s32 $0xDC80;
	s8 =	simm.s32 $0xFC00;
	[dreg:$0x12] =	wrdreg s4  }
0x1b: {  	s9 =	simm.s32 $0x11B80;
	s10 =	simm.s32 $0x13B00;
	[dreg:$0x13] =	wrdreg s2  }
0x1c: {  	s11 =	simm.s32 $0x15A80;
	s12 =	simm.s32 $0x17A00;
	[dreg:$0x14] =	wrdreg s25  }
0x1d: {  	[dreg:$0x15] =	wrdreg s26;
	s25 =	sadd.s32 s13, s22;
	s22 =	simm.s32 $0x19980  }
0x1e: {  	v0 =	vimm.f32 $0.0e+00;
	s4 =	simm.s32 $0x7E00;
	s13 =	simm.s32 $0x0;
	_ =	strace $0x80000047  }
.LBB2_1:
0x1f: {  	s2 =	rddreg [dreg:$0x3]  }
0x20: {  	[tilespmem:s22], [sflag:$0x1] =	stream.linear.gather [hbm4b:s2+s0], $0x80, $0x38;
	[tilespmem:$0x19A00] =	vst v63  }
0x21: {  	_ =	swait.ge [sflag:s1], $0x80  }
0x22: {  	[sflag:s1] =	ssyncset.done $0x0  }
0x23: {  	s18 =	rddreg [dreg:$0x5];
	[sflag:s1] =	ssyncadd.s32 $0xFFFFFF80  }
0x24: {  	[tilespmem:s0], [sflag:$0x1] =	stream.linear.gather [hbm4b:s18+s0], $0x1F40, $0x38;
	[tilespmem:$0x19A00] =	vst v63  }
0x25: {  	_ =	swait.ge [sflag:s1], $0x1F40  }
0x26: {  	[sflag:s1] =	ssyncset.done $0x0  }
0x27: {  	s14 =	simm.s32 $0x1F80;
	s26 =	rddreg [dreg:$0x6];
	[sflag:s1] =	ssyncadd.s32 $0xFFFFE0C0  }
0x28: {  	[tilespmem:s14], [sflag:$0x1] =	stream.linear.gather [hbm4b:s26+s0], $0x1F40, $0x38;
	[tilespmem:$0x19A00] =	vst v63  }
0x29: {  	_ =	swait.ge [sflag:s1], $0x1F40  }
0x2a: {  	[sflag:s1] =	ssyncset.done $0x0  }
0x2b: {  	s16 =	simm.s32 $0x3F00;
	s15 =	rddreg [dreg:$0x7];
	[sflag:s1] =	ssyncadd.s32 $0xFFFFE0C0  }
0x2c: {  	[tilespmem:s16], [sflag:$0x1] =	stream.linear.gather [hbm4b:s15+s0], $0x1F40, $0x38;
	[tilespmem:$0x19A00] =	vst v63  }
0x2d: {  	_ =	swait.ge [sflag:s1], $0x1F40  }
0x2e: {  	[sflag:s1] =	ssyncset.done $0x0  }
0x2f: {  	s17 =	rddreg [dreg:$0x8];
	[sflag:s1] =	ssyncadd.s32 $0xFFFFE0C0  }
0x30: {  	[tilespmem:s3], [sflag:$0x1] =	stream.linear.gather [hbm4b:s17+s0], $0x1F40, $0x38;
	[tilespmem:$0x19A00] =	vst v63  }
0x31: {  	_ =	swait.ge [sflag:s1], $0x1F40  }
0x32: {  	[sflag:s1] =	ssyncset.done $0x0  }
0x33: {  	s18 =	rddreg [dreg:$0x9];
	[sflag:s1] =	ssyncadd.s32 $0xFFFFE0C0  }
0x34: {  	[tilespmem:s4], [sflag:$0x1] =	stream.linear.gather [hbm4b:s18+s0], $0x1F40, $0x38;
	[tilespmem:$0x19A00] =	vst v63  }
0x35: {  	_ =	swait.ge [sflag:s1], $0x1F40  }
0x36: {  	[sflag:s1] =	ssyncset.done $0x0  }
0x37: {  	s26 =	rddreg [dreg:$0xa];
	[sflag:s1] =	ssyncadd.s32 $0xFFFFE0C0  }
0x38: {  	[tilespmem:s5], [sflag:$0x1] =	stream.linear.gather [hbm4b:s26+s0], $0x1F40, $0x38;
	[tilespmem:$0x19A00] =	vst v63  }
0x39: {  	_ =	swait.ge [sflag:s1], $0x1F40  }
0x3a: {  	[sflag:s1] =	ssyncset.done $0x0  }
0x3b: {  	s17 =	simm.s32 $0x0;
	[sflag:s1] =	ssyncadd.s32 $0xFFFFE0C0  }
0x3c: {  	v1 =	vld [tilespmem:s17+$0x5E80];
	_ =	sdelay $0x4  }
0x3d: {  	v2 =	vshra.s32 v1, $0x1F  }
0x3e: {  	v2 =	vshrl.u32 v2, $0x1D  }
0x3f: {  	v2 =	vadd.s32 v2, v1  }
0x40: {  	v2 =	vshrl.u32 v2, $0x3  }
0x41: {  	s16 =	simm.s32 $0x20;
	v2 =	vshll.u32 v2, $0x3  }
0x42: {  	v5 =	vld [tilespmem:s16+$0x5E80];
	v4 =	vsub.s32 v1, v2  }
0x43: {  	v16 =	vld [tilespmem:s17+$0x3F00];
	v9 =	vshll.u32 v4, $0x4  }
0x44: {  	s26 =	simm.s32 $0x10;
	v14 =	vld [tilespmem:s17+$0x1F80];
	v3 =	vor.u32 $0x8, v9  }
0x45: {  	v1 =	vld [tilespmem:s26+$0x5E80];
	v6 =	vor.u32 $0x4, v9  }
0x46: {  	s15 =	simm.s32 $0x30;
	v17 =	vld [tilespmem:s17+$0x0];
	v7 =	vor.u32 $0x5, v9  }
0x47: {  	v2 =	vld [tilespmem:s15+$0x5E80];
	v8 =	vor.u32 $0x1, v9  }
0x48: {  	v10 =	vor.u32 $0x6, v9;
	v11 =	vld.idx.msk [tilespmem:v9+s22+$0x0], $0xffff  }
0x49: {  	v13 =	vor.u32 $0x9, v9;
	v18 =	vld.idx.msk [tilespmem:v3+s22+$0x0], $0xffff  }
0x4a: {  	v19 =	vor.u32 $0xA, v9;
	v12 =	vshra.s32 v1, $0x1F;
	v15 =	vld.idx.msk [tilespmem:v6+s22+$0x0], $0xffff  }
0x4b: {  	v3 =	vor.u32 $0x2, v9;
	v6 =	vshrl.u32 v12, $0x1D;
	v12 =	vld.idx.msk [tilespmem:v7+s22+$0x0], $0xffff  }
0x4c: {  	v20 =	vld.idx.msk [tilespmem:v8+s22+$0x0], $0xffff  }
0x4d: {  	v21 =	vor.u32 $0x7, v9;
	v23 =	vld.idx.msk [tilespmem:v10+s22+$0x0], $0xffff  }
0x4e: {  	v22 =	vor.u32 $0x3, v9;
	v25 =	vld.idx.msk [tilespmem:v13+s22+$0x0], $0xffff;
	v6 =	vadd.s32 v6, v1  }
0x4f: {  	v19 =	vld.idx.msk [tilespmem:v19+s22+$0x0], $0xffff;
	v6 =	vshrl.u32 v6, $0x3  }
0x50: {  	v26 =	vor.u32 $0xB, v9;
	v7 =	vshll.u32 v6, $0x3;
	v6 =	vshra.s32 v5, $0x1F;
	v24 =	vld.idx.msk [tilespmem:v3+s22+$0x0], $0xffff  }
0x51: {  	v7 =	vsub.s32 v1, v7;
	v11 =	vmul.f32 v17, v11;
	v15 =	vmul.f32 v17, v15  }
0x52: {  	v21 =	vld.idx.msk [tilespmem:v21+s22+$0x0], $0xffff;
	v3 =	vshra.s32 v2, $0x1F;
	v12 =	vmul.f32 v14, v12;
	v20 =	vmul.f32 v14, v20  }
0x53: {  	s14 =	simm.s32 $0x40;
	v22 =	vld.idx.msk [tilespmem:v22+s22+$0x0], $0xffff;
	v8 =	vshll.u32 v7, $0x4;
	v23 =	vmul.f32 v16, v23;
	v18 =	vmul.f32 v17, v18  }
0x54: {  	v1 =	vld [tilespmem:s14+$0x5E80];
	v25 =	vmul.f32 v14, v25;
	v19 =	vmul.f32 v16, v19;
	v10 =	vor.u32 $0x1, v8  }
0x55: {  	v27 =	vadd.f32 v12, v15;
	v20 =	vadd.f32 v20, v11;
	v24 =	vmul.f32 v16, v24  }
0x56: {  	v13 =	vor.u32 $0x4, v8;
	v9 =	vor.u32 $0x2, v8;
	v14 =	vor.u32 $0x5, v8  }
0x57: {  	v17 =	vld.idx.msk [tilespmem:v26+s22+$0x0], $0xffff;
	v12 =	vor.u32 $0x6, v8;
	v23 =	vadd.f32 v23, v27;
	v24 =	vadd.f32 v24, v20  }
0x58: {  	v15 =	vor.u32 $0x8, v8;
	v11 =	vor.u32 $0x9, v8;
	v20 =	vadd.f32 v25, v18  }
0x59: {  	s2 =	simm.s32 $0x140;
	[tilespmem:s17+$0x13B00] =	vst v4;
	v4 =	vshra.s32 v1, $0x1F;
	v16 =	vadd.f32 v23, v21;
	v18 =	vadd.f32 v24, v22  }
.LBB2_2:
0x5a: {  	p0 =	sne.s32 s2, $0x7CC0;
	v19 =	vadd.f32 v19, v20;
	s18 =	smov.u32 s2;
	s2 =	sadd.s32 $0x40, s2  }
0x5b: {  	vm1 =	vge.f32 v16, $0.0e+00;
	vm0 =	vge.f32 v18, $0.0e+00;
	[tilespmem:s17+$0xBD00] =	vst v18;
	v20 =	vld [tilespmem:s17+$0x9D80]  }
0x5c: {  	vm2 =	vlt.f32 v18, $6.000000000e+00;
	v17 =	vadd.f32 v19, v17;
	vm0 =	vmand vm0, vm1;
	v18 =	vld [tilespmem:s17+$0x7E00]  }
0x5d: {  	vm1 =	vlt.f32 v16, $6.000000000e+00;
	vm0 =	vmand vm0, vm2  }
0x5e: {  	vm0 =	vmand vm1, vm0;
	vm1 =	vge.f32 v17, $0.0e+00;
	[tilespmem:s17+$0xFC00] =	vst v17  }
0x5f: {  	vm0 =	vmand vm1, vm0;
	vm1 =	vlt.f32 v17, $3.000000000e+00  }
0x60: {  	vm0 =	vmand vm1, vm0  }
0x61: {  	[tilespmem:s17+$0xDC80] =	vst v16;
	v16 =	vsel vm0, $0x3F800000, v0;
	v17 =	vnsel vm0, $0x0, v18;
	v18 =	vnsel vm0, $0x0, v20  }
0x62: {  	v19 =	vld [tilespmem:s26+$0x3F00];
	[tilespmem:s17+$0x17A00] =	vst v18  }
0x63: {  	v18 =	vld [tilespmem:s26+$0x1F80];
	[tilespmem:s17+$0x11B80] =	vst v16  }
0x64: {  	v16 =	vld [tilespmem:s26+$0x0];
	[tilespmem:s17+$0x15A80] =	vst v17;
	s17 =	smov.u32 s26;
	s26 =	smov.u32 s16;
	s16 =	smov.u32 s15  }
0x65: {  	s15 =	smov.u32 s14;
	v20 =	vld.idx.msk [tilespmem:v15+s22+$0x0], $0xffff  }
0x66: {  	v15 =	vld.idx.msk [tilespmem:v8+s22+$0x0], $0xffff  }
0x67: {  	v17 =	vshrl.u32 v6, $0x1D;
	v6 =	vmov v3;
	v3 =	vmov v4;
	v21 =	vld.idx.msk [tilespmem:v13+s22+$0x0], $0xffff  }
0x68: {  	v4 =	vadd.s32 v17, v5;
	v17 =	vor.u32 $0xA, v8;
	v14 =	vld.idx.msk [tilespmem:v14+s22+$0x0], $0xffff  }
0x69: {  	v23 =	vor.u32 $0x7, v8;
	v4 =	vshrl.u32 v4, $0x3;
	v22 =	vld.idx.msk [tilespmem:v10+s22+$0x0], $0xffff  }
0x6a: {  	v24 =	vor.u32 $0x3, v8;
	v4 =	vshll.u32 v4, $0x3;
	v25 =	vld.idx.msk [tilespmem:v12+s22+$0x0], $0xffff  }
0x6b: {  	s14 =	sshra.s32 s18, $0x2;
	v4 =	vsub.s32 v5, v4;
	v5 =	vmov v2;
	v2 =	vmov v1;
	v26 =	vld.idx.msk [tilespmem:v9+s22+$0x0], $0xffff  }
0x6c: {  	v28 =	vor.u32 $0xB, v8;
	v8 =	vshll.u32 v4, $0x4;
	v29 =	vmul.f32 v16, v15;
	v27 =	vld.idx.msk [tilespmem:v11+s22+$0x0], $0xffff  }
0x6d: {  	v10 =	vor.u32 $0x1, v8;
	v13 =	vor.u32 $0x4, v8;
	v30 =	vld.idx.msk [tilespmem:v17+s22+$0x0], $0xffff;
	v17 =	vmul.f32 v16, v21  }
0x6e: {  	v12 =	vor.u32 $0x6, v8;
	v9 =	vor.u32 $0x2, v8;
	v21 =	vld.idx.msk [tilespmem:v23+s22+$0x0], $0xffff;
	v23 =	vmul.f32 v18, v14  }
0x6f: {  	v15 =	vor.u32 $0x8, v8;
	v11 =	vor.u32 $0x9, v8;
	v22 =	vmul.f32 v18, v22;
	v24 =	vld.idx.msk [tilespmem:v24+s22+$0x0], $0xffff  }
0x70: {  	v14 =	vor.u32 $0x5, v8;
	v25 =	vmul.f32 v19, v25;
	v1 =	vld [tilespmem:s14+$0x5E80];
	v23 =	vadd.f32 v23, v17  }
.Ltmp0:
0x71: {  	v22 =	vadd.f32 v22, v29;
	v26 =	vmul.f32 v19, v26;
	(pc) =	sbr.rel @p0 .LBB2_2-.Ltmp0, $4  }
0x72: {  	v20 =	vmul.f32 v16, v20;
	v18 =	vmul.f32 v18, v27;
	v17 =	vld.idx.msk [tilespmem:v28+s22+$0x0], $0xffff;
	v23 =	vadd.f32 v25, v23  }
0x73: {  	v22 =	vadd.f32 v26, v22;
	v19 =	vmul.f32 v19, v30;
	[tilespmem:s17+$0x13B00] =	vst v7;
	v7 =	vmov v4  }
0x74: {  	v20 =	vadd.f32 v18, v20;
	v16 =	vadd.f32 v23, v21  }
0x75: {  	v18 =	vadd.f32 v22, v24;
	v4 =	vshra.s32 v1, $0x1F  }
0x76: {  	v19 =	vadd.f32 v19, v20  }
0x77: {  	vm1 =	vge.f32 v16, $0.0e+00;
	vm0 =	vge.f32 v18, $0.0e+00  }
0x78: {  	v20 =	vld [tilespmem:s17+$0x9D80];
	vm2 =	vlt.f32 v18, $6.000000000e+00;
	v17 =	vadd.f32 v19, v17;
	vm0 =	vmand vm0, vm1  }
0x79: {  	vm13 =	vlt.f32 v16, $6.000000000e+00;
	vm0 =	vmand vm0, vm2  }
0x7a: {  	[tilespmem:s17+$0xBD00] =	vst v18;
	v18 =	vld [tilespmem:s17+$0x7E00];
	vm0 =	vmand vm13, vm0;
	vm14 =	vge.f32 v17, $0.0e+00  }
0x7b: {  	vm15 =	vlt.f32 v17, $3.000000000e+00;
	vm0 =	vmand vm14, vm0  }
0x7c: {  	[tilespmem:s17+$0xDC80] =	vst v16;
	vm0 =	vmand vm15, vm0  }
0x7d: {  	[tilespmem:s17+$0xFC00] =	vst v17;
	v16 =	vnsel vm0, $0x0, v20  }
0x7e: {  	v17 =	vld [tilespmem:s26+$0x3F00];
	[tilespmem:s17+$0x17A00] =	vst v16;
	v16 =	vsel vm0, $0x3F800000, v0  }
0x7f: {  	v19 =	vld [tilespmem:s26+$0x1F80];
	[tilespmem:s17+$0x11B80] =	vst v16;
	v16 =	vnsel vm0, $0x0, v18  }
0x80: {  	v18 =	vld [tilespmem:s26+$0x0];
	[tilespmem:s17+$0x15A80] =	vst v16  }
0x81: {  	v15 =	vld.idx.msk [tilespmem:v15+s22+$0x0], $0xffff  }
0x82: {  	v16 =	vld.idx.msk [tilespmem:v8+s22+$0x0], $0xffff  }
0x83: {  	v13 =	vld.idx.msk [tilespmem:v13+s22+$0x0], $0xffff  }
0x84: {  	v21 =	vor.u32 $0x7, v8;
	v14 =	vld.idx.msk [tilespmem:v14+s22+$0x0], $0xffff  }
0x85: {  	v20 =	vor.u32 $0xA, v8;
	v10 =	vld.idx.msk [tilespmem:v10+s22+$0x0], $0xffff  }
0x86: {  	v22 =	vor.u32 $0x3, v8;
	v12 =	vld.idx.msk [tilespmem:v12+s22+$0x0], $0xffff  }
0x87: {  	v9 =	vld.idx.msk [tilespmem:v9+s22+$0x0], $0xffff  }
0x88: {  	v11 =	vld.idx.msk [tilespmem:v11+s22+$0x0], $0xffff  }
0x89: {  	v8 =	vor.u32 $0xB, v8;
	v21 =	vld.idx.msk [tilespmem:v21+s22+$0x0], $0xffff;
	v13 =	vmul.f32 v18, v13;
	v14 =	vmul.f32 v19, v14  }
0x8a: {  	v20 =	vld.idx.msk [tilespmem:v20+s22+$0x0], $0xffff;
	v16 =	vmul.f32 v18, v16;
	v10 =	vmul.f32 v19, v10  }
0x8b: {  	v22 =	vld.idx.msk [tilespmem:v22+s22+$0x0], $0xffff;
	v12 =	vmul.f32 v17, v12  }
0x8c: {  	v9 =	vmul.f32 v17, v9;
	v13 =	vadd.f32 v14, v13;
	v10 =	vadd.f32 v10, v16  }
0x8d: {  	v11 =	vmul.f32 v19, v11;
	v14 =	vmul.f32 v18, v15  }
0x8e: {  	v8 =	vld.idx.msk [tilespmem:v8+s22+$0x0], $0xffff;
	v12 =	vadd.f32 v12, v13;
	v9 =	vadd.f32 v9, v10  }
0x8f: {  	v10 =	vmul.f32 v17, v20;
	v11 =	vadd.f32 v11, v14  }
0x90: {  	v12 =	vadd.f32 v12, v21;
	v9 =	vadd.f32 v9, v22  }
0x91: {  	v6 =	vshrl.u32 v6, $0x1D;
	[tilespmem:s26+$0x13B00] =	vst v7;
	v7 =	vadd.f32 v10, v11  }
0x92: {  	v6 =	vadd.s32 v6, v5;
	vm4 =	vge.f32 v9, $0.0e+00;
	vm5 =	vge.f32 v12, $0.0e+00  }
0x93: {  	v10 =	vld [tilespmem:s26+$0x9D80];
	v7 =	vadd.f32 v7, v8;
	vm6 =	vlt.f32 v9, $6.000000000e+00;
	vm0 =	vmand vm4, vm5  }
0x94: {  	v6 =	vshrl.u32 v6, $0x3;
	vm7 =	vlt.f32 v12, $6.000000000e+00;
	vm0 =	vmand vm0, vm6  }
0x95: {  	v6 =	vshll.u32 v6, $0x3;
	v8 =	vld [tilespmem:s26+$0x7E00];
	vm8 =	vge.f32 v7, $0.0e+00;
	vm0 =	vmand vm7, vm0  }
0x96: {  	v5 =	vsub.s32 v5, v6;
	[tilespmem:s26+$0xBD00] =	vst v9;
	vm9 =	vlt.f32 v7, $3.000000000e+00;
	vm0 =	vmand vm8, vm0  }
0x97: {  	v6 =	vshll.u32 v5, $0x4;
	[tilespmem:s26+$0xDC80] =	vst v12;
	vm0 =	vmand vm9, vm0  }
0x98: {  	v12 =	vor.u32 $0x4, v6;
	[tilespmem:s26+$0xFC00] =	vst v7;
	v7 =	vnsel vm0, $0x0, v10  }
0x99: {  	v14 =	vor.u32 $0x1, v6;
	v9 =	vld [tilespmem:s16+$0x3F00];
	[tilespmem:s26+$0x17A00] =	vst v7;
	v7 =	vsel vm0, $0x3F800000, v0  }
0x9a: {  	v15 =	vor.u32 $0x2, v6;
	v8 =	vnsel vm0, $0x0, v8;
	v11 =	vld [tilespmem:s16+$0x1F80];
	[tilespmem:s26+$0x11B80] =	vst v7  }
0x9b: {  	v7 =	vor.u32 $0x5, v6;
	v13 =	vld [tilespmem:s16+$0x0];
	[tilespmem:s26+$0x15A80] =	vst v8  }
0x9c: {  	v8 =	vor.u32 $0x6, v6;
	v16 =	vld.idx.msk [tilespmem:v6+s22+$0x0], $0xffff  }
0x9d: {  	v17 =	vor.u32 $0x9, v6;
	v12 =	vld.idx.msk [tilespmem:v12+s22+$0x0], $0xffff  }
0x9e: {  	v10 =	vor.u32 $0x8, v6;
	v14 =	vld.idx.msk [tilespmem:v14+s22+$0x0], $0xffff  }
0x9f: {  	v18 =	vor.u32 $0xA, v6;
	v15 =	vld.idx.msk [tilespmem:v15+s22+$0x0], $0xffff  }
0xa0: {  	v19 =	vor.u32 $0x7, v6;
	v7 =	vld.idx.msk [tilespmem:v7+s22+$0x0], $0xffff  }
0xa1: {  	v20 =	vor.u32 $0x3, v6;
	v8 =	vld.idx.msk [tilespmem:v8+s22+$0x0], $0xffff  }
0xa2: {  	v17 =	vld.idx.msk [tilespmem:v17+s22+$0x0], $0xffff  }
0xa3: {  	v10 =	vld.idx.msk [tilespmem:v10+s22+$0x0], $0xffff  }
0xa4: {  	v6 =	vor.u32 $0xB, v6;
	v18 =	vld.idx.msk [tilespmem:v18+s22+$0x0], $0xffff;
	v12 =	vmul.f32 v13, v12;
	v16 =	vmul.f32 v13, v16  }
0xa5: {  	v19 =	vld.idx.msk [tilespmem:v19+s22+$0x0], $0xffff;
	v14 =	vmul.f32 v11, v14;
	v7 =	vmul.f32 v11, v7  }
0xa6: {  	v20 =	vld.idx.msk [tilespmem:v20+s22+$0x0], $0xffff;
	v8 =	vmul.f32 v9, v8  }
0xa7: {  	v7 =	vadd.f32 v7, v12;
	v12 =	vadd.f32 v14, v16;
	v14 =	vmul.f32 v9, v15  }
0xa8: {  	v10 =	vmul.f32 v13, v10;
	v11 =	vmul.f32 v11, v17  }
0xa9: {  	v6 =	vld.idx.msk [tilespmem:v6+s22+$0x0], $0xffff;
	v7 =	vadd.f32 v8, v7;
	v8 =	vadd.f32 v14, v12  }
0xaa: {  	v9 =	vmul.f32 v9, v18;
	v10 =	vadd.f32 v11, v10  }
0xab: {  	v3 =	vshrl.u32 v3, $0x1D;
	v7 =	vadd.f32 v7, v19;
	v8 =	vadd.f32 v8, v20  }
0xac: {  	v3 =	vadd.s32 v3, v2;
	[tilespmem:s16+$0x13B00] =	vst v5;
	v5 =	vadd.f32 v9, v10  }
0xad: {  	v3 =	vshrl.u32 v3, $0x3;
	vm10 =	vge.f32 v8, $0.0e+00;
	vm11 =	vge.f32 v7, $0.0e+00  }
0xae: {  	v9 =	vld [tilespmem:s16+$0x9D80];
	v5 =	vadd.f32 v5, v6;
	vm12 =	vlt.f32 v8, $6.000000000e+00;
	vm0 =	vmand vm10, vm11  }
0xaf: {  	v3 =	vshll.u32 v3, $0x3;
	vm13 =	vlt.f32 v7, $6.000000000e+00;
	vm0 =	vmand vm0, vm12  }
0xb0: {  	v2 =	vsub.s32 v2, v3;
	v6 =	vld [tilespmem:s16+$0x7E00];
	vm14 =	vge.f32 v5, $0.0e+00;
	vm0 =	vmand vm13, vm0  }
0xb1: {  	v3 =	vshll.u32 v2, $0x4;
	[tilespmem:s16+$0xBD00] =	vst v8;
	vm15 =	vlt.f32 v5, $3.000000000e+00;
	vm0 =	vmand vm14, vm0  }
0xb2: {  	[tilespmem:s16+$0xFC00] =	vst v5;
	v8 =	vor.u32 $0x8, v3;
	vm0 =	vmand vm15, vm0  }
0xb3: {  	[tilespmem:s16+$0xDC80] =	vst v7;
	v5 =	vnsel vm0, $0x0, v9  }
0xb4: {  	v10 =	vor.u32 $0x4, v3;
	v7 =	vld [tilespmem:s15+$0x3F00];
	[tilespmem:s16+$0x17A00] =	vst v5;
	v5 =	vsel vm0, $0x3F800000, v0  }
0xb5: {  	v12 =	vor.u32 $0x1, v3;
	v6 =	vnsel vm0, $0x0, v6;
	v9 =	vld [tilespmem:s15+$0x1F80];
	[tilespmem:s16+$0x11B80] =	vst v5  }
0xb6: {  	v15 =	vor.u32 $0x9, v3;
	v11 =	vld [tilespmem:s15+$0x0];
	[tilespmem:s16+$0x15A80] =	vst v6  }
0xb7: {  	v5 =	vor.u32 $0x5, v3;
	v8 =	vld.idx.msk [tilespmem:v8+s22+$0x0], $0xffff  }
0xb8: {  	v6 =	vor.u32 $0x6, v3;
	v14 =	vld.idx.msk [tilespmem:v3+s22+$0x0], $0xffff  }
0xb9: {  	v13 =	vor.u32 $0x2, v3;
	v10 =	vld.idx.msk [tilespmem:v10+s22+$0x0], $0xffff  }
0xba: {  	v16 =	vor.u32 $0xA, v3;
	v12 =	vld.idx.msk [tilespmem:v12+s22+$0x0], $0xffff  }
0xbb: {  	v15 =	vld.idx.msk [tilespmem:v15+s22+$0x0], $0xffff  }
0xbc: {  	v17 =	vor.u32 $0x7, v3;
	v5 =	vld.idx.msk [tilespmem:v5+s22+$0x0], $0xffff  }
0xbd: {  	v18 =	vor.u32 $0x3, v3;
	v6 =	vld.idx.msk [tilespmem:v6+s22+$0x0], $0xffff  }
0xbe: {  	v13 =	vld.idx.msk [tilespmem:v13+s22+$0x0], $0xffff;
	v3 =	vor.u32 $0xB, v3  }
0xbf: {  	v16 =	vld.idx.msk [tilespmem:v16+s22+$0x0], $0xffff;
	v10 =	vmul.f32 v11, v10  }
0xc0: {  	v14 =	vmul.f32 v11, v14;
	v12 =	vmul.f32 v9, v12  }
0xc1: {  	v17 =	vld.idx.msk [tilespmem:v17+s22+$0x0], $0xffff;
	v8 =	vmul.f32 v11, v8;
	v5 =	vmul.f32 v9, v5  }
0xc2: {  	v18 =	vld.idx.msk [tilespmem:v18+s22+$0x0], $0xffff;
	v9 =	vmul.f32 v9, v15;
	v6 =	vmul.f32 v7, v6  }
0xc3: {  	v3 =	vld.idx.msk [tilespmem:v3+s22+$0x0], $0xffff;
	v5 =	vadd.f32 v5, v10;
	v10 =	vadd.f32 v12, v14;
	v12 =	vmul.f32 v7, v13  }
0xc4: {  	v7 =	vmul.f32 v7, v16;
	v8 =	vadd.f32 v9, v8  }
0xc5: {  	v5 =	vadd.f32 v6, v5;
	v6 =	vadd.f32 v12, v10  }
0xc6: {  	[tilespmem:s15+$0x13B00] =	vst v2;
	v2 =	vadd.f32 v7, v8  }
0xc7: {  	v5 =	vadd.f32 v5, v17;
	v6 =	vadd.f32 v6, v18  }
0xc8: {  	v4 =	vshrl.u32 v4, $0x1D;
	v2 =	vadd.f32 v2, v3  }
0xc9: {  	v3 =	vadd.s32 v4, v1;
	vm4 =	vge.f32 v6, $0.0e+00;
	vm5 =	vge.f32 v5, $0.0e+00  }
0xca: {  	v7 =	vld [tilespmem:s15+$0x9D80];
	v3 =	vshrl.u32 v3, $0x3;
	vm6 =	vlt.f32 v6, $6.000000000e+00;
	vm0 =	vmand vm4, vm5  }
0xcb: {  	vm7 =	vlt.f32 v5, $6.000000000e+00;
	v3 =	vshll.u32 v3, $0x3;
	vm0 =	vmand vm0, vm6  }
0xcc: {  	v4 =	vld [tilespmem:s15+$0x7E00];
	vm8 =	vge.f32 v2, $0.0e+00;
	v1 =	vsub.s32 v1, v3;
	vm0 =	vmand vm7, vm0  }
0xcd: {  	[tilespmem:s15+$0xFC00] =	vst v2;
	vm9 =	vlt.f32 v2, $3.000000000e+00;
	v2 =	vshll.u32 v1, $0x4;
	vm0 =	vmand vm8, vm0  }
0xce: {  	[tilespmem:s15+$0xBD00] =	vst v6;
	v6 =	vor.u32 $0x8, v2;
	vm0 =	vmand vm9, vm0  }
0xcf: {  	[tilespmem:s15+$0xDC80] =	vst v5;
	v3 =	vnsel vm0, $0x0, v7  }
0xd0: {  	v5 =	vld [tilespmem:s14+$0x3F00];
	v8 =	vor.u32 $0x4, v2;
	[tilespmem:s15+$0x17A00] =	vst v3;
	v3 =	vsel vm0, $0x3F800000, v0  }
0xd1: {  	v10 =	vor.u32 $0x1, v2;
	v4 =	vnsel vm0, $0x0, v4;
	v7 =	vld [tilespmem:s14+$0x1F80];
	[tilespmem:s15+$0x11B80] =	vst v3  }
0xd2: {  	v3 =	vor.u32 $0x5, v2;
	v9 =	vld [tilespmem:s14+$0x0];
	[tilespmem:s15+$0x15A80] =	vst v4  }
0xd3: {  	v4 =	vor.u32 $0x6, v2;
	v6 =	vld.idx.msk [tilespmem:v6+s22+$0x0], $0xffff  }
0xd4: {  	v11 =	vor.u32 $0x2, v2;
	v12 =	vld.idx.msk [tilespmem:v2+s22+$0x0], $0xffff  }
0xd5: {  	v13 =	vor.u32 $0x9, v2;
	v8 =	vld.idx.msk [tilespmem:v8+s22+$0x0], $0xffff  }
0xd6: {  	v14 =	vor.u32 $0xA, v2;
	v10 =	vld.idx.msk [tilespmem:v10+s22+$0x0], $0xffff  }
0xd7: {  	v15 =	vor.u32 $0x7, v2;
	v3 =	vld.idx.msk [tilespmem:v3+s22+$0x0], $0xffff  }
0xd8: {  	v16 =	vor.u32 $0x3, v2;
	v4 =	vld.idx.msk [tilespmem:v4+s22+$0x0], $0xffff  }
0xd9: {  	v11 =	vld.idx.msk [tilespmem:v11+s22+$0x0], $0xffff  }
0xda: {  	v13 =	vld.idx.msk [tilespmem:v13+s22+$0x0], $0xffff  }
0xdb: {  	v2 =	vor.u32 $0xB, v2;
	v14 =	vld.idx.msk [tilespmem:v14+s22+$0x0], $0xffff;
	v8 =	vmul.f32 v9, v8;
	v12 =	vmul.f32 v9, v12  }
0xdc: {  	v15 =	vld.idx.msk [tilespmem:v15+s22+$0x0], $0xffff;
	v10 =	vmul.f32 v7, v10;
	v3 =	vmul.f32 v7, v3  }
0xdd: {  	v16 =	vld.idx.msk [tilespmem:v16+s22+$0x0], $0xffff;
	v4 =	vmul.f32 v5, v4  }
0xde: {  	v3 =	vadd.f32 v3, v8;
	v8 =	vadd.f32 v10, v12;
	v10 =	vmul.f32 v5, v11  }
0xdf: {  	v6 =	vmul.f32 v9, v6;
	v7 =	vmul.f32 v7, v13  }
0xe0: {  	v2 =	vld.idx.msk [tilespmem:v2+s22+$0x0], $0xffff;
	v3 =	vadd.f32 v4, v3;
	v4 =	vadd.f32 v10, v8  }
0xe1: {  	v5 =	vmul.f32 v5, v14;
	v6 =	vadd.f32 v7, v6  }
0xe2: {  	v3 =	vadd.f32 v3, v15;
	v4 =	vadd.f32 v4, v16  }
0xe3: {  	[tilespmem:s14+$0x13B00] =	vst v1;
	v1 =	vadd.f32 v5, v6  }
0xe4: {  	vm10 =	vge.f32 v4, $0.0e+00;
	vm11 =	vge.f32 v3, $0.0e+00  }
0xe5: {  	v5 =	vld [tilespmem:s14+$0x9D80];
	v1 =	vadd.f32 v1, v2;
	vm12 =	vlt.f32 v4, $6.000000000e+00;
	vm0 =	vmand vm10, vm11  }
0xe6: {  	vm13 =	vlt.f32 v3, $6.000000000e+00;
	vm0 =	vmand vm0, vm12  }
0xe7: {  	v2 =	vld [tilespmem:s14+$0x7E00];
	vm14 =	vge.f32 v1, $0.0e+00;
	vm0 =	vmand vm13, vm0  }
0xe8: {  	[tilespmem:s14+$0xBD00] =	vst v4;
	vm15 =	vlt.f32 v1, $3.000000000e+00;
	vm0 =	vmand vm14, vm0  }
0xe9: {  	[tilespmem:s14+$0xFC00] =	vst v1;
	vm0 =	vmand vm15, vm0  }
0xea: {  	[tilespmem:s14+$0xDC80] =	vst v3;
	v1 =	vnsel vm0, $0x0, v5  }
0xeb: {  	v3 =	vsel vm0, $0x3F800000, v0;
	[tilespmem:s14+$0x17A00] =	vst v1  }
0xec: {  	v1 =	vnsel vm0, $0x0, v2;
	[tilespmem:s14+$0x11B80] =	vst v3  }
0xed: {  	s2 =	simm.s32 $0x0;
	s17 =	rddreg [dreg:$0xb];
	[tilespmem:s14+$0x15A80] =	vst v1  }
0xee: {  	[hbm4b:s17+s2] =	stream.linear.scatter [tilespmem:s6], [sflag:$0x1], $0x1F40, $0x38;
	[tilespmem:$0x19A00] =	vst v63  }
0xef: {  	_ =	swait.ge [sflag:s1], $0x1F40  }
0xf0: {  	[sflag:s1] =	ssyncset.done $0x0  }
0xf1: {  	s18 =	rddreg [dreg:$0xc];
	[sflag:s1] =	ssyncadd.s32 $0xFFFFE0C0  }
0xf2: {  	[hbm4b:s18+s2] =	stream.linear.scatter [tilespmem:s7], [sflag:$0x1], $0x1F40, $0x38;
	[tilespmem:$0x19A00] =	vst v63  }
0xf3: {  	_ =	swait.ge [sflag:s1], $0x1F40  }
0xf4: {  	[sflag:s1] =	ssyncset.done $0x0  }
0xf5: {  	s26 =	rddreg [dreg:$0xd];
	[sflag:s1] =	ssyncadd.s32 $0xFFFFE0C0  }
0xf6: {  	[hbm4b:s26+s2] =	stream.linear.scatter [tilespmem:s8], [sflag:$0x1], $0x1F40, $0x38;
	[tilespmem:$0x19A00] =	vst v63  }
0xf7: {  	_ =	swait.ge [sflag:s1], $0x1F40  }
0xf8: {  	[sflag:s1] =	ssyncset.done $0x0  }
0xf9: {  	s15 =	rddreg [dreg:$0xe];
	[sflag:s1] =	ssyncadd.s32 $0xFFFFE0C0  }
0xfa: {  	[hbm4b:s15+s2] =	stream.linear.scatter [tilespmem:s9], [sflag:$0x1], $0x1F40, $0x38;
	[tilespmem:$0x19A00] =	vst v63  }
0xfb: {  	_ =	swait.ge [sflag:s1], $0x1F40  }
0xfc: {  	[sflag:s1] =	ssyncset.done $0x0  }
0xfd: {  	s16 =	rddreg [dreg:$0xf];
	[sflag:s1] =	ssyncadd.s32 $0xFFFFE0C0  }
0xfe: {  	[hbm4b:s16+s2] =	stream.linear.scatter [tilespmem:s10], [sflag:$0x1], $0x1F40, $0x38;
	[tilespmem:$0x19A00] =	vst v63  }
0xff: {  	_ =	swait.ge [sflag:s1], $0x1F40  }
0x100: {  	[sflag:s1] =	ssyncset.done $0x0  }
0x101: {  	s17 =	rddreg [dreg:$0x10];
	[sflag:s1] =	ssyncadd.s32 $0xFFFFE0C0  }
0x102: {  	[hbm4b:s17+s2] =	stream.linear.scatter [tilespmem:s11], [sflag:$0x1], $0x1F40, $0x38;
	[tilespmem:$0x19A00] =	vst v63  }
0x103: {  	_ =	swait.ge [sflag:s1], $0x1F40  }
0x104: {  	[sflag:s1] =	ssyncset.done $0x0  }
0x105: {  	s18 =	rddreg [dreg:$0x11];
	[sflag:s1] =	ssyncadd.s32 $0xFFFFE0C0  }
0x106: {  	[hbm4b:s18+s2] =	stream.linear.scatter [tilespmem:s12], [sflag:$0x1], $0x1F40, $0x38;
	[tilespmem:$0x19A00] =	vst v63  }
0x107: {  	_ =	swait.ge [sflag:s1], $0x1F40  }
0x108: {  	[sflag:s1] =	ssyncset.done $0x0  }
0x109: {  	s26 =	rddreg [dreg:$0x12];
	[sflag:s1] =	ssyncadd.s32 $0xFFFFE0C0  }
0x10a: {  	[tilespmem:s2], [sflag:$0x1] =	stream.linear.gather [hbm4b:s26+s2], $0x1F40, $0x38;
	[tilespmem:$0x19A00] =	vst v63  }
0x10b: {  	_ =	swait.ge [sflag:s1], $0x1F40  }
0x10c: {  	[sflag:s1] =	ssyncset.done $0x0  }
0x10d: {  	s16 =	simm.s32 $0x1F80;
	s15 =	rddreg [dreg:$0x13];
	[sflag:s1] =	ssyncadd.s32 $0xFFFFE0C0  }
0x10e: {  	[tilespmem:s16], [sflag:$0x1] =	stream.linear.gather [hbm4b:s15+s2], $0x1F40, $0x38;
	[tilespmem:$0x19A00] =	vst v63  }
0x10f: {  	_ =	swait.ge [sflag:s1], $0x1F40  }
0x110: {  	[sflag:s1] =	ssyncset.done $0x0  }
0x111: {  	s18 =	simm.s32 $0x3F00;
	s17 =	rddreg [dreg:$0x14];
	[sflag:s1] =	ssyncadd.s32 $0xFFFFE0C0  }
0x112: {  	[tilespmem:s18], [sflag:$0x1] =	stream.linear.gather [hbm4b:s17+s2], $0x1F40, $0x38;
	[tilespmem:$0x19A00] =	vst v63  }
0x113: {  	_ =	swait.ge [sflag:s1], $0x1F40  }
0x114: {  	[sflag:s1] =	ssyncset.done $0x0  }
0x115: {  	s26 =	rddreg [dreg:$0x15];
	[sflag:s1] =	ssyncadd.s32 $0xFFFFE0C0  }
0x116: {  	[tilespmem:s3], [sflag:$0x1] =	stream.linear.gather [hbm4b:s26+s2], $0x1F40, $0x38;
	[tilespmem:$0x19A00] =	vst v63  }
0x117: {  	_ =	swait.ge [sflag:s1], $0x1F40  }
0x118: {  	[sflag:s1] =	ssyncset.done $0x0  }
0x119: {  	[sflag:s1] =	ssyncadd.s32 $0xFFFFE0C0  }
0x11a: {  	[tilespmem:s4], [sflag:$0x1] =	stream.linear.gather [hbm4b:s19+s2], $0x1F40, $0x38;
	[tilespmem:$0x19A00] =	vst v63  }
0x11b: {  	_ =	swait.ge [sflag:s1], $0x1F40  }
0x11c: {  	[sflag:s1] =	ssyncset.done $0x0  }
0x11d: {  	[sflag:s1] =	ssyncadd.s32 $0xFFFFE0C0  }
0x11e: {  	[tilespmem:s5], [sflag:$0x1] =	stream.linear.gather [hbm4b:s20+s2], $0x1F40, $0x38;
	[tilespmem:$0x19A00] =	vst v63  }
0x11f: {  	_ =	swait.ge [sflag:s1], $0x1F40  }
0x120: {  	[sflag:s1] =	ssyncset.done $0x0  }
0x121: {  	s17 =	simm.s32 $0x0;
	[sflag:s1] =	ssyncadd.s32 $0xFFFFE0C0  }
0x122: {  	v1 =	vld [tilespmem:s17+$0x5E80];
	_ =	sdelay $0x4  }
0x123: {  	v2 =	vshra.s32 v1, $0x1F  }
0x124: {  	v2 =	vshrl.u32 v2, $0x1D  }
0x125: {  	v2 =	vadd.s32 v2, v1  }
0x126: {  	v2 =	vshrl.u32 v2, $0x3  }
0x127: {  	s16 =	simm.s32 $0x20;
	v2 =	vshll.u32 v2, $0x3  }
0x128: {  	v5 =	vld [tilespmem:s16+$0x5E80];
	v4 =	vsub.s32 v1, v2  }
0x129: {  	v16 =	vld [tilespmem:s17+$0x3F00];
	v9 =	vshll.u32 v4, $0x4  }
0x12a: {  	s26 =	simm.s32 $0x10;
	v14 =	vld [tilespmem:s17+$0x1F80];
	v3 =	vor.u32 $0x8, v9  }
0x12b: {  	v1 =	vld [tilespmem:s26+$0x5E80];
	v6 =	vor.u32 $0x4, v9  }
0x12c: {  	s15 =	simm.s32 $0x30;
	v17 =	vld [tilespmem:s17+$0x0];
	v7 =	vor.u32 $0x5, v9  }
0x12d: {  	v2 =	vld [tilespmem:s15+$0x5E80];
	v8 =	vor.u32 $0x1, v9  }
0x12e: {  	v10 =	vor.u32 $0x6, v9;
	v11 =	vld.idx.msk [tilespmem:v9+s22+$0x0], $0xffff  }
0x12f: {  	v13 =	vor.u32 $0x9, v9;
	v18 =	vld.idx.msk [tilespmem:v3+s22+$0x0], $0xffff  }
0x130: {  	v19 =	vor.u32 $0xA, v9;
	v12 =	vshra.s32 v1, $0x1F;
	v15 =	vld.idx.msk [tilespmem:v6+s22+$0x0], $0xffff  }
0x131: {  	v3 =	vor.u32 $0x2, v9;
	v6 =	vshrl.u32 v12, $0x1D;
	v12 =	vld.idx.msk [tilespmem:v7+s22+$0x0], $0xffff  }
0x132: {  	v20 =	vld.idx.msk [tilespmem:v8+s22+$0x0], $0xffff  }
0x133: {  	v21 =	vor.u32 $0x7, v9;
	v23 =	vld.idx.msk [tilespmem:v10+s22+$0x0], $0xffff  }
0x134: {  	v22 =	vor.u32 $0x3, v9;
	v25 =	vld.idx.msk [tilespmem:v13+s22+$0x0], $0xffff;
	v6 =	vadd.s32 v6, v1  }
0x135: {  	v19 =	vld.idx.msk [tilespmem:v19+s22+$0x0], $0xffff;
	v6 =	vshrl.u32 v6, $0x3  }
0x136: {  	v26 =	vor.u32 $0xB, v9;
	v7 =	vshll.u32 v6, $0x3;
	v6 =	vshra.s32 v5, $0x1F;
	v24 =	vld.idx.msk [tilespmem:v3+s22+$0x0], $0xffff  }
0x137: {  	v7 =	vsub.s32 v1, v7;
	v11 =	vmul.f32 v17, v11;
	v15 =	vmul.f32 v17, v15  }
0x138: {  	v21 =	vld.idx.msk [tilespmem:v21+s22+$0x0], $0xffff;
	v3 =	vshra.s32 v2, $0x1F;
	v12 =	vmul.f32 v14, v12;
	v20 =	vmul.f32 v14, v20  }
0x139: {  	s14 =	simm.s32 $0x40;
	v22 =	vld.idx.msk [tilespmem:v22+s22+$0x0], $0xffff;
	v8 =	vshll.u32 v7, $0x4;
	v23 =	vmul.f32 v16, v23;
	v18 =	vmul.f32 v17, v18  }
0x13a: {  	v1 =	vld [tilespmem:s14+$0x5E80];
	v25 =	vmul.f32 v14, v25;
	v19 =	vmul.f32 v16, v19;
	v10 =	vor.u32 $0x1, v8  }
0x13b: {  	v27 =	vadd.f32 v12, v15;
	v20 =	vadd.f32 v20, v11;
	v24 =	vmul.f32 v16, v24  }
0x13c: {  	v13 =	vor.u32 $0x4, v8;
	v9 =	vor.u32 $0x2, v8;
	v14 =	vor.u32 $0x5, v8  }
0x13d: {  	v17 =	vld.idx.msk [tilespmem:v26+s22+$0x0], $0xffff;
	v12 =	vor.u32 $0x6, v8;
	v23 =	vadd.f32 v23, v27;
	v24 =	vadd.f32 v24, v20  }
0x13e: {  	v15 =	vor.u32 $0x8, v8;
	v11 =	vor.u32 $0x9, v8;
	v20 =	vadd.f32 v25, v18  }
0x13f: {  	s2 =	simm.s32 $0x140;
	[tilespmem:s17+$0x13B00] =	vst v4;
	v4 =	vshra.s32 v1, $0x1F;
	v16 =	vadd.f32 v23, v21;
	v18 =	vadd.f32 v24, v22  }
.LBB2_4:
0x140: {  	p0 =	sne.s32 s2, $0x7CC0;
	v19 =	vadd.f32 v19, v20;
	s18 =	smov.u32 s2;
	s2 =	sadd.s32 $0x40, s2  }
0x141: {  	vm1 =	vge.f32 v16, $0.0e+00;
	vm0 =	vge.f32 v18, $0.0e+00;
	[tilespmem:s17+$0xBD00] =	vst v18;
	v20 =	vld [tilespmem:s17+$0x9D80]  }
0x142: {  	vm2 =	vlt.f32 v18, $6.000000000e+00;
	v17 =	vadd.f32 v19, v17;
	vm0 =	vmand vm0, vm1;
	v18 =	vld [tilespmem:s17+$0x7E00]  }
0x143: {  	vm1 =	vlt.f32 v16, $6.000000000e+00;
	vm0 =	vmand vm0, vm2  }
0x144: {  	vm0 =	vmand vm1, vm0;
	vm1 =	vge.f32 v17, $0.0e+00;
	[tilespmem:s17+$0xFC00] =	vst v17  }
0x145: {  	vm0 =	vmand vm1, vm0;
	vm1 =	vlt.f32 v17, $3.000000000e+00  }
0x146: {  	vm0 =	vmand vm1, vm0  }
0x147: {  	[tilespmem:s17+$0xDC80] =	vst v16;
	v16 =	vsel vm0, $0x3F800000, v0;
	v17 =	vnsel vm0, $0x0, v18;
	v18 =	vnsel vm0, $0x0, v20  }
0x148: {  	v19 =	vld [tilespmem:s26+$0x3F00];
	[tilespmem:s17+$0x17A00] =	vst v18  }
0x149: {  	v18 =	vld [tilespmem:s26+$0x1F80];
	[tilespmem:s17+$0x11B80] =	vst v16  }
0x14a: {  	v16 =	vld [tilespmem:s26+$0x0];
	[tilespmem:s17+$0x15A80] =	vst v17;
	s17 =	smov.u32 s26;
	s26 =	smov.u32 s16;
	s16 =	smov.u32 s15  }
0x14b: {  	s15 =	smov.u32 s14;
	v20 =	vld.idx.msk [tilespmem:v15+s22+$0x0], $0xffff  }
0x14c: {  	v15 =	vld.idx.msk [tilespmem:v8+s22+$0x0], $0xffff  }
0x14d: {  	v17 =	vshrl.u32 v6, $0x1D;
	v6 =	vmov v3;
	v3 =	vmov v4;
	v21 =	vld.idx.msk [tilespmem:v13+s22+$0x0], $0xffff  }
0x14e: {  	v4 =	vadd.s32 v17, v5;
	v17 =	vor.u32 $0xA, v8;
	v14 =	vld.idx.msk [tilespmem:v14+s22+$0x0], $0xffff  }
0x14f: {  	v23 =	vor.u32 $0x7, v8;
	v4 =	vshrl.u32 v4, $0x3;
	v22 =	vld.idx.msk [tilespmem:v10+s22+$0x0], $0xffff  }
0x150: {  	v24 =	vor.u32 $0x3, v8;
	v4 =	vshll.u32 v4, $0x3;
	v25 =	vld.idx.msk [tilespmem:v12+s22+$0x0], $0xffff  }
0x151: {  	s14 =	sshra.s32 s18, $0x2;
	v4 =	vsub.s32 v5, v4;
	v5 =	vmov v2;
	v2 =	vmov v1;
	v26 =	vld.idx.msk [tilespmem:v9+s22+$0x0], $0xffff  }
0x152: {  	v28 =	vor.u32 $0xB, v8;
	v8 =	vshll.u32 v4, $0x4;
	v29 =	vmul.f32 v16, v15;
	v27 =	vld.idx.msk [tilespmem:v11+s22+$0x0], $0xffff  }
0x153: {  	v10 =	vor.u32 $0x1, v8;
	v13 =	vor.u32 $0x4, v8;
	v30 =	vld.idx.msk [tilespmem:v17+s22+$0x0], $0xffff;
	v17 =	vmul.f32 v16, v21  }
0x154: {  	v12 =	vor.u32 $0x6, v8;
	v9 =	vor.u32 $0x2, v8;
	v21 =	vld.idx.msk [tilespmem:v23+s22+$0x0], $0xffff;
	v23 =	vmul.f32 v18, v14  }
0x155: {  	v15 =	vor.u32 $0x8, v8;
	v11 =	vor.u32 $0x9, v8;
	v22 =	vmul.f32 v18, v22;
	v24 =	vld.idx.msk [tilespmem:v24+s22+$0x0], $0xffff  }
0x156: {  	v14 =	vor.u32 $0x5, v8;
	v25 =	vmul.f32 v19, v25;
	v1 =	vld [tilespmem:s14+$0x5E80];
	v23 =	vadd.f32 v23, v17  }
.Ltmp1:
0x157: {  	v22 =	vadd.f32 v22, v29;
	v26 =	vmul.f32 v19, v26;
	(pc) =	sbr.rel @p0 .LBB2_4-.Ltmp1, $4  }
0x158: {  	v20 =	vmul.f32 v16, v20;
	v18 =	vmul.f32 v18, v27;
	v17 =	vld.idx.msk [tilespmem:v28+s22+$0x0], $0xffff;
	v23 =	vadd.f32 v25, v23  }
0x159: {  	v22 =	vadd.f32 v26, v22;
	v19 =	vmul.f32 v19, v30;
	[tilespmem:s17+$0x13B00] =	vst v7;
	v7 =	vmov v4  }
0x15a: {  	v20 =	vadd.f32 v18, v20;
	v16 =	vadd.f32 v23, v21  }
0x15b: {  	v18 =	vadd.f32 v22, v24;
	v4 =	vshra.s32 v1, $0x1F  }
0x15c: {  	v19 =	vadd.f32 v19, v20  }
0x15d: {  	vm1 =	vge.f32 v16, $0.0e+00;
	vm0 =	vge.f32 v18, $0.0e+00  }
0x15e: {  	v32 =	vld [tilespmem:s17+$0x9D80];
	vm2 =	vlt.f32 v18, $6.000000000e+00;
	v17 =	vadd.f32 v19, v17;
	vm0 =	vmand vm0, vm1  }
0x15f: {  	vm13 =	vlt.f32 v16, $6.000000000e+00;
	vm0 =	vmand vm0, vm2  }
0x160: {  	v33 =	vld [tilespmem:s17+$0x7E00];
	vm0 =	vmand vm13, vm0;
	vm14 =	vge.f32 v17, $0.0e+00  }
0x161: {  	[tilespmem:s17+$0xDC80] =	vst v16;
	vm15 =	vlt.f32 v17, $3.000000000e+00;
	vm0 =	vmand vm14, vm0  }
0x162: {  	[tilespmem:s17+$0xBD00] =	vst v18;
	vm0 =	vmand vm15, vm0  }
0x163: {  	[tilespmem:s17+$0xFC00] =	vst v17;
	v34 =	vnsel vm0, $0x0, v32  }
0x164: {  	v35 =	vld [tilespmem:s26+$0x3F00];
	v36 =	vsel vm0, $0x3F800000, v0;
	[tilespmem:s17+$0x17A00] =	vst v34  }
0x165: {  	v38 =	vnsel vm0, $0x0, v33;
	v37 =	vld [tilespmem:s26+$0x1F80];
	[tilespmem:s17+$0x11B80] =	vst v36  }
0x166: {  	v39 =	vld [tilespmem:s26+$0x0];
	[tilespmem:s17+$0x15A80] =	vst v38  }
0x167: {  	v15 =	vld.idx.msk [tilespmem:v15+s22+$0x0], $0xffff  }
0x168: {  	v16 =	vld.idx.msk [tilespmem:v8+s22+$0x0], $0xffff  }
0x169: {  	v13 =	vld.idx.msk [tilespmem:v13+s22+$0x0], $0xffff  }
0x16a: {  	v40 =	vor.u32 $0xA, v8;
	v14 =	vld.idx.msk [tilespmem:v14+s22+$0x0], $0xffff  }
0x16b: {  	v21 =	vor.u32 $0x7, v8;
	v10 =	vld.idx.msk [tilespmem:v10+s22+$0x0], $0xffff  }
0x16c: {  	v22 =	vor.u32 $0x3, v8;
	v12 =	vld.idx.msk [tilespmem:v12+s22+$0x0], $0xffff  }
0x16d: {  	v9 =	vld.idx.msk [tilespmem:v9+s22+$0x0], $0xffff  }
0x16e: {  	v11 =	vld.idx.msk [tilespmem:v11+s22+$0x0], $0xffff  }
0x16f: {  	v41 =	vor.u32 $0xB, v8;
	v20 =	vld.idx.msk [tilespmem:v40+s22+$0x0], $0xffff;
	v13 =	vmul.f32 v39, v13;
	v14 =	vmul.f32 v37, v14  }
0x170: {  	v21 =	vld.idx.msk [tilespmem:v21+s22+$0x0], $0xffff;
	v16 =	vmul.f32 v39, v16;
	v10 =	vmul.f32 v37, v10  }
0x171: {  	v22 =	vld.idx.msk [tilespmem:v22+s22+$0x0], $0xffff;
	v12 =	vmul.f32 v35, v12  }
0x172: {  	v9 =	vmul.f32 v35, v9;
	v13 =	vadd.f32 v14, v13;
	v10 =	vadd.f32 v10, v16  }
0x173: {  	v42 =	vmul.f32 v39, v15;
	v11 =	vmul.f32 v37, v11  }
0x174: {  	v8 =	vld.idx.msk [tilespmem:v41+s22+$0x0], $0xffff;
	v12 =	vadd.f32 v12, v13;
	v9 =	vadd.f32 v9, v10  }
0x175: {  	v43 =	vmul.f32 v35, v20;
	v11 =	vadd.f32 v11, v42  }
0x176: {  	v6 =	vshrl.u32 v6, $0x1D;
	v12 =	vadd.f32 v12, v21;
	v9 =	vadd.f32 v9, v22  }
0x177: {  	v6 =	vadd.s32 v6, v5;
	v44 =	vadd.f32 v43, v11  }
0x178: {  	v6 =	vshrl.u32 v6, $0x3;
	vm4 =	vge.f32 v9, $0.0e+00;
	vm5 =	vge.f32 v12, $0.0e+00  }
0x179: {  	[tilespmem:s26+$0x13B00] =	vst v7;
	v45 =	vld [tilespmem:s26+$0x9D80];
	v7 =	vadd.f32 v44, v8;
	vm6 =	vlt.f32 v9, $6.000000000e+00;
	vm0 =	vmand vm4, vm5  }
0x17a: {  	v6 =	vshll.u32 v6, $0x3;
	vm7 =	vlt.f32 v12, $6.000000000e+00;
	vm0 =	vmand vm0, vm6  }
0x17b: {  	v47 =	vsub.s32 v5, v6;
	v46 =	vld [tilespmem:s26+$0x7E00];
	vm8 =	vge.f32 v7, $0.0e+00;
	vm0 =	vmand vm7, vm0  }
0x17c: {  	v6 =	vshll.u32 v47, $0x4;
	[tilespmem:s26+$0xBD00] =	vst v9;
	vm9 =	vlt.f32 v7, $3.000000000e+00;
	vm0 =	vmand vm8, vm0  }
0x17d: {  	v50 =	vor.u32 $0x8, v6;
	[tilespmem:s26+$0xFC00] =	vst v7;
	vm0 =	vmand vm9, vm0  }
0x17e: {  	[tilespmem:s26+$0xDC80] =	vst v12;
	v48 =	vnsel vm0, $0x0, v45  }
0x17f: {  	v53 =	vor.u32 $0x4, v6;
	v49 =	vld [tilespmem:s16+$0x3F00];
	v51 =	vsel vm0, $0x3F800000, v0;
	[tilespmem:s26+$0x17A00] =	vst v48  }
0x180: {  	v54 =	vor.u32 $0x5, v6;
	v8 =	vnsel vm0, $0x0, v46;
	v52 =	vld [tilespmem:s16+$0x1F80];
	[tilespmem:s26+$0x11B80] =	vst v51  }
0x181: {  	v56 =	vor.u32 $0x1, v6;
	v55 =	vld [tilespmem:s16+$0x0];
	[tilespmem:s26+$0x15A80] =	vst v8  }
0x182: {  	v57 =	vor.u32 $0x6, v6;
	v10 =	vld.idx.msk [tilespmem:v50+s22+$0x0], $0xffff  }
0x183: {  	v58 =	vor.u32 $0x2, v6;
	v59 =	vld.idx.msk [tilespmem:v6+s22+$0x0], $0xffff  }
0x184: {  	v60 =	vor.u32 $0x9, v6;
	v12 =	vld.idx.msk [tilespmem:v53+s22+$0x0], $0xffff  }
0x185: {  	v61 =	vor.u32 $0xA, v6;
	v7 =	vld.idx.msk [tilespmem:v54+s22+$0x0], $0xffff  }
0x186: {  	v62 =	vor.u32 $0x7, v6;
	v14 =	vld.idx.msk [tilespmem:v56+s22+$0x0], $0xffff  }
0x187: {  	v63 =	vor.u32 $0x3, v6;
	v8 =	vld.idx.msk [tilespmem:v57+s22+$0x0], $0xffff  }
0x188: {  	v15 =	vld.idx.msk [tilespmem:v58+s22+$0x0], $0xffff  }
0x189: {  	v17 =	vld.idx.msk [tilespmem:v60+s22+$0x0], $0xffff  }
0x18a: {  	v6 =	vor.u32 $0xB, v6;
	v18 =	vld.idx.msk [tilespmem:v61+s22+$0x0], $0xffff;
	v12 =	vmul.f32 v55, v12;
	v7 =	vmul.f32 v52, v7  }
0x18b: {  	v19 =	vld.idx.msk [tilespmem:v62+s22+$0x0], $0xffff;
	v16 =	vmul.f32 v55, v59;
	v14 =	vmul.f32 v52, v14  }
0x18c: {  	v20 =	vld.idx.msk [tilespmem:v63+s22+$0x0], $0xffff;
	v8 =	vmul.f32 v49, v8  }
0x18d: {  	v23 =	vmul.f32 v49, v15;
	v7 =	vadd.f32 v7, v12;
	v22 =	vadd.f32 v14, v16  }
0x18e: {  	v10 =	vmul.f32 v55, v10;
	v11 =	vmul.f32 v52, v17  }
0x18f: {  	v6 =	vld.idx.msk [tilespmem:v6+s22+$0x0], $0xffff;
	v7 =	vadd.f32 v8, v7;
	v24 =	vadd.f32 v23, v22  }
0x190: {  	v9 =	vmul.f32 v49, v18;
	v10 =	vadd.f32 v11, v10  }
0x191: {  	v3 =	vshrl.u32 v3, $0x1D;
	v7 =	vadd.f32 v7, v19;
	v8 =	vadd.f32 v24, v20  }
0x192: {  	v3 =	vadd.s32 v3, v2;
	v25 =	vadd.f32 v9, v10  }
0x193: {  	v3 =	vshrl.u32 v3, $0x3;
	vm10 =	vge.f32 v8, $0.0e+00;
	vm11 =	vge.f32 v7, $0.0e+00  }
0x194: {  	v26 =	vld [tilespmem:s16+$0x9D80];
	v5 =	vadd.f32 v25, v6;
	vm12 =	vlt.f32 v8, $6.000000000e+00;
	vm0 =	vmand vm10, vm11  }
0x195: {  	v3 =	vshll.u32 v3, $0x3;
	vm13 =	vlt.f32 v7, $6.000000000e+00;
	vm0 =	vmand vm0, vm12  }
0x196: {  	v2 =	vsub.s32 v2, v3;
	v27 =	vld [tilespmem:s16+$0x7E00];
	[tilespmem:s16+$0x13B00] =	vst v47;
	vm14 =	vge.f32 v5, $0.0e+00;
	vm0 =	vmand vm13, vm0  }
0x197: {  	v3 =	vshll.u32 v2, $0x4;
	[tilespmem:s16+$0xBD00] =	vst v8;
	vm15 =	vlt.f32 v5, $3.000000000e+00;
	vm0 =	vmand vm14, vm0  }
0x198: {  	v29 =	vor.u32 $0x8, v3;
	[tilespmem:s16+$0xFC00] =	vst v5;
	vm0 =	vmand vm15, vm0  }
0x199: {  	[tilespmem:s16+$0xDC80] =	vst v7;
	v28 =	vnsel vm0, $0x0, v26  }
0x19a: {  	v32 =	vor.u32 $0x4, v3;
	v7 =	vld [tilespmem:s15+$0x3F00];
	v30 =	vsel vm0, $0x3F800000, v0;
	[tilespmem:s16+$0x17A00] =	vst v28  }
0x19b: {  	v33 =	vor.u32 $0x5, v3;
	v6 =	vnsel vm0, $0x0, v27;
	v31 =	vld [tilespmem:s15+$0x1F80];
	[tilespmem:s16+$0x11B80] =	vst v30  }
0x19c: {  	v35 =	vor.u32 $0x1, v3;
	v34 =	vld [tilespmem:s15+$0x0];
	[tilespmem:s16+$0x15A80] =	vst v6  }
0x19d: {  	v36 =	vor.u32 $0x6, v3;
	v8 =	vld.idx.msk [tilespmem:v29+s22+$0x0], $0xffff  }
0x19e: {  	v39 =	vor.u32 $0x9, v3;
	v38 =	vld.idx.msk [tilespmem:v3+s22+$0x0], $0xffff  }
0x19f: {  	v37 =	vor.u32 $0x2, v3;
	v10 =	vld.idx.msk [tilespmem:v32+s22+$0x0], $0xffff  }
0x1a0: {  	v40 =	vor.u32 $0xA, v3;
	v5 =	vld.idx.msk [tilespmem:v33+s22+$0x0], $0xffff  }
0x1a1: {  	v12 =	vld.idx.msk [tilespmem:v35+s22+$0x0], $0xffff  }
0x1a2: {  	v41 =	vor.u32 $0x7, v3;
	v6 =	vld.idx.msk [tilespmem:v36+s22+$0x0], $0xffff  }
0x1a3: {  	v42 =	vor.u32 $0x3, v3;
	v15 =	vld.idx.msk [tilespmem:v39+s22+$0x0], $0xffff  }
0x1a4: {  	v13 =	vld.idx.msk [tilespmem:v37+s22+$0x0], $0xffff;
	v3 =	vor.u32 $0xB, v3  }
0x1a5: {  	v16 =	vld.idx.msk [tilespmem:v40+s22+$0x0], $0xffff;
	v10 =	vmul.f32 v34, v10  }
0x1a6: {  	v5 =	vmul.f32 v31, v5;
	v14 =	vmul.f32 v34, v38  }
0x1a7: {  	v17 =	vld.idx.msk [tilespmem:v41+s22+$0x0], $0xffff;
	v12 =	vmul.f32 v31, v12;
	v6 =	vmul.f32 v7, v6  }
0x1a8: {  	v18 =	vld.idx.msk [tilespmem:v42+s22+$0x0], $0xffff;
	v8 =	vmul.f32 v34, v8;
	v9 =	vmul.f32 v31, v15  }
0x1a9: {  	v44 =	vmul.f32 v7, v13;
	v3 =	vld.idx.msk [tilespmem:v3+s22+$0x0], $0xffff;
	v5 =	vadd.f32 v5, v10;
	v43 =	vadd.f32 v12, v14  }
0x1aa: {  	v7 =	vmul.f32 v7, v16;
	v8 =	vadd.f32 v9, v8  }
0x1ab: {  	v5 =	vadd.f32 v6, v5;
	v45 =	vadd.f32 v44, v43  }
0x1ac: {  	[tilespmem:s15+$0x13B00] =	vst v2;
	v2 =	vadd.f32 v7, v8  }
0x1ad: {  	v5 =	vadd.f32 v5, v17;
	v6 =	vadd.f32 v45, v18  }
0x1ae: {  	v4 =	vshrl.u32 v4, $0x1D;
	v2 =	vadd.f32 v2, v3  }
0x1af: {  	v3 =	vadd.s32 v4, v1;
	vm4 =	vge.f32 v6, $0.0e+00;
	vm5 =	vge.f32 v5, $0.0e+00  }
0x1b0: {  	v46 =	vld [tilespmem:s15+$0x9D80];
	v3 =	vshrl.u32 v3, $0x3;
	vm6 =	vlt.f32 v6, $6.000000000e+00;
	vm0 =	vmand vm4, vm5  }
0x1b1: {  	vm7 =	vlt.f32 v5, $6.000000000e+00;
	v3 =	vshll.u32 v3, $0x3;
	vm0 =	vmand vm0, vm6  }
0x1b2: {  	v47 =	vld [tilespmem:s15+$0x7E00];
	vm8 =	vge.f32 v2, $0.0e+00;
	v1 =	vsub.s32 v1, v3;
	vm0 =	vmand vm7, vm0  }
0x1b3: {  	[tilespmem:s15+$0xFC00] =	vst v2;
	vm9 =	vlt.f32 v2, $3.000000000e+00;
	v2 =	vshll.u32 v1, $0x4;
	vm0 =	vmand vm8, vm0  }
0x1b4: {  	[tilespmem:s15+$0xBD00] =	vst v6;
	v48 =	vor.u32 $0x8, v2;
	vm0 =	vmand vm9, vm0  }
0x1b5: {  	[tilespmem:s15+$0xDC80] =	vst v5;
	v3 =	vnsel vm0, $0x0, v46  }
0x1b6: {  	v5 =	vld [tilespmem:s14+$0x3F00];
	v50 =	vor.u32 $0x4, v2;
	[tilespmem:s15+$0x17A00] =	vst v3;
	v3 =	vsel vm0, $0x3F800000, v0  }
0x1b7: {  	v52 =	vor.u32 $0x1, v2;
	v4 =	vnsel vm0, $0x0, v47;
	v49 =	vld [tilespmem:s14+$0x1F80];
	[tilespmem:s15+$0x11B80] =	vst v3  }
0x1b8: {  	v3 =	vor.u32 $0x5, v2;
	v51 =	vld [tilespmem:s14+$0x0];
	[tilespmem:s15+$0x15A80] =	vst v4  }
0x1b9: {  	v53 =	vor.u32 $0x6, v2;
	v6 =	vld.idx.msk [tilespmem:v48+s22+$0x0], $0xffff  }
0x1ba: {  	v54 =	vor.u32 $0x2, v2;
	v55 =	vld.idx.msk [tilespmem:v2+s22+$0x0], $0xffff  }
0x1bb: {  	v56 =	vor.u32 $0x9, v2;
	v8 =	vld.idx.msk [tilespmem:v50+s22+$0x0], $0xffff  }
0x1bc: {  	v57 =	vor.u32 $0xA, v2;
	v10 =	vld.idx.msk [tilespmem:v52+s22+$0x0], $0xffff  }
0x1bd: {  	v58 =	vor.u32 $0x7, v2;
	v3 =	vld.idx.msk [tilespmem:v3+s22+$0x0], $0xffff  }
0x1be: {  	v59 =	vor.u32 $0x3, v2;
	v4 =	vld.idx.msk [tilespmem:v53+s22+$0x0], $0xffff  }
0x1bf: {  	v11 =	vld.idx.msk [tilespmem:v54+s22+$0x0], $0xffff  }
0x1c0: {  	v13 =	vld.idx.msk [tilespmem:v56+s22+$0x0], $0xffff  }
0x1c1: {  	v2 =	vor.u32 $0xB, v2;
	v14 =	vld.idx.msk [tilespmem:v57+s22+$0x0], $0xffff;
	v8 =	vmul.f32 v51, v8;
	v12 =	vmul.f32 v51, v55  }
0x1c2: {  	v15 =	vld.idx.msk [tilespmem:v58+s22+$0x0], $0xffff;
	v10 =	vmul.f32 v49, v10;
	v3 =	vmul.f32 v49, v3  }
0x1c3: {  	v16 =	vld.idx.msk [tilespmem:v59+s22+$0x0], $0xffff;
	v4 =	vmul.f32 v5, v4  }
0x1c4: {  	v61 =	vmul.f32 v5, v11;
	v60 =	vadd.f32 v10, v12;
	v3 =	vadd.f32 v3, v8  }
0x1c5: {  	v6 =	vmul.f32 v51, v6;
	v7 =	vmul.f32 v49, v13  }
0x1c6: {  	v2 =	vld.idx.msk [tilespmem:v2+s22+$0x0], $0xffff;
	v62 =	vadd.f32 v61, v60;
	v3 =	vadd.f32 v4, v3  }
0x1c7: {  	v5 =	vmul.f32 v5, v14;
	v6 =	vadd.f32 v7, v6  }
0x1c8: {  	v4 =	vadd.f32 v62, v16;
	v3 =	vadd.f32 v3, v15  }
0x1c9: {  	[tilespmem:s14+$0x13B00] =	vst v1;
	v1 =	vadd.f32 v5, v6  }
0x1ca: {  	vm10 =	vge.f32 v4, $0.0e+00;
	vm11 =	vge.f32 v3, $0.0e+00  }
0x1cb: {  	v63 =	vld [tilespmem:s14+$0x9D80];
	v1 =	vadd.f32 v1, v2;
	vm12 =	vlt.f32 v4, $6.000000000e+00;
	vm0 =	vmand vm10, vm11  }
0x1cc: {  	vm13 =	vlt.f32 v3, $6.000000000e+00;
	vm0 =	vmand vm0, vm12  }
0x1cd: {  	v2 =	vld [tilespmem:s14+$0x7E00];
	vm14 =	vge.f32 v1, $0.0e+00;
	vm0 =	vmand vm13, vm0  }
0x1ce: {  	vm15 =	vlt.f32 v1, $3.000000000e+00;
	[tilespmem:s14+$0xFC00] =	vst v1;
	vm0 =	vmand vm14, vm0  }
0x1cf: {  	[tilespmem:s14+$0xBD00] =	vst v4;
	vm0 =	vmand vm15, vm0  }
0x1d0: {  	[tilespmem:s14+$0xDC80] =	vst v3;
	v1 =	vnsel vm0, $0x0, v63  }
0x1d1: {  	v3 =	vsel vm0, $0x3F800000, v0;
	[tilespmem:s14+$0x17A00] =	vst v1  }
0x1d2: {  	v1 =	vnsel vm0, $0x0, v2;
	[tilespmem:s14+$0x11B80] =	vst v3  }
0x1d3: {  	[tilespmem:s14+$0x15A80] =	vst v1  }
0x1d4: {  	[hbm4b:s21+s0] =	stream.linear.scatter [tilespmem:s6], [sflag:$0x1], $0x1F40, $0x38;
	[tilespmem:$0x19A00] =	vst v63  }
0x1d5: {  	_ =	swait.ge [sflag:s1], $0x1F40  }
0x1d6: {  	[sflag:s1] =	ssyncset.done $0x0  }
0x1d7: {  	[sflag:s1] =	ssyncadd.s32 $0xFFFFE0C0  }
0x1d8: {  	[hbm4b:s23+s0] =	stream.linear.scatter [tilespmem:s7], [sflag:$0x1], $0x1F40, $0x38;
	[tilespmem:$0x19A00] =	vst v63  }
0x1d9: {  	_ =	swait.ge [sflag:s1], $0x1F40  }
0x1da: {  	[sflag:s1] =	ssyncset.done $0x0  }
0x1db: {  	[sflag:s1] =	ssyncadd.s32 $0xFFFFE0C0  }
0x1dc: {  	[hbm4b:s24+s0] =	stream.linear.scatter [tilespmem:s8], [sflag:$0x1], $0x1F40, $0x38;
	[tilespmem:$0x19A00] =	vst v63  }
0x1dd: {  	_ =	swait.ge [sflag:s1], $0x1F40  }
0x1de: {  	[sflag:s1] =	ssyncset.done $0x0  }
0x1df: {  	[sflag:s1] =	ssyncadd.s32 $0xFFFFE0C0  }
0x1e0: {  	[hbm4b:s25+s0] =	stream.linear.scatter [tilespmem:s9], [sflag:$0x1], $0x1F40, $0x38;
	[tilespmem:$0x19A00] =	vst v63  }
0x1e1: {  	_ =	swait.ge [sflag:s1], $0x1F40  }
0x1e2: {  	[sflag:s1] =	ssyncset.done $0x0  }
0x1e3: {  	[sflag:s1] =	ssyncadd.s32 $0xFFFFE0C0  }
0x1e4: {  	[hbm4b:s28+s0] =	stream.linear.scatter [tilespmem:s10], [sflag:$0x1], $0x1F40, $0x38;
	[tilespmem:$0x19A00] =	vst v63  }
0x1e5: {  	_ =	swait.ge [sflag:s1], $0x1F40  }
0x1e6: {  	[sflag:s1] =	ssyncset.done $0x0  }
0x1e7: {  	[sflag:s1] =	ssyncadd.s32 $0xFFFFE0C0  }
0x1e8: {  	[hbm4b:s29+s0] =	stream.linear.scatter [tilespmem:s11], [sflag:$0x1], $0x1F40, $0x38;
	[tilespmem:$0x19A00] =	vst v63  }
0x1e9: {  	s13 =	sadd.s32 $0x1, s13;
	_ =	swait.ge [sflag:s1], $0x1F40  }
0x1ea: {  	p0 =	sne.s32 s13, s31;
	[sflag:s1] =	ssyncset.done $0x0  }
.Ltmp2:
0x1eb: {  	[sflag:s1] =	ssyncadd.s32 $0xFFFFE0C0;
	(pc) =	sbr.rel @p0 .LBB2_1-.Ltmp2, $4  }
0x1ec: {  	[hbm4b:s30+s0] =	stream.linear.scatter [tilespmem:s12], [sflag:$0x1], $0x1F40, $0x38;
	[tilespmem:$0x19A00] =	vst v63  }
0x1ed: {  	_ =	swait.ge [sflag:s1], $0x1F40  }
0x1ee: {  	[sflag:s1] =	ssyncset.done $0x0  }
0x1ef: {  	[sflag:s1] =	ssyncadd.s32 $0xFFFFE0C0  }
0x1f0: {  	_ =	sfence.sel $0x180000  }
0x1f1: {  	[bflag:$0x0] =	sbarrier.arrive $0xFFFF  }
0x1f2: {  	_ =	strace $0x90000047  }
0x1f3: {  	s0 =	stileid.u32;
	[bflag:$0x2] =	sbarrier.arrive $0xFFFF  }
0x1f4: {  	p0 =	sne.s32 s0, $0x0;
	s0 =	rddreg [dreg:$0x4]  }
0x1f5: {  	s0 =	sadd.s32 @!p0 $0x100000, s0  }
0x1f6: {  	[sflag:s0] =	ssyncadd.tile.s32 @!p0 $0x1;
	_ =	shalt  }
.Lfunc_end2:
_tile_overlayer_lowered:
.L_overlay_start_2:
0x1f7: {  	(tag) =	ssettag $0x2  }
0x1f8: {  	s0 =	rddreg [dreg:$0x0];
	s2 =	stileid.u32  }
0x1f9: {  	s1 =	rddreg [dreg:$0x1];
	p0 =	sne.s32 s2, $0x0  }
0x1fa: {  	s3 =	rddreg [dreg:$0x2];
	[bflag:$0x3] =	sbarrier.arrive $0xFFFF;
	s2 =	simm.s32 @!p0 $0x1C01  }
0x1fb: {  	[timem:s3], [sflag:s2] =	dma.local @!p0 [hbm:s0], s1  }
0x1fc: {  	s0 =	simm.s32 @!p0 $0x1  }
0x1fd: {  	_ =	swait.ge @!p0 [sflag:s0], s1  }
0x1fe: {  	s1 =	ssub.s32 @!p0 $0x0, s1;
	[sflag:s0] =	ssyncset.done @!p0 $0x0  }
0x1ff: {  	[sflag:s0] =	ssyncadd.s32 @!p0 s1  }
0x200: {  	[bflag:$0x3] =	sbarrier.arrive $0xFFFF  }
0x201: {  	_ =	shalt  }

</sc_bundles>
